<compile_context>
chip_gen: v7x
topology: tpu7x:2x2x1
jax: 0.10.2.dev20260603
libtpu: 0.0.44.dev20260713+nightly
codegen_flags: <defaults>
</compile_context>

<pallas_src>
import dataclasses
import math

import jax
import jax.numpy as jnp
import numpy as np
from jax import lax
from jax.experimental import pallas as pl
from jax.experimental.pallas import tpu as pltpu
from jax.experimental.pallas import tpu_sc as plsc

_CLIP_LIMIT = 0.8
_GRID = (8, 8)
_NUM_BINS = 256

_NUM_CORES = 2
_NUM_SUBCORES = 16
_NWORKERS = _NUM_CORES * _NUM_SUBCORES
_L = 16


def _sc_mesh():
    return plsc.VectorSubcoreMesh(
        core_axis_name="c", subcore_axis_name="s",
        num_cores=_NUM_CORES, num_subcores=_NUM_SUBCORES)


def _sc_params():
    cp = pltpu.CompilerParams()
    if "needs_layout_passes" in pltpu.CompilerParams.__dataclass_fields__:
        cp = dataclasses.replace(cp, needs_layout_passes=False)
    return cp


def _make_hist_kernel(BC, th, tw, gh, gw, W):
    T = BC * gh * gw
    strips = BC * gh
    strips_per_worker = strips // _NWORKERS
    assert strips_per_worker % 2 == 0
    row = _L * _NUM_BINS
    hh = th // 2

    def body(x_hbm, hist_hbm, hb0, hb1, hv0, hv1, si0, si1, so0, so1):
        wid = lax.axis_index("s") * _NUM_CORES + lax.axis_index("c")
        lane_off = lax.iota(jnp.int32, _L)
        ones = jnp.ones((_L,), jnp.float32)
        zeros = jnp.zeros((_L,), jnp.float32)
        hbs = (hb0, hb1)
        hvs = (hv0, hv1)
        sis = (si0, si1)
        sos = (so0, so1)

        def strip_coords(s):
            return s // gh, s % gh

        def start_half(s, half):
            bc, gy = strip_coords(s)
            pltpu.async_copy(
                x_hbm.at[bc, pl.ds(gy * th + half * hh, hh)], hbs[half],
                sis[half])

        def wait_half(s, half):
            bc, gy = strip_coords(s)
            pltpu.make_async_copy(
                x_hbm.at[bc, pl.ds(gy * th + half * hh, hh)], hbs[half],
                sis[half]).wait()

        def scatter_half(half, hv):
            @pl.loop(0, W // _L)
            def _(cc):
                gx = cc * _L // tw
                gxv = lax.broadcast_in_dim(gx, (_L,), ())

                @plsc.parallel_loop(0, hh, unroll=8)
                def _(r):
                    v = hbs[half][r, pl.ds(cc * _L, _L)]
                    b = (v * float(_NUM_BINS)).astype(jnp.int32)
                    plsc.addupdate_scatter(hv, [gxv, lane_off + b * _L], ones)

        start_half(wid * strips_per_worker, 0)

        @pl.loop(0, strips_per_worker // 2)
        def _(ss):
            for ph in range(2):
                s = wid * strips_per_worker + ss * 2 + ph
                hv = hvs[ph]
                start_half(s, 1)
                @pl.when(ss >= 1)
                def _():
                    pltpu.make_async_copy(
                        hv, hist_hbm.at[pl.ds(0, gw)], sos[ph]).wait()
                for gx in range(gw):
                    @plsc.parallel_loop(0, row // _L, unroll=4)
                    def _(i, gx=gx):
                        hv[gx, pl.ds(i * _L, _L)] = zeros
                wait_half(s, 0)
                scatter_half(0, hv)
                if ph == 0:
                    start_half(s + 1, 0)
                else:
                    @pl.when(ss < strips_per_worker // 2 - 1)
                    def _():
                        start_half(s + 1, 0)
                wait_half(s, 1)
                scatter_half(1, hv)
                pltpu.async_copy(hv, hist_hbm.at[pl.ds(s * gw, gw)], sos[ph])

        for ph in range(2):
            pltpu.make_async_copy(
                hvs[ph], hist_hbm.at[pl.ds(0, gw)], sos[ph]).wait()

    return pl.kernel(
        body,
        out_type=jax.ShapeDtypeStruct((T, row), jnp.float32),
        mesh=_sc_mesh(),
        compiler_params=_sc_params(),
        scratch_types=[
            pltpu.VMEM((hh, W), jnp.float32),
            pltpu.VMEM((hh, W), jnp.float32),
            pltpu.VMEM((gw, row), jnp.float32),
            pltpu.VMEM((gw, row), jnp.float32),
            pltpu.SemaphoreType.DMA,
            pltpu.SemaphoreType.DMA,
            pltpu.SemaphoreType.DMA,
            pltpu.SemaphoreType.DMA,
        ],
    )


def _make_luts_kernel(T, pixels, gh, gw):
    max_val = float(max(_CLIP_LIMIT * pixels // _NUM_BINS, 1))
    lut_scale = (_NUM_BINS - 1) / pixels
    rows_blk = 256
    nblk = T // rows_blk
    tiles_per_img = gh * gw
    assert rows_blk % tiles_per_img == 0

    def body(h_ref, o_ref):
        hb = h_ref[...]
        rows = lax.broadcasted_iota(jnp.int32, (_L * _NUM_BINS, _NUM_BINS), 0)
        cols = lax.broadcasted_iota(jnp.int32, (_L * _NUM_BINS, _NUM_BINS), 1)
        sel = (rows // _L == cols).astype(jnp.float32)
        h = jax.lax.dot_general(
            hb, sel, (((1,), (0,)), ((), ())),
            preferred_element_type=jnp.float32)
        h = jnp.minimum(h, max_val)
        clipped = float(pixels) - jnp.sum(h, axis=1, keepdims=True)
        redist = jnp.floor(clipped * (1.0 / _NUM_BINS))
        residual = clipped - redist * float(_NUM_BINS)
        col = lax.broadcasted_iota(jnp.int32, h.shape, 1).astype(jnp.float32)
        h = h + redist + (col < residual).astype(jnp.float32)
        for k in (1, 2, 4, 8, 16, 32, 64, 128):
            z = jnp.zeros((h.shape[0], k), jnp.float32)
            h = h + jnp.concatenate([z, h[:, :_NUM_BINS - k]], axis=1)
        lut = jnp.floor(jnp.clip(h * lut_scale, 0.0, float(_NUM_BINS - 1)))
        lut = lut * (1.0 / float(_NUM_BINS - 1))
        bots = []
        for g in range(rows_blk // tiles_per_img):
            grp = lut[g * tiles_per_img:(g + 1) * tiles_per_img]
            bots.append(jnp.concatenate(
                [grp[gw:], grp[tiles_per_img - gw:]], axis=0))
        bot = jnp.concatenate(bots, axis=0)
        t16 = lax.bitcast_convert_type(lut.astype(jnp.bfloat16), jnp.uint16)
        b16 = lax.bitcast_convert_type(bot.astype(jnp.bfloat16), jnp.uint16)
        packed = (t16.astype(jnp.uint32) << 16) | b16.astype(jnp.uint32)
        o_ref[...] = lax.bitcast_convert_type(packed, jnp.int32)

    return pl.pallas_call(
        body,
        grid=(nblk,),
        in_specs=[pl.BlockSpec((rows_blk, _L * _NUM_BINS), lambda i: (i, 0))],
        out_specs=pl.BlockSpec((rows_blk, _NUM_BINS), lambda i: (i, 0)),
        out_shape=jax.ShapeDtypeStruct((T, _NUM_BINS), jnp.int32),
    )


def _make_apply_kernel(BC, H, W, th, tw, gh, gw):
    rows_blk = 32
    ntasks = BC * (H // rows_blk)
    tasks_per_worker = ntasks // _NWORKERS
    assert tasks_per_worker % 2 == 0
    blocks_per_img = H // rows_blk
    slab = gh * gw * _NUM_BINS

    def body(x_hbm, luts_hbm, y0e_hbm, wye_hbm,
             x0c_hbm, dxc_hbm, wxc_hbm, out_hbm,
             xv0, xv1, lutv, ov0, ov1,
             y0v, wyv, x0v, dxv, wxv,
             sx0, sx1, sl, so0, so1):
        wid = lax.axis_index("s") * _NUM_CORES + lax.axis_index("c")
        pltpu.sync_copy(y0e_hbm, y0v)
        pltpu.sync_copy(wye_hbm, wyv)
        pltpu.sync_copy(x0c_hbm, x0v)
        pltpu.sync_copy(dxc_hbm, dxv)
        pltpu.sync_copy(wxc_hbm, wxv)

        xvs = (xv0, xv1)
        ovs = (ov0, ov1)
        sxs = (sx0, sx1)
        sos = (so0, so1)

        def task_coords(t):
            return t // blocks_per_img, (t % blocks_per_img) * rows_blk

        def start_in(t, ph):
            bc, r0 = task_coords(t)
            pltpu.async_copy(x_hbm.at[bc, pl.ds(r0, rows_blk)], xvs[ph],
                             sxs[ph])

        start_in(wid * tasks_per_worker, 0)

        @pl.loop(0, tasks_per_worker // 2, init_carry=jnp.int32(-1))
        def _(jj, bcp):
            for ph in range(2):
                jt = jj * 2 + ph
                t = wid * tasks_per_worker + jt
                bc, r0 = task_coords(t)
                if ph == 0:
                    start_in(t + 1, 1)
                else:
                    @pl.when(jj < tasks_per_worker // 2 - 1)
                    def _():
                        start_in(t + 1, 0)
                @pl.when(bc != bcp)
                def _():
                    pltpu.async_copy(luts_hbm.at[bc], lutv, sl).wait()
                bcp = bc
                pltpu.make_async_copy(
                    x_hbm.at[bc, pl.ds(r0, rows_blk)], xvs[ph],
                    sxs[ph]).wait()
                @pl.when(jj >= 1)
                def _():
                    pltpu.make_async_copy(
                        ovs[ph], out_hbm.at[bc, pl.ds(r0, rows_blk)],
                        sos[ph]).wait()

                xvp, lutvp, ovp = xvs[ph], lutv, ovs[ph]

                @pl.loop(0, rows_blk)
                def _(rl):
                    rg = r0 + rl
                    yo0 = y0v[pl.ds(rg * _L, _L)]
                    wyr = wyv[pl.ds(rg * _L, _L)]

                    @plsc.parallel_loop(0, W // _L, unroll=8)
                    def _(cc):
                        co = cc * _L
                        xx = xvp[rl, pl.ds(co, _L)]
                        xo0 = x0v[pl.ds(co, _L)]
                        dxr = dxv[pl.ds(co, _L)]
                        wxr = wxv[pl.ds(co, _L)]
                        b = (xx * float(_NUM_BINS - 1)).astype(jnp.int32)
                        iA = b + yo0 + xo0
                        iB = iA + dxr
                        gA = plsc.load_gather(lutvp, [iA])
                        gB = plsc.load_gather(lutvp, [iB])
                        hi = jnp.int32(-65536)
                        v00 = plsc.bitcast(gA & hi, jnp.float32)
                        v10 = plsc.bitcast(gA << 16, jnp.float32)
                        v01 = plsc.bitcast(gB & hi, jnp.float32)
                        v11 = plsc.bitcast(gB << 16, jnp.float32)
                        top = v00 + wxr * (v01 - v00)
                        bot = v10 + wxr * (v11 - v10)
                        o = top + wyr * (bot - top)
                        ovp[rl, pl.ds(co, _L)] = o

                pltpu.async_copy(
                    ovp, out_hbm.at[bc, pl.ds(r0, rows_blk)], sos[ph])
            return bcp

        for ph in range(2):
            pltpu.make_async_copy(
                ovs[ph], out_hbm.at[0, pl.ds(0, rows_blk)], sos[ph]).wait()

    return pl.kernel(
        body,
        out_type=jax.ShapeDtypeStruct((BC, H, W), jnp.float32),
        mesh=_sc_mesh(),
        compiler_params=_sc_params(),
        scratch_types=[
            pltpu.VMEM((rows_blk, W), jnp.float32),
            pltpu.VMEM((rows_blk, W), jnp.float32),
            pltpu.VMEM((slab,), jnp.int32),
            pltpu.VMEM((rows_blk, W), jnp.float32),
            pltpu.VMEM((rows_blk, W), jnp.float32),
            pltpu.VMEM((H * _L,), jnp.int32),
            pltpu.VMEM((H * _L,), jnp.float32),
            pltpu.VMEM((W,), jnp.int32),
            pltpu.VMEM((W,), jnp.int32),
            pltpu.VMEM((W,), jnp.float32),
            pltpu.SemaphoreType.DMA,
            pltpu.SemaphoreType.DMA,
            pltpu.SemaphoreType.DMA,
            pltpu.SemaphoreType.DMA,
            pltpu.SemaphoreType.DMA,
        ],
    )


def kernel(x):
    B, C, H, W = x.shape
    gh, gw = _GRID
    th = math.ceil(H / gh)
    tw = math.ceil(W / gw)
    assert th * gh == H and tw * gw == W, "padding path not needed here"
    BC = B * C
    pixels = th * tw

    fy = (np.arange(H, dtype=np.float64) + 0.5) / th - 0.5
    fx = (np.arange(W, dtype=np.float64) + 0.5) / tw - 0.5
    ty = np.clip(fy, 0.0, gh - 1.0).astype(np.float32)
    tx = np.clip(fx, 0.0, gw - 1.0).astype(np.float32)
    y0 = np.floor(ty).astype(np.int32)
    x0 = np.floor(tx).astype(np.int32)
    y1 = np.minimum(y0 + 1, gh - 1)
    x1 = np.minimum(x0 + 1, gw - 1)
    wy = (ty - y0).astype(np.float32)
    wx = (tx - x0).astype(np.float32)
    y0e = jnp.asarray(
        np.repeat((y0 * gw * _NUM_BINS)[:, None], _L, axis=1).reshape(-1))
    wye = jnp.asarray(np.repeat(wy[:, None], _L, axis=1).reshape(-1))
    x0c = jnp.asarray(x0 * _NUM_BINS)
    dxc = jnp.asarray((x1 - x0) * _NUM_BINS)
    wxc = jnp.asarray(wx)

    x3 = x.reshape(BC, H, W)
    hist = _make_hist_kernel(BC, th, tw, gh, gw, W)(x3)
    luts = _make_luts_kernel(BC * gh * gw, pixels, gh, gw)(hist)
    luts2 = luts.reshape(BC, gh * gw * _NUM_BINS)
    out3 = _make_apply_kernel(BC, H, W, th, tw, gh, gw)(
        x3, luts2, y0e, wye, x0c, dxc, wxc)
    return out3.reshape(B, C, H, W)

# --- scband reference (transcript-rebuilt; emitter-appended) ---
"""Pipeline reference for scband-clahe-6416681140825 (READ-ONLY COPY).

The authoritative reference and input builder live on the scoring server;
editing this copy changes nothing except your own understanding.
"""

import jax, jax.numpy as jnp
import numpy as np
import math

CLIP_LIMIT = 0.8
GRID = (8, 8)
NUM_BINS = 256


def setup_inputs(seed: int = 0) -> dict:
    key = jax.random.key(seed)
    x = jax.random.uniform(key, (16, 3, 512, 512), dtype=jnp.float32)
    return {"x": x}


def _clahe(x, clip_limit, grid):
    B, C, H, W = x.shape
    gh, gw = grid
    th = math.ceil(H / gh)
    tw = math.ceil(W / gw)
    pad_v = th * gh - H
    pad_h = tw * gw - W
    if pad_v > 0 or pad_h > 0:
        x_p = jnp.pad(x, ((0, 0), (0, 0), (0, pad_v), (0, pad_h)), mode='reflect')
    else:
        x_p = x
    Hp, Wp = th * gh, tw * gw
    # ---- per-tile histograms (torch.histc semantics: 256 bins over [0,1]) ----
    xs = jax.lax.stop_gradient(x_p)  # histogram/index path carries no gradient (piecewise constant)
    tiles = xs.reshape(B, C, gh, th, gw, tw).transpose(0, 2, 4, 1, 3, 5)  # B,gh,gw,C,th,tw
    pixels = th * tw
    T = B * gh * gw * C
    tflat = tiles.reshape(T, pixels)
    hidx = jnp.clip(jnp.floor(tflat * NUM_BINS).astype(jnp.int32), 0, NUM_BINS - 1)
    flat = (hidx + jnp.arange(T, dtype=jnp.int32)[:, None] * NUM_BINS).reshape(-1)
    histos = jnp.bincount(flat, length=T * NUM_BINS).astype(jnp.float32).reshape(T, NUM_BINS)
    # ---- clip + redistribute (kornia _compute_luts) ----
    if clip_limit > 0.0:
        max_val = max(clip_limit * pixels // NUM_BINS, 1)
        histos = jnp.minimum(histos, max_val)
        clipped = pixels - histos.sum(axis=1)
        residual = jnp.remainder(clipped, NUM_BINS)
        redist = (clipped - residual) / NUM_BINS
        histos = histos + redist[:, None]
        v_range = jnp.arange(NUM_BINS)
        histos = histos + (v_range[None, :] < residual[:, None]).astype(histos.dtype)
    lut_scale = (NUM_BINS - 1) / pixels
    luts = jnp.cumsum(histos, axis=1) * lut_scale
    luts = jnp.floor(jnp.clip(luts, 0, NUM_BINS - 1))
    luts = luts.reshape(B, gh, gw, C, NUM_BINS)
    # ---- per-pixel bilinear interpolation between the 4 surrounding tile LUTs ----
    fy = (jnp.arange(Hp, dtype=jnp.float32) + 0.5) / th - 0.5
    fx = (jnp.arange(Wp, dtype=jnp.float32) + 0.5) / tw - 0.5
    ty = jnp.clip(fy, 0.0, gh - 1.0)
    tx = jnp.clip(fx, 0.0, gw - 1.0)
    y0 = jnp.floor(ty).astype(jnp.int32)
    x0 = jnp.floor(tx).astype(jnp.int32)
    y1 = jnp.minimum(y0 + 1, gh - 1)
    x1 = jnp.minimum(x0 + 1, gw - 1)
    wy = ty - y0.astype(jnp.float32)
    wx = tx - x0.astype(jnp.float32)
    # kornia gathers with (x*255).long()
    bins = jnp.clip(jnp.floor(xs * 255.0).astype(jnp.int32), 0, NUM_BINS - 1)  # B,C,Hp,Wp
    bi = jnp.arange(B)[:, None, None, None]
    ci = jnp.arange(C)[None, :, None, None]
    Y0 = y0[None, None, :, None]; Y1 = y1[None, None, :, None]
    X0 = x0[None, None, None, :]; X1 = x1[None, None, None, :]
    v00 = luts[bi, Y0, X0, ci, bins]
    v01 = luts[bi, Y0, X1, ci, bins]
    v10 = luts[bi, Y1, X0, ci, bins]
    v11 = luts[bi, Y1, X1, ci, bins]
    WY = wy[None, None, :, None]
    WX = wx[None, None, None, :]
    out = ((1.0 - WY) * (1.0 - WX) * v00 + (1.0 - WY) * WX * v01
           + WY * (1.0 - WX) * v10 + WY * WX * v11) / 255.0
    return out[:, :, :H, :W]


def reference(x):
    return _clahe(x, CLIP_LIMIT, GRID)

if __name__ == "__main__":
    import jax
    _d = setup_inputs()
    print(jax.jit(kernel)(*tuple(_d.values())))

</pallas_src>

<mosaic_0001>
#map = affine_map<(d0, d1) -> (0, 0, 0)>
#map1 = affine_map<(d0, d1) -> (0, 0)>
#map2 = affine_map<(d0, d1) -> (0)>
module attributes {stable_mosaic.version = 14 : i64} {
  func.func @body(%arg0: i32, %arg1: i32, %arg2: memref<48x512x512xf32, #tpu.memory_space<hbm>>, %arg3: memref<48x16384xi32, #tpu.memory_space<hbm>>, %arg4: memref<8192xi32, #tpu.memory_space<hbm>>, %arg5: memref<8192xf32, #tpu.memory_space<hbm>>, %arg6: memref<512xi32, #tpu.memory_space<hbm>>, %arg7: memref<512xi32, #tpu.memory_space<hbm>>, %arg8: memref<512xf32, #tpu.memory_space<hbm>>, %arg9: memref<48x512x512xf32, #tpu.memory_space<hbm>>, %arg10: memref<32x512xf32, #tpu.memory_space<vmem>>, %arg11: memref<32x512xf32, #tpu.memory_space<vmem>>, %arg12: memref<16384xi32, #tpu.memory_space<vmem>>, %arg13: memref<32x512xf32, #tpu.memory_space<vmem>>, %arg14: memref<32x512xf32, #tpu.memory_space<vmem>>, %arg15: memref<8192xi32, #tpu.memory_space<vmem>>, %arg16: memref<8192xf32, #tpu.memory_space<vmem>>, %arg17: memref<512xi32, #tpu.memory_space<vmem>>, %arg18: memref<512xi32, #tpu.memory_space<vmem>>, %arg19: memref<512xf32, #tpu.memory_space<vmem>>, %arg20: memref<!tpu.dma_semaphore, #tpu.memory_space<semaphore_mem>>, %arg21: memref<!tpu.dma_semaphore, #tpu.memory_space<semaphore_mem>>, %arg22: memref<!tpu.dma_semaphore, #tpu.memory_space<semaphore_mem>>, %arg23: memref<!tpu.dma_semaphore, #tpu.memory_space<semaphore_mem>>, %arg24: memref<!tpu.dma_semaphore, #tpu.memory_space<semaphore_mem>>) attributes {dimension_semantics = [#tpu.dimension_semantics<core_parallel>, #tpu.dimension_semantics<subcore_parallel>], iteration_bounds = array<i64: 2, 16>, scalar_prefetch = 0 : i64, scratch_operands = 15 : i64, tpu.core_type = #tpu.core_type<sc_vector_subcore>, window_params = [{transform_indices = #map}, {transform_indices = #map1}, {transform_indices = #map2}, {transform_indices = #map2}, {transform_indices = #map2}, {transform_indices = #map2}, {transform_indices = #map2}, {transform_indices = #map}]} {
    %mul3A = arith.constant 2 : i32
    %mul3A_0 = arith.muli %arg1, %mul3A : i32
    %add3A = arith.addi %mul3A_0, %arg0 : i32
    "tpu.region"() ({
      %run_scoped3A = tpu.sem_alloc : memref<!tpu.dma_semaphore, #tpu.memory_space<semaphore_mem>>
      tpu.enqueue_dma source(%arg4 : memref<8192xi32, #tpu.memory_space<hbm>>) target(%arg15 : memref<8192xi32, #tpu.memory_space<vmem>>) target_semaphore(%run_scoped3A : memref<!tpu.dma_semaphore, #tpu.memory_space<semaphore_mem>>)
      tpu.wait_dma2 semaphore(%run_scoped3A : memref<!tpu.dma_semaphore, #tpu.memory_space<semaphore_mem>>) src(%arg4 : memref<8192xi32, #tpu.memory_space<hbm>>) dst(%arg15 : memref<8192xi32, #tpu.memory_space<vmem>>)
      tpu.yield
    }) : () -> ()
    "tpu.region"() ({
      %run_scoped3A = tpu.sem_alloc : memref<!tpu.dma_semaphore, #tpu.memory_space<semaphore_mem>>
      tpu.enqueue_dma source(%arg5 : memref<8192xf32, #tpu.memory_space<hbm>>) target(%arg16 : memref<8192xf32, #tpu.memory_space<vmem>>) target_semaphore(%run_scoped3A : memref<!tpu.dma_semaphore, #tpu.memory_space<semaphore_mem>>)
      tpu.wait_dma2 semaphore(%run_scoped3A : memref<!tpu.dma_semaphore, #tpu.memory_space<semaphore_mem>>) src(%arg5 : memref<8192xf32, #tpu.memory_space<hbm>>) dst(%arg16 : memref<8192xf32, #tpu.memory_space<vmem>>)
      tpu.yield
    }) : () -> ()
    "tpu.region"() ({
      %run_scoped3A = tpu.sem_alloc : memref<!tpu.dma_semaphore, #tpu.memory_space<semaphore_mem>>
      tpu.enqueue_dma source(%arg6 : memref<512xi32, #tpu.memory_space<hbm>>) target(%arg17 : memref<512xi32, #tpu.memory_space<vmem>>) target_semaphore(%run_scoped3A : memref<!tpu.dma_semaphore, #tpu.memory_space<semaphore_mem>>)
      tpu.wait_dma2 semaphore(%run_scoped3A : memref<!tpu.dma_semaphore, #tpu.memory_space<semaphore_mem>>) src(%arg6 : memref<512xi32, #tpu.memory_space<hbm>>) dst(%arg17 : memref<512xi32, #tpu.memory_space<vmem>>)
      tpu.yield
    }) : () -> ()
    "tpu.region"() ({
      %run_scoped3A = tpu.sem_alloc : memref<!tpu.dma_semaphore, #tpu.memory_space<semaphore_mem>>
      tpu.enqueue_dma source(%arg7 : memref<512xi32, #tpu.memory_space<hbm>>) target(%arg18 : memref<512xi32, #tpu.memory_space<vmem>>) target_semaphore(%run_scoped3A : memref<!tpu.dma_semaphore, #tpu.memory_space<semaphore_mem>>)
      tpu.wait_dma2 semaphore(%run_scoped3A : memref<!tpu.dma_semaphore, #tpu.memory_space<semaphore_mem>>) src(%arg7 : memref<512xi32, #tpu.memory_space<hbm>>) dst(%arg18 : memref<512xi32, #tpu.memory_space<vmem>>)
      tpu.yield
    }) : () -> ()
    "tpu.region"() ({
      %run_scoped3A = tpu.sem_alloc : memref<!tpu.dma_semaphore, #tpu.memory_space<semaphore_mem>>
      tpu.enqueue_dma source(%arg8 : memref<512xf32, #tpu.memory_space<hbm>>) target(%arg19 : memref<512xf32, #tpu.memory_space<vmem>>) target_semaphore(%run_scoped3A : memref<!tpu.dma_semaphore, #tpu.memory_space<semaphore_mem>>)
      tpu.wait_dma2 semaphore(%run_scoped3A : memref<!tpu.dma_semaphore, #tpu.memory_space<semaphore_mem>>) src(%arg8 : memref<512xf32, #tpu.memory_space<hbm>>) dst(%arg19 : memref<512xf32, #tpu.memory_space<vmem>>)
      tpu.yield
    }) : () -> ()
    %mul3A_1 = arith.constant 24 : i32
    %mul3A_2 = arith.muli %add3A, %mul3A_1 : i32
    %jit3A = arith.constant 16 : i32
    %div3A = arith.divsi %mul3A_2, %jit3A : i32
    %sign3A = arith.constant 0 : i32
    %sign3A_3 = arith.cmpi sgt, %mul3A_2, %sign3A : i32
    %sign3A_4 = arith.extui %sign3A_3 : i1 to i32
    %sign3A_5 = arith.constant 0 : i32
    %sign3A_6 = arith.cmpi slt, %mul3A_2, %sign3A_5 : i32
    %sign3A_7 = arith.extui %sign3A_6 : i1 to i32
    %sign3A_8 = arith.subi %sign3A_4, %sign3A_7 : i32
    %sign3A_9 = arith.constant 0 : i32
    %sign3A_10 = arith.cmpi sgt, %jit3A, %sign3A_9 : i32
    %sign3A_11 = arith.extui %sign3A_10 : i1 to i32
    %sign3A_12 = arith.constant 0 : i32
    %sign3A_13 = arith.cmpi slt, %jit3A, %sign3A_12 : i32
    %sign3A_14 = arith.extui %sign3A_13 : i1 to i32
    %sign3A_15 = arith.subi %sign3A_11, %sign3A_14 : i32
    %ne3A = arith.cmpi ne, %sign3A_8, %sign3A_15 : i32
    %rem3A = arith.remsi %mul3A_2, %jit3A : i32
    %ne3A_16 = arith.constant 0 : i32
    %ne3A_17 = arith.cmpi ne, %rem3A, %ne3A_16 : i32
    %and3A = arith.andi %ne3A, %ne3A_17 : i1
    %sub3A = arith.constant 1 : i32
    %sub3A_18 = arith.subi %div3A, %sub3A : i32
    %select_n3A = arith.select %and3A, %sub3A_18, %div3A : i32
    %jit3A_19 = arith.constant 16 : i32
    %eq3A = arith.constant 0 : i32
    %eq3A_20 = arith.cmpi eq, %jit3A_19, %eq3A : i32
    %jit3A_21 = arith.constant 1 : i32
    %select_n3A_22 = arith.select %eq3A_20, %jit3A_21, %jit3A_19 : i32
    %rem3A_23 = arith.remsi %mul3A_2, %select_n3A_22 : i32
    %ne3A_24 = arith.constant 0 : i32
    %ne3A_25 = arith.cmpi ne, %rem3A_23, %ne3A_24 : i32
    %lt3A = arith.constant 0 : i32
    %lt3A_26 = arith.cmpi slt, %rem3A_23, %lt3A : i32
    %lt3A_27 = arith.constant 0 : i32
    %lt3A_28 = arith.cmpi slt, %select_n3A_22, %lt3A_27 : i32
    %ne3A_29 = arith.xori %lt3A_26, %lt3A_28 : i1
    %and3A_30 = arith.andi %ne3A_29, %ne3A_25 : i1
    %add3A_31 = arith.addi %rem3A_23, %select_n3A_22 : i32
    %select_n3A_32 = arith.select %and3A_30, %add3A_31, %rem3A_23 : i32
    %mul3A_33 = arith.constant 32 : i32
    %mul3A_34 = arith.muli %select_n3A_32, %mul3A_33 : i32
    %dma_start3A = arith.constant 0 : i32
    %dma_start3A_35 = tpu.memref_slice %arg2[%select_n3A, %mul3A_34, %dma_start3A] : memref<48x512x512xf32, #tpu.memory_space<hbm>> -> memref<1x32x512xf32, #tpu.memory_space<hbm>>
    %dma_start3A_36 = tpu.memref_squeeze %dma_start3A_35 : memref<1x32x512xf32, #tpu.memory_space<hbm>> -> memref<32x512xf32, #tpu.memory_space<hbm>>
    %dma_start3A_37 = arith.constant 0 : i32
    %dma_start3A_38 = tpu.memref_slice %arg2[%select_n3A, %mul3A_34, %dma_start3A_37] : memref<48x512x512xf32, #tpu.memory_space<hbm>> -> memref<1x32x512xf32, #tpu.memory_space<hbm>>
    %dma_start3A_39 = tpu.memref_squeeze %dma_start3A_38 : memref<1x32x512xf32, #tpu.memory_space<hbm>> -> memref<32x512xf32, #tpu.memory_space<hbm>>
    tpu.enqueue_dma source(%dma_start3A_39 : memref<32x512xf32, #tpu.memory_space<hbm>>) target(%arg10 : memref<32x512xf32, #tpu.memory_space<vmem>>) target_semaphore(%arg20 : memref<!tpu.dma_semaphore, #tpu.memory_space<semaphore_mem>>)
    %scan3A = arith.constant -1 : i32
    %scan3A_40 = arith.constant 0 : i32
    %scan3A_41 = arith.constant 12 : i32
    %scan3A_42 = arith.addi %scan3A_40, %scan3A_41 : i32
    %scan3A_43 = arith.constant 1 : i32
    %scan3A_44 = scf.for %scan3A_63 = %scan3A_40 to %scan3A_42 step %scan3A_43 iter_args(%scan3A_64 = %scan3A) -> (i32)  : i32 {
      %mul3A_65 = arith.constant 1 : i32
      %mul3A_66 = arith.muli %scan3A_63, %mul3A_65 : i32
      %add3A_67 = arith.constant 0 : i32
      %add3A_68 = arith.addi %add3A_67, %mul3A_66 : i32
      %mul3A_69 = arith.constant 2 : i32
      %mul3A_70 = arith.muli %add3A_68, %mul3A_69 : i32
      %add3A_71 = arith.constant 0 : i32
      %add3A_72 = arith.addi %mul3A_70, %add3A_71 : i32
      %mul3A_73 = arith.constant 24 : i32
      %mul3A_74 = arith.muli %add3A, %mul3A_73 : i32
      %add3A_75 = arith.addi %mul3A_74, %add3A_72 : i32
      %jit3A_76 = arith.constant 16 : i32
      %div3A_77 = arith.divsi %add3A_75, %jit3A_76 : i32
      %sign3A_78 = arith.constant 0 : i32
      %sign3A_79 = arith.cmpi sgt, %add3A_75, %sign3A_78 : i32
      %sign3A_80 = arith.extui %sign3A_79 : i1 to i32
      %sign3A_81 = arith.constant 0 : i32
      %sign3A_82 = arith.cmpi slt, %add3A_75, %sign3A_81 : i32
      %sign3A_83 = arith.extui %sign3A_82 : i1 to i32
      %sign3A_84 = arith.subi %sign3A_80, %sign3A_83 : i32
      %sign3A_85 = arith.constant 0 : i32
      %sign3A_86 = arith.cmpi sgt, %jit3A_76, %sign3A_85 : i32
      %sign3A_87 = arith.extui %sign3A_86 : i1 to i32
      %sign3A_88 = arith.constant 0 : i32
      %sign3A_89 = arith.cmpi slt, %jit3A_76, %sign3A_88 : i32
      %sign3A_90 = arith.extui %sign3A_89 : i1 to i32
      %sign3A_91 = arith.subi %sign3A_87, %sign3A_90 : i32
      %ne3A_92 = arith.cmpi ne, %sign3A_84, %sign3A_91 : i32
      %rem3A_93 = arith.remsi %add3A_75, %jit3A_76 : i32
      %ne3A_94 = arith.constant 0 : i32
      %ne3A_95 = arith.cmpi ne, %rem3A_93, %ne3A_94 : i32
      %and3A_96 = arith.andi %ne3A_92, %ne3A_95 : i1
      %sub3A_97 = arith.constant 1 : i32
      %sub3A_98 = arith.subi %div3A_77, %sub3A_97 : i32
      %select_n3A_99 = arith.select %and3A_96, %sub3A_98, %div3A_77 : i32
      %jit3A_100 = arith.constant 16 : i32
      %eq3A_101 = arith.constant 0 : i32
      %eq3A_102 = arith.cmpi eq, %jit3A_100, %eq3A_101 : i32
      %jit3A_103 = arith.constant 1 : i32
      %select_n3A_104 = arith.select %eq3A_102, %jit3A_103, %jit3A_100 : i32
      %rem3A_105 = arith.remsi %add3A_75, %select_n3A_104 : i32
      %ne3A_106 = arith.constant 0 : i32
      %ne3A_107 = arith.cmpi ne, %rem3A_105, %ne3A_106 : i32
      %lt3A_108 = arith.constant 0 : i32
      %lt3A_109 = arith.cmpi slt, %rem3A_105, %lt3A_108 : i32
      %lt3A_110 = arith.constant 0 : i32
      %lt3A_111 = arith.cmpi slt, %select_n3A_104, %lt3A_110 : i32
      %ne3A_112 = arith.xori %lt3A_109, %lt3A_111 : i1
      %and3A_113 = arith.andi %ne3A_112, %ne3A_107 : i1
      %add3A_114 = arith.addi %rem3A_105, %select_n3A_104 : i32
      %select_n3A_115 = arith.select %and3A_113, %add3A_114, %rem3A_105 : i32
      %mul3A_116 = arith.constant 32 : i32
      %mul3A_117 = arith.muli %select_n3A_115, %mul3A_116 : i32
      %add3A_118 = arith.constant 1 : i32
      %add3A_119 = arith.addi %add3A_75, %add3A_118 : i32
      %jit3A_120 = arith.constant 16 : i32
      %div3A_121 = arith.divsi %add3A_119, %jit3A_120 : i32
      %sign3A_122 = arith.constant 0 : i32
      %sign3A_123 = arith.cmpi sgt, %add3A_119, %sign3A_122 : i32
      %sign3A_124 = arith.extui %sign3A_123 : i1 to i32
      %sign3A_125 = arith.constant 0 : i32
      %sign3A_126 = arith.cmpi slt, %add3A_119, %sign3A_125 : i32
      %sign3A_127 = arith.extui %sign3A_126 : i1 to i32
      %sign3A_128 = arith.subi %sign3A_124, %sign3A_127 : i32
      %sign3A_129 = arith.constant 0 : i32
      %sign3A_130 = arith.cmpi sgt, %jit3A_120, %sign3A_129 : i32
      %sign3A_131 = arith.extui %sign3A_130 : i1 to i32
      %sign3A_132 = arith.constant 0 : i32
      %sign3A_133 = arith.cmpi slt, %jit3A_120, %sign3A_132 : i32
      %sign3A_134 = arith.extui %sign3A_133 : i1 to i32
      %sign3A_135 = arith.subi %sign3A_131, %sign3A_134 : i32
      %ne3A_136 = arith.cmpi ne, %sign3A_128, %sign3A_135 : i32
      %rem3A_137 = arith.remsi %add3A_119, %jit3A_120 : i32
      %ne3A_138 = arith.constant 0 : i32
      %ne3A_139 = arith.cmpi ne, %rem3A_137, %ne3A_138 : i32
      %and3A_140 = arith.andi %ne3A_136, %ne3A_139 : i1
      %sub3A_141 = arith.constant 1 : i32
      %sub3A_142 = arith.subi %div3A_121, %sub3A_141 : i32
      %select_n3A_143 = arith.select %and3A_140, %sub3A_142, %div3A_121 : i32
      %jit3A_144 = arith.constant 16 : i32
      %eq3A_145 = arith.constant 0 : i32
      %eq3A_146 = arith.cmpi eq, %jit3A_144, %eq3A_145 : i32
      %jit3A_147 = arith.constant 1 : i32
      %select_n3A_148 = arith.select %eq3A_146, %jit3A_147, %jit3A_144 : i32
      %rem3A_149 = arith.remsi %add3A_119, %select_n3A_148 : i32
      %ne3A_150 = arith.constant 0 : i32
      %ne3A_151 = arith.cmpi ne, %rem3A_149, %ne3A_150 : i32
      %lt3A_152 = arith.constant 0 : i32
      %lt3A_153 = arith.cmpi slt, %rem3A_149, %lt3A_152 : i32
      %lt3A_154 = arith.constant 0 : i32
      %lt3A_155 = arith.cmpi slt, %select_n3A_148, %lt3A_154 : i32
      %ne3A_156 = arith.xori %lt3A_153, %lt3A_155 : i1
      %and3A_157 = arith.andi %ne3A_156, %ne3A_151 : i1
      %add3A_158 = arith.addi %rem3A_149, %select_n3A_148 : i32
      %select_n3A_159 = arith.select %and3A_157, %add3A_158, %rem3A_149 : i32
      %mul3A_160 = arith.constant 32 : i32
      %mul3A_161 = arith.muli %select_n3A_159, %mul3A_160 : i32
      %dma_start3A_162 = arith.constant 0 : i32
      %dma_start3A_163 = tpu.memref_slice %arg2[%select_n3A_143, %mul3A_161, %dma_start3A_162] : memref<48x512x512xf32, #tpu.memory_space<hbm>> -> memref<1x32x512xf32, #tpu.memory_space<hbm>>
      %dma_start3A_164 = tpu.memref_squeeze %dma_start3A_163 : memref<1x32x512xf32, #tpu.memory_space<hbm>> -> memref<32x512xf32, #tpu.memory_space<hbm>>
      %dma_start3A_165 = arith.constant 0 : i32
      %dma_start3A_166 = tpu.memref_slice %arg2[%select_n3A_143, %mul3A_161, %dma_start3A_165] : memref<48x512x512xf32, #tpu.memory_space<hbm>> -> memref<1x32x512xf32, #tpu.memory_space<hbm>>
      %dma_start3A_167 = tpu.memref_squeeze %dma_start3A_166 : memref<1x32x512xf32, #tpu.memory_space<hbm>> -> memref<32x512xf32, #tpu.memory_space<hbm>>
      tpu.enqueue_dma source(%dma_start3A_167 : memref<32x512xf32, #tpu.memory_space<hbm>>) target(%arg11 : memref<32x512xf32, #tpu.memory_space<vmem>>) target_semaphore(%arg21 : memref<!tpu.dma_semaphore, #tpu.memory_space<semaphore_mem>>)
      %ne3A_168 = arith.cmpi ne, %select_n3A_99, %scan3A_64 : i32
      %convert_element_type3A = arith.extui %ne3A_168 : i1 to i32
      %cond3A = arith.constant 0 : i32
      %cond3A_169 = arith.cmpi ne, %convert_element_type3A, %cond3A : i32
      scf.if %cond3A_169 {
        %dma_start3A_271 = arith.constant 0 : i32
        %dma_start3A_272 = tpu.memref_slice %arg3[%select_n3A_99, %dma_start3A_271] : memref<48x16384xi32, #tpu.memory_space<hbm>> -> memref<1x16384xi32, #tpu.memory_space<hbm>>
        %dma_start3A_273 = tpu.memref_squeeze %dma_start3A_272 : memref<1x16384xi32, #tpu.memory_space<hbm>> -> memref<16384xi32, #tpu.memory_space<hbm>>
        %dma_start3A_274 = arith.constant 0 : i32
        %dma_start3A_275 = tpu.memref_slice %arg3[%select_n3A_99, %dma_start3A_274] : memref<48x16384xi32, #tpu.memory_space<hbm>> -> memref<1x16384xi32, #tpu.memory_space<hbm>>
        %dma_start3A_276 = tpu.memref_squeeze %dma_start3A_275 : memref<1x16384xi32, #tpu.memory_space<hbm>> -> memref<16384xi32, #tpu.memory_space<hbm>>
        tpu.enqueue_dma source(%dma_start3A_276 : memref<16384xi32, #tpu.memory_space<hbm>>) target(%arg12 : memref<16384xi32, #tpu.memory_space<vmem>>) target_semaphore(%arg22 : memref<!tpu.dma_semaphore, #tpu.memory_space<semaphore_mem>>)
        %dma_wait3A_277 = arith.constant 0 : i32
        %dma_wait3A_278 = tpu.memref_slice %arg3[%select_n3A_99, %dma_wait3A_277] : memref<48x16384xi32, #tpu.memory_space<hbm>> -> memref<1x16384xi32, #tpu.memory_space<hbm>>
        %dma_wait3A_279 = tpu.memref_squeeze %dma_wait3A_278 : memref<1x16384xi32, #tpu.memory_space<hbm>> -> memref<16384xi32, #tpu.memory_space<hbm>>
        %dma_wait3A_280 = arith.constant 0 : i32
        %dma_wait3A_281 = tpu.memref_slice %arg3[%select_n3A_99, %dma_wait3A_280] : memref<48x16384xi32, #tpu.memory_space<hbm>> -> memref<1x16384xi32, #tpu.memory_space<hbm>>
        %dma_wait3A_282 = tpu.memref_squeeze %dma_wait3A_281 : memref<1x16384xi32, #tpu.memory_space<hbm>> -> memref<16384xi32, #tpu.memory_space<hbm>>
        tpu.wait_dma2 semaphore(%arg22 : memref<!tpu.dma_semaphore, #tpu.memory_space<semaphore_mem>>) src(%dma_wait3A_282 : memref<16384xi32, #tpu.memory_space<hbm>>) dst(%arg12 : memref<16384xi32, #tpu.memory_space<vmem>>)
      } else {
      }
      %dma_wait3A_170 = arith.constant 0 : i32
      %dma_wait3A_171 = tpu.memref_slice %arg2[%select_n3A_99, %mul3A_117, %dma_wait3A_170] : memref<48x512x512xf32, #tpu.memory_space<hbm>> -> memref<1x32x512xf32, #tpu.memory_space<hbm>>
      %dma_wait3A_172 = tpu.memref_squeeze %dma_wait3A_171 : memref<1x32x512xf32, #tpu.memory_space<hbm>> -> memref<32x512xf32, #tpu.memory_space<hbm>>
      %dma_wait3A_173 = arith.constant 0 : i32
      %dma_wait3A_174 = tpu.memref_slice %arg2[%select_n3A_99, %mul3A_117, %dma_wait3A_173] : memref<48x512x512xf32, #tpu.memory_space<hbm>> -> memref<1x32x512xf32, #tpu.memory_space<hbm>>
      %dma_wait3A_175 = tpu.memref_squeeze %dma_wait3A_174 : memref<1x32x512xf32, #tpu.memory_space<hbm>> -> memref<32x512xf32, #tpu.memory_space<hbm>>
      tpu.wait_dma2 semaphore(%arg20 : memref<!tpu.dma_semaphore, #tpu.memory_space<semaphore_mem>>) src(%dma_wait3A_175 : memref<32x512xf32, #tpu.memory_space<hbm>>) dst(%arg10 : memref<32x512xf32, #tpu.memory_space<vmem>>)
      %ge3A = arith.constant 1 : i32
      %ge3A_176 = arith.cmpi sge, %add3A_68, %ge3A : i32
      %convert_element_type3A_177 = arith.extui %ge3A_176 : i1 to i32
      %cond3A_178 = arith.constant 0 : i32
      %cond3A_179 = arith.cmpi ne, %convert_element_type3A_177, %cond3A_178 : i32
      scf.if %cond3A_179 {
        %dma_wait3A_271 = arith.constant 0 : i32
        %dma_wait3A_272 = tpu.memref_slice %arg9[%select_n3A_99, %mul3A_117, %dma_wait3A_271] : memref<48x512x512xf32, #tpu.memory_space<hbm>> -> memref<1x32x512xf32, #tpu.memory_space<hbm>>
        %dma_wait3A_273 = tpu.memref_squeeze %dma_wait3A_272 : memref<1x32x512xf32, #tpu.memory_space<hbm>> -> memref<32x512xf32, #tpu.memory_space<hbm>>
        %dma_wait3A_274 = arith.constant 0 : i32
        %dma_wait3A_275 = tpu.memref_slice %arg9[%select_n3A_99, %mul3A_117, %dma_wait3A_274] : memref<48x512x512xf32, #tpu.memory_space<hbm>> -> memref<1x32x512xf32, #tpu.memory_space<hbm>>
        %dma_wait3A_276 = tpu.memref_squeeze %dma_wait3A_275 : memref<1x32x512xf32, #tpu.memory_space<hbm>> -> memref<32x512xf32, #tpu.memory_space<hbm>>
        tpu.wait_dma2 semaphore(%arg23 : memref<!tpu.dma_semaphore, #tpu.memory_space<semaphore_mem>>) src(%arg13 : memref<32x512xf32, #tpu.memory_space<vmem>>) dst(%dma_wait3A_276 : memref<32x512xf32, #tpu.memory_space<hbm>>)
      } else {
      }
      %scan3A_180 = arith.constant 0 : i32
      %scan3A_181 = arith.constant 32 : i32
      %scan3A_182 = arith.addi %scan3A_180, %scan3A_181 : i32
      %scan3A_183 = arith.constant 1 : i32
      scf.for %scan3A_271 = %scan3A_180 to %scan3A_182 step %scan3A_183  : i32 {
        %mul3A_272 = arith.constant 1 : i32
        %mul3A_273 = arith.muli %scan3A_271, %mul3A_272 : i32
        %add3A_274 = arith.constant 0 : i32
        %add3A_275 = arith.addi %add3A_274, %mul3A_273 : i32
        %add3A_276 = arith.addi %mul3A_117, %add3A_275 : i32
        %mul3A_277 = arith.constant 16 : i32
        %mul3A_278 = arith.muli %add3A_276, %mul3A_277 : i32
        %get3A = arith.index_cast %mul3A_278 : i32 to index
        %get3A_279 = tpu.vector_load %arg15[%get3A] {strides = array<i32>} : memref<8192xi32, #tpu.memory_space<vmem>>, vector<16xi32>,
        %mul3A_280 = arith.constant 16 : i32
        %mul3A_281 = arith.muli %add3A_276, %mul3A_280 : i32
        %get3A_282 = arith.index_cast %mul3A_281 : i32 to index
        %get3A_283 = tpu.vector_load %arg16[%get3A_282] {strides = array<i32>} : memref<8192xf32, #tpu.memory_space<vmem>>, vector<16xf32>,
        %parallel_loop3A = arith.constant 0 : i32
        %parallel_loop3A_284 = arith.constant 32 : i32
        %parallel_loop3A_285 = arith.constant 1 : i32
        scf.for %parallel_loop3A_286 = %parallel_loop3A to %parallel_loop3A_284 step %parallel_loop3A_285  : i32 {
          %parallel_loop3A_287 = arith.constant 16 : i32
          %parallel_loop3A_288 = arith.muli %parallel_loop3A_286, %parallel_loop3A_287 : i32
          %parallel_loop3A_289 = arith.index_cast %add3A_275 : i32 to index
          %parallel_loop3A_290 = arith.index_cast %parallel_loop3A_288 : i32 to index
          %parallel_loop3A_291 = tpu.vector_load %arg10[%parallel_loop3A_289, %parallel_loop3A_290] {strides = array<i32>} : memref<32x512xf32, #tpu.memory_space<vmem>>, vector<16xf32>,
          %parallel_loop3A_292 = arith.index_cast %parallel_loop3A_288 : i32 to index
          %parallel_loop3A_293 = tpu.vector_load %arg17[%parallel_loop3A_292] {strides = array<i32>} : memref<512xi32, #tpu.memory_space<vmem>>, vector<16xi32>,
          %parallel_loop3A_294 = arith.index_cast %parallel_loop3A_288 : i32 to index
          %parallel_loop3A_295 = tpu.vector_load %arg18[%parallel_loop3A_294] {strides = array<i32>} : memref<512xi32, #tpu.memory_space<vmem>>, vector<16xi32>,
          %parallel_loop3A_296 = arith.index_cast %parallel_loop3A_288 : i32 to index
          %parallel_loop3A_297 = tpu.vector_load %arg19[%parallel_loop3A_296] {strides = array<i32>} : memref<512xf32, #tpu.memory_space<vmem>>, vector<16xf32>,
          %parallel_loop3A_298 = arith.constant 2.550000e+02 : f32
          %parallel_loop3A_299 = vector.broadcast %parallel_loop3A_298 : f32 to vector<16xf32>
          %parallel_loop3A_300 = arith.mulf %parallel_loop3A_291, %parallel_loop3A_299 : vector<16xf32>
          %parallel_loop3A_301 = arith.fptosi %parallel_loop3A_300 : vector<16xf32> to vector<16xi32>
          %parallel_loop3A_302 = arith.addi %parallel_loop3A_301, %get3A_279 : vector<16xi32>
          %parallel_loop3A_303 = arith.addi %parallel_loop3A_302, %parallel_loop3A_293 : vector<16xi32>
          %parallel_loop3A_304 = arith.addi %parallel_loop3A_303, %parallel_loop3A_295 : vector<16xi32>
          %parallel_loop3A_305 = tpu.vector_load_idx %arg12[%parallel_loop3A_303] : memref<16384xi32, #tpu.memory_space<vmem>>[vector<16xi32>], vector<16xi32>,
          %parallel_loop3A_306 = tpu.vector_load_idx %arg12[%parallel_loop3A_304] : memref<16384xi32, #tpu.memory_space<vmem>>[vector<16xi32>], vector<16xi32>,
          %parallel_loop3A_307 = arith.constant -65536 : i32
          %parallel_loop3A_308 = vector.broadcast %parallel_loop3A_307 : i32 to vector<16xi32>
          %parallel_loop3A_309 = arith.andi %parallel_loop3A_305, %parallel_loop3A_308 : vector<16xi32>
          %parallel_loop3A_310 = vector.bitcast %parallel_loop3A_309 : vector<16xi32> to vector<16xf32>
          %parallel_loop3A_311 = arith.constant 16 : i32
          %parallel_loop3A_312 = vector.broadcast %parallel_loop3A_311 : i32 to vector<16xi32>
          %parallel_loop3A_313 = arith.shli %parallel_loop3A_305, %parallel_loop3A_312 : vector<16xi32>
          %parallel_loop3A_314 = vector.bitcast %parallel_loop3A_313 : vector<16xi32> to vector<16xf32>
          %parallel_loop3A_315 = arith.constant -65536 : i32
          %parallel_loop3A_316 = vector.broadcast %parallel_loop3A_315 : i32 to vector<16xi32>
          %parallel_loop3A_317 = arith.andi %parallel_loop3A_306, %parallel_loop3A_316 : vector<16xi32>
          %parallel_loop3A_318 = vector.bitcast %parallel_loop3A_317 : vector<16xi32> to vector<16xf32>
          %parallel_loop3A_319 = arith.constant 16 : i32
          %parallel_loop3A_320 = vector.broadcast %parallel_loop3A_319 : i32 to vector<16xi32>
          %parallel_loop3A_321 = arith.shli %parallel_loop3A_306, %parallel_loop3A_320 : vector<16xi32>
          %parallel_loop3A_322 = vector.bitcast %parallel_loop3A_321 : vector<16xi32> to vector<16xf32>
          %parallel_loop3A_323 = arith.subf %parallel_loop3A_318, %parallel_loop3A_310 : vector<16xf32>
          %parallel_loop3A_324 = arith.mulf %parallel_loop3A_297, %parallel_loop3A_323 : vector<16xf32>
          %parallel_loop3A_325 = arith.addf %parallel_loop3A_310, %parallel_loop3A_324 : vector<16xf32>
          %parallel_loop3A_326 = arith.subf %parallel_loop3A_322, %parallel_loop3A_314 : vector<16xf32>
          %parallel_loop3A_327 = arith.mulf %parallel_loop3A_297, %parallel_loop3A_326 : vector<16xf32>
          %parallel_loop3A_328 = arith.addf %parallel_loop3A_314, %parallel_loop3A_327 : vector<16xf32>
          %parallel_loop3A_329 = arith.subf %parallel_loop3A_328, %parallel_loop3A_325 : vector<16xf32>
          %parallel_loop3A_330 = arith.mulf %get3A_283, %parallel_loop3A_329 : vector<16xf32>
          %parallel_loop3A_331 = arith.addf %parallel_loop3A_325, %parallel_loop3A_330 : vector<16xf32>
          %parallel_loop3A_332 = arith.index_cast %add3A_275 : i32 to index
          %parallel_loop3A_333 = arith.index_cast %parallel_loop3A_288 : i32 to index
          %parallel_loop3A_334 = tpu.vector_load %arg13[%parallel_loop3A_332, %parallel_loop3A_333] {strides = array<i32>} : memref<32x512xf32, #tpu.memory_space<vmem>>, vector<16xf32>,
          tpu.vector_store %arg13[%parallel_loop3A_332, %parallel_loop3A_333], %parallel_loop3A_331 {strides = array<i32>} : memref<32x512xf32, #tpu.memory_space<vmem>>, vector<16xf32>,
        } {sc.loop_unroll_factor = 8 : i64, sc.parallel_access}
      }
      %scan3A_184 = arith.constant 32 : i32
      %dma_start3A_185 = arith.constant 0 : i32
      %dma_start3A_186 = tpu.memref_slice %arg9[%select_n3A_99, %mul3A_117, %dma_start3A_185] : memref<48x512x512xf32, #tpu.memory_space<hbm>> -> memref<1x32x512xf32, #tpu.memory_space<hbm>>
      %dma_start3A_187 = tpu.memref_squeeze %dma_start3A_186 : memref<1x32x512xf32, #tpu.memory_space<hbm>> -> memref<32x512xf32, #tpu.memory_space<hbm>>
      %dma_start3A_188 = arith.constant 0 : i32
      %dma_start3A_189 = tpu.memref_slice %arg9[%select_n3A_99, %mul3A_117, %dma_start3A_188] : memref<48x512x512xf32, #tpu.memory_space<hbm>> -> memref<1x32x512xf32, #tpu.memory_space<hbm>>
      %dma_start3A_190 = tpu.memref_squeeze %dma_start3A_189 : memref<1x32x512xf32, #tpu.memory_space<hbm>> -> memref<32x512xf32, #tpu.memory_space<hbm>>
      tpu.enqueue_dma source(%arg13 : memref<32x512xf32, #tpu.memory_space<vmem>>) target(%dma_start3A_190 : memref<32x512xf32, #tpu.memory_space<hbm>>) target_semaphore(%arg23 : memref<!tpu.dma_semaphore, #tpu.memory_space<semaphore_mem>>)
      %mul3A_191 = arith.constant 2 : i32
      %mul3A_192 = arith.muli %add3A_68, %mul3A_191 : i32
      %add3A_193 = arith.constant 1 : i32
      %add3A_194 = arith.addi %mul3A_192, %add3A_193 : i32
      %mul3A_195 = arith.constant 24 : i32
      %mul3A_196 = arith.muli %add3A, %mul3A_195 : i32
      %add3A_197 = arith.addi %mul3A_196, %add3A_194 : i32
      %jit3A_198 = arith.constant 16 : i32
      %div3A_199 = arith.divsi %add3A_197, %jit3A_198 : i32
      %sign3A_200 = arith.constant 0 : i32
      %sign3A_201 = arith.cmpi sgt, %add3A_197, %sign3A_200 : i32
      %sign3A_202 = arith.extui %sign3A_201 : i1 to i32
      %sign3A_203 = arith.constant 0 : i32
      %sign3A_204 = arith.cmpi slt, %add3A_197, %sign3A_203 : i32
      %sign3A_205 = arith.extui %sign3A_204 : i1 to i32
      %sign3A_206 = arith.subi %sign3A_202, %sign3A_205 : i32
      %sign3A_207 = arith.constant 0 : i32
      %sign3A_208 = arith.cmpi sgt, %jit3A_198, %sign3A_207 : i32
      %sign3A_209 = arith.extui %sign3A_208 : i1 to i32
      %sign3A_210 = arith.constant 0 : i32
      %sign3A_211 = arith.cmpi slt, %jit3A_198, %sign3A_210 : i32
      %sign3A_212 = arith.extui %sign3A_211 : i1 to i32
      %sign3A_213 = arith.subi %sign3A_209, %sign3A_212 : i32
      %ne3A_214 = arith.cmpi ne, %sign3A_206, %sign3A_213 : i32
      %rem3A_215 = arith.remsi %add3A_197, %jit3A_198 : i32
      %ne3A_216 = arith.constant 0 : i32
      %ne3A_217 = arith.cmpi ne, %rem3A_215, %ne3A_216 : i32
      %and3A_218 = arith.andi %ne3A_214, %ne3A_217 : i1
      %sub3A_219 = arith.constant 1 : i32
      %sub3A_220 = arith.subi %div3A_199, %sub3A_219 : i32
      %select_n3A_221 = arith.select %and3A_218, %sub3A_220, %div3A_199 : i32
      %jit3A_222 = arith.constant 16 : i32
      %eq3A_223 = arith.constant 0 : i32
      %eq3A_224 = arith.cmpi eq, %jit3A_222, %eq3A_223 : i32
      %jit3A_225 = arith.constant 1 : i32
      %select_n3A_226 = arith.select %eq3A_224, %jit3A_225, %jit3A_222 : i32
      %rem3A_227 = arith.remsi %add3A_197, %select_n3A_226 : i32
      %ne3A_228 = arith.constant 0 : i32
      %ne3A_229 = arith.cmpi ne, %rem3A_227, %ne3A_228 : i32
      %lt3A_230 = arith.constant 0 : i32
      %lt3A_231 = arith.cmpi slt, %rem3A_227, %lt3A_230 : i32
      %lt3A_232 = arith.constant 0 : i32
      %lt3A_233 = arith.cmpi slt, %select_n3A_226, %lt3A_232 : i32
      %ne3A_234 = arith.xori %lt3A_231, %lt3A_233 : i1
      %and3A_235 = arith.andi %ne3A_234, %ne3A_229 : i1
      %add3A_236 = arith.addi %rem3A_227, %select_n3A_226 : i32
      %select_n3A_237 = arith.select %and3A_235, %add3A_236, %rem3A_227 : i32
      %mul3A_238 = arith.constant 32 : i32
      %mul3A_239 = arith.muli %select_n3A_237, %mul3A_238 : i32
      %lt3A_240 = arith.constant 11 : i32
      %lt3A_241 = arith.cmpi slt, %add3A_68, %lt3A_240 : i32
      %convert_element_type3A_242 = arith.extui %lt3A_241 : i1 to i32
      %cond3A_243 = arith.constant 0 : i32
      %cond3A_244 = arith.cmpi ne, %convert_element_type3A_242, %cond3A_243 : i32
      scf.if %cond3A_244 {
        %add3A_271 = arith.constant 1 : i32
        %add3A_272 = arith.addi %add3A_197, %add3A_271 : i32
        %jit3A_273 = arith.constant 16 : i32
        %div3A_274 = arith.divsi %add3A_272, %jit3A_273 : i32
        %sign3A_275 = arith.constant 0 : i32
        %sign3A_276 = arith.cmpi sgt, %add3A_272, %sign3A_275 : i32
        %sign3A_277 = arith.extui %sign3A_276 : i1 to i32
        %sign3A_278 = arith.constant 0 : i32
        %sign3A_279 = arith.cmpi slt, %add3A_272, %sign3A_278 : i32
        %sign3A_280 = arith.extui %sign3A_279 : i1 to i32
        %sign3A_281 = arith.subi %sign3A_277, %sign3A_280 : i32
        %sign3A_282 = arith.constant 0 : i32
        %sign3A_283 = arith.cmpi sgt, %jit3A_273, %sign3A_282 : i32
        %sign3A_284 = arith.extui %sign3A_283 : i1 to i32
        %sign3A_285 = arith.constant 0 : i32
        %sign3A_286 = arith.cmpi slt, %jit3A_273, %sign3A_285 : i32
        %sign3A_287 = arith.extui %sign3A_286 : i1 to i32
        %sign3A_288 = arith.subi %sign3A_284, %sign3A_287 : i32
        %ne3A_289 = arith.cmpi ne, %sign3A_281, %sign3A_288 : i32
        %rem3A_290 = arith.remsi %add3A_272, %jit3A_273 : i32
        %ne3A_291 = arith.constant 0 : i32
        %ne3A_292 = arith.cmpi ne, %rem3A_290, %ne3A_291 : i32
        %and3A_293 = arith.andi %ne3A_289, %ne3A_292 : i1
        %sub3A_294 = arith.constant 1 : i32
        %sub3A_295 = arith.subi %div3A_274, %sub3A_294 : i32
        %select_n3A_296 = arith.select %and3A_293, %sub3A_295, %div3A_274 : i32
        %jit3A_297 = arith.constant 16 : i32
        %eq3A_298 = arith.constant 0 : i32
        %eq3A_299 = arith.cmpi eq, %jit3A_297, %eq3A_298 : i32
        %jit3A_300 = arith.constant 1 : i32
        %select_n3A_301 = arith.select %eq3A_299, %jit3A_300, %jit3A_297 : i32
        %rem3A_302 = arith.remsi %add3A_272, %select_n3A_301 : i32
        %ne3A_303 = arith.constant 0 : i32
        %ne3A_304 = arith.cmpi ne, %rem3A_302, %ne3A_303 : i32
        %lt3A_305 = arith.constant 0 : i32
        %lt3A_306 = arith.cmpi slt, %rem3A_302, %lt3A_305 : i32
        %lt3A_307 = arith.constant 0 : i32
        %lt3A_308 = arith.cmpi slt, %select_n3A_301, %lt3A_307 : i32
        %ne3A_309 = arith.xori %lt3A_306, %lt3A_308 : i1
        %and3A_310 = arith.andi %ne3A_309, %ne3A_304 : i1
        %add3A_311 = arith.addi %rem3A_302, %select_n3A_301 : i32
        %select_n3A_312 = arith.select %and3A_310, %add3A_311, %rem3A_302 : i32
        %mul3A_313 = arith.constant 32 : i32
        %mul3A_314 = arith.muli %select_n3A_312, %mul3A_313 : i32
        %dma_start3A_315 = arith.constant 0 : i32
        %dma_start3A_316 = tpu.memref_slice %arg2[%select_n3A_296, %mul3A_314, %dma_start3A_315] : memref<48x512x512xf32, #tpu.memory_space<hbm>> -> memref<1x32x512xf32, #tpu.memory_space<hbm>>
        %dma_start3A_317 = tpu.memref_squeeze %dma_start3A_316 : memref<1x32x512xf32, #tpu.memory_space<hbm>> -> memref<32x512xf32, #tpu.memory_space<hbm>>
        %dma_start3A_318 = arith.constant 0 : i32
        %dma_start3A_319 = tpu.memref_slice %arg2[%select_n3A_296, %mul3A_314, %dma_start3A_318] : memref<48x512x512xf32, #tpu.memory_space<hbm>> -> memref<1x32x512xf32, #tpu.memory_space<hbm>>
        %dma_start3A_320 = tpu.memref_squeeze %dma_start3A_319 : memref<1x32x512xf32, #tpu.memory_space<hbm>> -> memref<32x512xf32, #tpu.memory_space<hbm>>
        tpu.enqueue_dma source(%dma_start3A_320 : memref<32x512xf32, #tpu.memory_space<hbm>>) target(%arg10 : memref<32x512xf32, #tpu.memory_space<vmem>>) target_semaphore(%arg20 : memref<!tpu.dma_semaphore, #tpu.memory_space<semaphore_mem>>)
      } else {
      }
      %ne3A_245 = arith.cmpi ne, %select_n3A_221, %select_n3A_99 : i32
      %convert_element_type3A_246 = arith.extui %ne3A_245 : i1 to i32
      %cond3A_247 = arith.constant 0 : i32
      %cond3A_248 = arith.cmpi ne, %convert_element_type3A_246, %cond3A_247 : i32
      scf.if %cond3A_248 {
        %dma_start3A_271 = arith.constant 0 : i32
        %dma_start3A_272 = tpu.memref_slice %arg3[%select_n3A_221, %dma_start3A_271] : memref<48x16384xi32, #tpu.memory_space<hbm>> -> memref<1x16384xi32, #tpu.memory_space<hbm>>
        %dma_start3A_273 = tpu.memref_squeeze %dma_start3A_272 : memref<1x16384xi32, #tpu.memory_space<hbm>> -> memref<16384xi32, #tpu.memory_space<hbm>>
        %dma_start3A_274 = arith.constant 0 : i32
        %dma_start3A_275 = tpu.memref_slice %arg3[%select_n3A_221, %dma_start3A_274] : memref<48x16384xi32, #tpu.memory_space<hbm>> -> memref<1x16384xi32, #tpu.memory_space<hbm>>
        %dma_start3A_276 = tpu.memref_squeeze %dma_start3A_275 : memref<1x16384xi32, #tpu.memory_space<hbm>> -> memref<16384xi32, #tpu.memory_space<hbm>>
        tpu.enqueue_dma source(%dma_start3A_276 : memref<16384xi32, #tpu.memory_space<hbm>>) target(%arg12 : memref<16384xi32, #tpu.memory_space<vmem>>) target_semaphore(%arg22 : memref<!tpu.dma_semaphore, #tpu.memory_space<semaphore_mem>>)
        %dma_wait3A_277 = arith.constant 0 : i32
        %dma_wait3A_278 = tpu.memref_slice %arg3[%select_n3A_221, %dma_wait3A_277] : memref<48x16384xi32, #tpu.memory_space<hbm>> -> memref<1x16384xi32, #tpu.memory_space<hbm>>
        %dma_wait3A_279 = tpu.memref_squeeze %dma_wait3A_278 : memref<1x16384xi32, #tpu.memory_space<hbm>> -> memref<16384xi32, #tpu.memory_space<hbm>>
        %dma_wait3A_280 = arith.constant 0 : i32
        %dma_wait3A_281 = tpu.memref_slice %arg3[%select_n3A_221, %dma_wait3A_280] : memref<48x16384xi32, #tpu.memory_space<hbm>> -> memref<1x16384xi32, #tpu.memory_space<hbm>>
        %dma_wait3A_282 = tpu.memref_squeeze %dma_wait3A_281 : memref<1x16384xi32, #tpu.memory_space<hbm>> -> memref<16384xi32, #tpu.memory_space<hbm>>
        tpu.wait_dma2 semaphore(%arg22 : memref<!tpu.dma_semaphore, #tpu.memory_space<semaphore_mem>>) src(%dma_wait3A_282 : memref<16384xi32, #tpu.memory_space<hbm>>) dst(%arg12 : memref<16384xi32, #tpu.memory_space<vmem>>)
      } else {
      }
      %dma_wait3A_249 = arith.constant 0 : i32
      %dma_wait3A_250 = tpu.memref_slice %arg2[%select_n3A_221, %mul3A_239, %dma_wait3A_249] : memref<48x512x512xf32, #tpu.memory_space<hbm>> -> memref<1x32x512xf32, #tpu.memory_space<hbm>>
      %dma_wait3A_251 = tpu.memref_squeeze %dma_wait3A_250 : memref<1x32x512xf32, #tpu.memory_space<hbm>> -> memref<32x512xf32, #tpu.memory_space<hbm>>
      %dma_wait3A_252 = arith.constant 0 : i32
      %dma_wait3A_253 = tpu.memref_slice %arg2[%select_n3A_221, %mul3A_239, %dma_wait3A_252] : memref<48x512x512xf32, #tpu.memory_space<hbm>> -> memref<1x32x512xf32, #tpu.memory_space<hbm>>
      %dma_wait3A_254 = tpu.memref_squeeze %dma_wait3A_253 : memref<1x32x512xf32, #tpu.memory_space<hbm>> -> memref<32x512xf32, #tpu.memory_space<hbm>>
      tpu.wait_dma2 semaphore(%arg21 : memref<!tpu.dma_semaphore, #tpu.memory_space<semaphore_mem>>) src(%dma_wait3A_254 : memref<32x512xf32, #tpu.memory_space<hbm>>) dst(%arg11 : memref<32x512xf32, #tpu.memory_space<vmem>>)
      %ge3A_255 = arith.constant 1 : i32
      %ge3A_256 = arith.cmpi sge, %add3A_68, %ge3A_255 : i32
      %convert_element_type3A_257 = arith.extui %ge3A_256 : i1 to i32
      %cond3A_258 = arith.constant 0 : i32
      %cond3A_259 = arith.cmpi ne, %convert_element_type3A_257, %cond3A_258 : i32
      scf.if %cond3A_259 {
        %dma_wait3A_271 = arith.constant 0 : i32
        %dma_wait3A_272 = tpu.memref_slice %arg9[%select_n3A_221, %mul3A_239, %dma_wait3A_271] : memref<48x512x512xf32, #tpu.memory_space<hbm>> -> memref<1x32x512xf32, #tpu.memory_space<hbm>>
        %dma_wait3A_273 = tpu.memref_squeeze %dma_wait3A_272 : memref<1x32x512xf32, #tpu.memory_space<hbm>> -> memref<32x512xf32, #tpu.memory_space<hbm>>
        %dma_wait3A_274 = arith.constant 0 : i32
        %dma_wait3A_275 = tpu.memref_slice %arg9[%select_n3A_221, %mul3A_239, %dma_wait3A_274] : memref<48x512x512xf32, #tpu.memory_space<hbm>> -> memref<1x32x512xf32, #tpu.memory_space<hbm>>
        %dma_wait3A_276 = tpu.memref_squeeze %dma_wait3A_275 : memref<1x32x512xf32, #tpu.memory_space<hbm>> -> memref<32x512xf32, #tpu.memory_space<hbm>>
        tpu.wait_dma2 semaphore(%arg24 : memref<!tpu.dma_semaphore, #tpu.memory_space<semaphore_mem>>) src(%arg14 : memref<32x512xf32, #tpu.memory_space<vmem>>) dst(%dma_wait3A_276 : memref<32x512xf32, #tpu.memory_space<hbm>>)
      } else {
      }
      %scan3A_260 = arith.constant 0 : i32
      %scan3A_261 = arith.constant 32 : i32
      %scan3A_262 = arith.addi %scan3A_260, %scan3A_261 : i32
      %scan3A_263 = arith.constant 1 : i32
      scf.for %scan3A_271 = %scan3A_260 to %scan3A_262 step %scan3A_263  : i32 {
        %mul3A_272 = arith.constant 1 : i32
        %mul3A_273 = arith.muli %scan3A_271, %mul3A_272 : i32
        %add3A_274 = arith.constant 0 : i32
        %add3A_275 = arith.addi %add3A_274, %mul3A_273 : i32
        %add3A_276 = arith.addi %mul3A_239, %add3A_275 : i32
        %mul3A_277 = arith.constant 16 : i32
        %mul3A_278 = arith.muli %add3A_276, %mul3A_277 : i32
        %get3A = arith.index_cast %mul3A_278 : i32 to index
        %get3A_279 = tpu.vector_load %arg15[%get3A] {strides = array<i32>} : memref<8192xi32, #tpu.memory_space<vmem>>, vector<16xi32>,
        %mul3A_280 = arith.constant 16 : i32
        %mul3A_281 = arith.muli %add3A_276, %mul3A_280 : i32
        %get3A_282 = arith.index_cast %mul3A_281 : i32 to index
        %get3A_283 = tpu.vector_load %arg16[%get3A_282] {strides = array<i32>} : memref<8192xf32, #tpu.memory_space<vmem>>, vector<16xf32>,
        %parallel_loop3A = arith.constant 0 : i32
        %parallel_loop3A_284 = arith.constant 32 : i32
        %parallel_loop3A_285 = arith.constant 1 : i32
        scf.for %parallel_loop3A_286 = %parallel_loop3A to %parallel_loop3A_284 step %parallel_loop3A_285  : i32 {
          %parallel_loop3A_287 = arith.constant 16 : i32
          %parallel_loop3A_288 = arith.muli %parallel_loop3A_286, %parallel_loop3A_287 : i32
          %parallel_loop3A_289 = arith.index_cast %add3A_275 : i32 to index
          %parallel_loop3A_290 = arith.index_cast %parallel_loop3A_288 : i32 to index
          %parallel_loop3A_291 = tpu.vector_load %arg11[%parallel_loop3A_289, %parallel_loop3A_290] {strides = array<i32>} : memref<32x512xf32, #tpu.memory_space<vmem>>, vector<16xf32>,
          %parallel_loop3A_292 = arith.index_cast %parallel_loop3A_288 : i32 to index
          %parallel_loop3A_293 = tpu.vector_load %arg17[%parallel_loop3A_292] {strides = array<i32>} : memref<512xi32, #tpu.memory_space<vmem>>, vector<16xi32>,
          %parallel_loop3A_294 = arith.index_cast %parallel_loop3A_288 : i32 to index
          %parallel_loop3A_295 = tpu.vector_load %arg18[%parallel_loop3A_294] {strides = array<i32>} : memref<512xi32, #tpu.memory_space<vmem>>, vector<16xi32>,
          %parallel_loop3A_296 = arith.index_cast %parallel_loop3A_288 : i32 to index
          %parallel_loop3A_297 = tpu.vector_load %arg19[%parallel_loop3A_296] {strides = array<i32>} : memref<512xf32, #tpu.memory_space<vmem>>, vector<16xf32>,
          %parallel_loop3A_298 = arith.constant 2.550000e+02 : f32
          %parallel_loop3A_299 = vector.broadcast %parallel_loop3A_298 : f32 to vector<16xf32>
          %parallel_loop3A_300 = arith.mulf %parallel_loop3A_291, %parallel_loop3A_299 : vector<16xf32>
          %parallel_loop3A_301 = arith.fptosi %parallel_loop3A_300 : vector<16xf32> to vector<16xi32>
          %parallel_loop3A_302 = arith.addi %parallel_loop3A_301, %get3A_279 : vector<16xi32>
          %parallel_loop3A_303 = arith.addi %parallel_loop3A_302, %parallel_loop3A_293 : vector<16xi32>
          %parallel_loop3A_304 = arith.addi %parallel_loop3A_303, %parallel_loop3A_295 : vector<16xi32>
          %parallel_loop3A_305 = tpu.vector_load_idx %arg12[%parallel_loop3A_303] : memref<16384xi32, #tpu.memory_space<vmem>>[vector<16xi32>], vector<16xi32>,
          %parallel_loop3A_306 = tpu.vector_load_idx %arg12[%parallel_loop3A_304] : memref<16384xi32, #tpu.memory_space<vmem>>[vector<16xi32>], vector<16xi32>,
          %parallel_loop3A_307 = arith.constant -65536 : i32
          %parallel_loop3A_308 = vector.broadcast %parallel_loop3A_307 : i32 to vector<16xi32>
          %parallel_loop3A_309 = arith.andi %parallel_loop3A_305, %parallel_loop3A_308 : vector<16xi32>
          %parallel_loop3A_310 = vector.bitcast %parallel_loop3A_309 : vector<16xi32> to vector<16xf32>
          %parallel_loop3A_311 = arith.constant 16 : i32
          %parallel_loop3A_312 = vector.broadcast %parallel_loop3A_311 : i32 to vector<16xi32>
          %parallel_loop3A_313 = arith.shli %parallel_loop3A_305, %parallel_loop3A_312 : vector<16xi32>
          %parallel_loop3A_314 = vector.bitcast %parallel_loop3A_313 : vector<16xi32> to vector<16xf32>
          %parallel_loop3A_315 = arith.constant -65536 : i32
          %parallel_loop3A_316 = vector.broadcast %parallel_loop3A_315 : i32 to vector<16xi32>
          %parallel_loop3A_317 = arith.andi %parallel_loop3A_306, %parallel_loop3A_316 : vector<16xi32>
          %parallel_loop3A_318 = vector.bitcast %parallel_loop3A_317 : vector<16xi32> to vector<16xf32>
          %parallel_loop3A_319 = arith.constant 16 : i32
          %parallel_loop3A_320 = vector.broadcast %parallel_loop3A_319 : i32 to vector<16xi32>
          %parallel_loop3A_321 = arith.shli %parallel_loop3A_306, %parallel_loop3A_320 : vector<16xi32>
          %parallel_loop3A_322 = vector.bitcast %parallel_loop3A_321 : vector<16xi32> to vector<16xf32>
          %parallel_loop3A_323 = arith.subf %parallel_loop3A_318, %parallel_loop3A_310 : vector<16xf32>
          %parallel_loop3A_324 = arith.mulf %parallel_loop3A_297, %parallel_loop3A_323 : vector<16xf32>
          %parallel_loop3A_325 = arith.addf %parallel_loop3A_310, %parallel_loop3A_324 : vector<16xf32>
          %parallel_loop3A_326 = arith.subf %parallel_loop3A_322, %parallel_loop3A_314 : vector<16xf32>
          %parallel_loop3A_327 = arith.mulf %parallel_loop3A_297, %parallel_loop3A_326 : vector<16xf32>
          %parallel_loop3A_328 = arith.addf %parallel_loop3A_314, %parallel_loop3A_327 : vector<16xf32>
          %parallel_loop3A_329 = arith.subf %parallel_loop3A_328, %parallel_loop3A_325 : vector<16xf32>
          %parallel_loop3A_330 = arith.mulf %get3A_283, %parallel_loop3A_329 : vector<16xf32>
          %parallel_loop3A_331 = arith.addf %parallel_loop3A_325, %parallel_loop3A_330 : vector<16xf32>
          %parallel_loop3A_332 = arith.index_cast %add3A_275 : i32 to index
          %parallel_loop3A_333 = arith.index_cast %parallel_loop3A_288 : i32 to index
          %parallel_loop3A_334 = tpu.vector_load %arg14[%parallel_loop3A_332, %parallel_loop3A_333] {strides = array<i32>} : memref<32x512xf32, #tpu.memory_space<vmem>>, vector<16xf32>,
          tpu.vector_store %arg14[%parallel_loop3A_332, %parallel_loop3A_333], %parallel_loop3A_331 {strides = array<i32>} : memref<32x512xf32, #tpu.memory_space<vmem>>, vector<16xf32>,
        } {sc.loop_unroll_factor = 8 : i64, sc.parallel_access}
      }
      %scan3A_264 = arith.constant 32 : i32
      %dma_start3A_265 = arith.constant 0 : i32
      %dma_start3A_266 = tpu.memref_slice %arg9[%select_n3A_221, %mul3A_239, %dma_start3A_265] : memref<48x512x512xf32, #tpu.memory_space<hbm>> -> memref<1x32x512xf32, #tpu.memory_space<hbm>>
      %dma_start3A_267 = tpu.memref_squeeze %dma_start3A_266 : memref<1x32x512xf32, #tpu.memory_space<hbm>> -> memref<32x512xf32, #tpu.memory_space<hbm>>
      %dma_start3A_268 = arith.constant 0 : i32
      %dma_start3A_269 = tpu.memref_slice %arg9[%select_n3A_221, %mul3A_239, %dma_start3A_268] : memref<48x512x512xf32, #tpu.memory_space<hbm>> -> memref<1x32x512xf32, #tpu.memory_space<hbm>>
      %dma_start3A_270 = tpu.memref_squeeze %dma_start3A_269 : memref<1x32x512xf32, #tpu.memory_space<hbm>> -> memref<32x512xf32, #tpu.memory_space<hbm>>
      tpu.enqueue_dma source(%arg14 : memref<32x512xf32, #tpu.memory_space<vmem>>) target(%dma_start3A_270 : memref<32x512xf32, #tpu.memory_space<hbm>>) target_semaphore(%arg24 : memref<!tpu.dma_semaphore, #tpu.memory_space<semaphore_mem>>)
      scf.yield %select_n3A_221 : i32
    }
    %scan3A_45 = arith.constant 12 : i32
    %dma_wait3A = arith.constant 0 : i32
    %dma_wait3A_46 = arith.constant 0 : i32
    %dma_wait3A_47 = arith.constant 0 : i32
    %dma_wait3A_48 = tpu.memref_slice %arg9[%dma_wait3A, %dma_wait3A_46, %dma_wait3A_47] : memref<48x512x512xf32, #tpu.memory_space<hbm>> -> memref<1x32x512xf32, #tpu.memory_space<hbm>>
    %dma_wait3A_49 = tpu.memref_squeeze %dma_wait3A_48 : memref<1x32x512xf32, #tpu.memory_space<hbm>> -> memref<32x512xf32, #tpu.memory_space<hbm>>
    %dma_wait3A_50 = arith.constant 0 : i32
    %dma_wait3A_51 = arith.constant 0 : i32
    %dma_wait3A_52 = tpu.memref_slice %arg9[%dma_wait3A, %dma_wait3A_50, %dma_wait3A_51] : memref<48x512x512xf32, #tpu.memory_space<hbm>> -> memref<1x32x512xf32, #tpu.memory_space<hbm>>
    %dma_wait3A_53 = tpu.memref_squeeze %dma_wait3A_52 : memref<1x32x512xf32, #tpu.memory_space<hbm>> -> memref<32x512xf32, #tpu.memory_space<hbm>>
    tpu.wait_dma2 semaphore(%arg23 : memref<!tpu.dma_semaphore, #tpu.memory_space<semaphore_mem>>) src(%arg13 : memref<32x512xf32, #tpu.memory_space<vmem>>) dst(%dma_wait3A_53 : memref<32x512xf32, #tpu.memory_space<hbm>>)
    %dma_wait3A_54 = arith.constant 0 : i32
    %dma_wait3A_55 = arith.constant 0 : i32
    %dma_wait3A_56 = arith.constant 0 : i32
    %dma_wait3A_57 = tpu.memref_slice %arg9[%dma_wait3A_54, %dma_wait3A_55, %dma_wait3A_56] : memref<48x512x512xf32, #tpu.memory_space<hbm>> -> memref<1x32x512xf32, #tpu.memory_space<hbm>>
    %dma_wait3A_58 = tpu.memref_squeeze %dma_wait3A_57 : memref<1x32x512xf32, #tpu.memory_space<hbm>> -> memref<32x512xf32, #tpu.memory_space<hbm>>
    %dma_wait3A_59 = arith.constant 0 : i32
    %dma_wait3A_60 = arith.constant 0 : i32
    %dma_wait3A_61 = tpu.memref_slice %arg9[%dma_wait3A_54, %dma_wait3A_59, %dma_wait3A_60] : memref<48x512x512xf32, #tpu.memory_space<hbm>> -> memref<1x32x512xf32, #tpu.memory_space<hbm>>
    %dma_wait3A_62 = tpu.memref_squeeze %dma_wait3A_61 : memref<1x32x512xf32, #tpu.memory_space<hbm>> -> memref<32x512xf32, #tpu.memory_space<hbm>>
    tpu.wait_dma2 semaphore(%arg24 : memref<!tpu.dma_semaphore, #tpu.memory_space<semaphore_mem>>) src(%arg14 : memref<32x512xf32, #tpu.memory_space<vmem>>) dst(%dma_wait3A_62 : memref<32x512xf32, #tpu.memory_space<hbm>>)
    return
  }
}

#map = affine_map<(d0, d1) -> (0, 0, 0)>
#map1 = affine_map<(d0, d1) -> (0, 0)>
module attributes {stable_mosaic.version = 14 : i64} {
  func.func @body(%arg0: i32, %arg1: i32, %arg2: memref<48x512x512xf32, #tpu.memory_space<hbm>>, %arg3: memref<3072x4096xf32, #tpu.memory_space<hbm>>, %arg4: memref<32x512xf32, #tpu.memory_space<vmem>>, %arg5: memref<32x512xf32, #tpu.memory_space<vmem>>, %arg6: memref<8x4096xf32, #tpu.memory_space<vmem>>, %arg7: memref<8x4096xf32, #tpu.memory_space<vmem>>, %arg8: memref<!tpu.dma_semaphore, #tpu.memory_space<semaphore_mem>>, %arg9: memref<!tpu.dma_semaphore, #tpu.memory_space<semaphore_mem>>, %arg10: memref<!tpu.dma_semaphore, #tpu.memory_space<semaphore_mem>>, %arg11: memref<!tpu.dma_semaphore, #tpu.memory_space<semaphore_mem>>) attributes {dimension_semantics = [#tpu.dimension_semantics<core_parallel>, #tpu.dimension_semantics<subcore_parallel>], iteration_bounds = array<i64: 2, 16>, scalar_prefetch = 0 : i64, scratch_operands = 8 : i64, tpu.core_type = #tpu.core_type<sc_vector_subcore>, window_params = [{transform_indices = #map}, {transform_indices = #map1}]} {
    %mul3A = arith.constant 2 : i32
    %mul3A_0 = arith.muli %arg1, %mul3A : i32
    %add3A = arith.addi %mul3A_0, %arg0 : i32
    %iota3A = tpu.iota {dimensions = array<i32: 0>} : vector<16xi32>
    %broadcast_in_dim3A = arith.constant 1.000000e+00 : f32
    %broadcast_in_dim3A_1 = vector.broadcast %broadcast_in_dim3A : f32 to vector<16xf32>
    %broadcast_in_dim3A_2 = arith.constant 0.000000e+00 : f32
    %broadcast_in_dim3A_3 = vector.broadcast %broadcast_in_dim3A_2 : f32 to vector<16xf32>
    %mul3A_4 = arith.constant 12 : i32
    %mul3A_5 = arith.muli %add3A, %mul3A_4 : i32
    %jit3A = arith.constant 8 : i32
    %div3A = arith.divsi %mul3A_5, %jit3A : i32
    %sign3A = arith.constant 0 : i32
    %sign3A_6 = arith.cmpi sgt, %mul3A_5, %sign3A : i32
    %sign3A_7 = arith.extui %sign3A_6 : i1 to i32
    %sign3A_8 = arith.constant 0 : i32
    %sign3A_9 = arith.cmpi slt, %mul3A_5, %sign3A_8 : i32
    %sign3A_10 = arith.extui %sign3A_9 : i1 to i32
    %sign3A_11 = arith.subi %sign3A_7, %sign3A_10 : i32
    %sign3A_12 = arith.constant 0 : i32
    %sign3A_13 = arith.cmpi sgt, %jit3A, %sign3A_12 : i32
    %sign3A_14 = arith.extui %sign3A_13 : i1 to i32
    %sign3A_15 = arith.constant 0 : i32
    %sign3A_16 = arith.cmpi slt, %jit3A, %sign3A_15 : i32
    %sign3A_17 = arith.extui %sign3A_16 : i1 to i32
    %sign3A_18 = arith.subi %sign3A_14, %sign3A_17 : i32
    %ne3A = arith.cmpi ne, %sign3A_11, %sign3A_18 : i32
    %rem3A = arith.remsi %mul3A_5, %jit3A : i32
    %ne3A_19 = arith.constant 0 : i32
    %ne3A_20 = arith.cmpi ne, %rem3A, %ne3A_19 : i32
    %and3A = arith.andi %ne3A, %ne3A_20 : i1
    %sub3A = arith.constant 1 : i32
    %sub3A_21 = arith.subi %div3A, %sub3A : i32
    %select_n3A = arith.select %and3A, %sub3A_21, %div3A : i32
    %jit3A_22 = arith.constant 8 : i32
    %eq3A = arith.constant 0 : i32
    %eq3A_23 = arith.cmpi eq, %jit3A_22, %eq3A : i32
    %jit3A_24 = arith.constant 1 : i32
    %select_n3A_25 = arith.select %eq3A_23, %jit3A_24, %jit3A_22 : i32
    %rem3A_26 = arith.remsi %mul3A_5, %select_n3A_25 : i32
    %ne3A_27 = arith.constant 0 : i32
    %ne3A_28 = arith.cmpi ne, %rem3A_26, %ne3A_27 : i32
    %lt3A = arith.constant 0 : i32
    %lt3A_29 = arith.cmpi slt, %rem3A_26, %lt3A : i32
    %lt3A_30 = arith.constant 0 : i32
    %lt3A_31 = arith.cmpi slt, %select_n3A_25, %lt3A_30 : i32
    %ne3A_32 = arith.xori %lt3A_29, %lt3A_31 : i1
    %and3A_33 = arith.andi %ne3A_32, %ne3A_28 : i1
    %add3A_34 = arith.addi %rem3A_26, %select_n3A_25 : i32
    %select_n3A_35 = arith.select %and3A_33, %add3A_34, %rem3A_26 : i32
    %mul3A_36 = arith.constant 64 : i32
    %mul3A_37 = arith.muli %select_n3A_35, %mul3A_36 : i32
    %add3A_38 = arith.constant 0 : i32
    %add3A_39 = arith.addi %mul3A_37, %add3A_38 : i32
    %dma_start3A = arith.constant 0 : i32
    %dma_start3A_40 = tpu.memref_slice %arg2[%select_n3A, %add3A_39, %dma_start3A] : memref<48x512x512xf32, #tpu.memory_space<hbm>> -> memref<1x32x512xf32, #tpu.memory_space<hbm>>
    %dma_start3A_41 = tpu.memref_squeeze %dma_start3A_40 : memref<1x32x512xf32, #tpu.memory_space<hbm>> -> memref<32x512xf32, #tpu.memory_space<hbm>>
    %dma_start3A_42 = arith.constant 0 : i32
    %dma_start3A_43 = tpu.memref_slice %arg2[%select_n3A, %add3A_39, %dma_start3A_42] : memref<48x512x512xf32, #tpu.memory_space<hbm>> -> memref<1x32x512xf32, #tpu.memory_space<hbm>>
    %dma_start3A_44 = tpu.memref_squeeze %dma_start3A_43 : memref<1x32x512xf32, #tpu.memory_space<hbm>> -> memref<32x512xf32, #tpu.memory_space<hbm>>
    tpu.enqueue_dma source(%dma_start3A_44 : memref<32x512xf32, #tpu.memory_space<hbm>>) target(%arg4 : memref<32x512xf32, #tpu.memory_space<vmem>>) target_semaphore(%arg8 : memref<!tpu.dma_semaphore, #tpu.memory_space<semaphore_mem>>)
    %scan3A = arith.constant 0 : i32
    %scan3A_45 = arith.constant 6 : i32
    %scan3A_46 = arith.addi %scan3A, %scan3A_45 : i32
    %scan3A_47 = arith.constant 1 : i32
    scf.for %scan3A_60 = %scan3A to %scan3A_46 step %scan3A_47  : i32 {
      %mul3A_61 = arith.constant 1 : i32
      %mul3A_62 = arith.muli %scan3A_60, %mul3A_61 : i32
      %add3A_63 = arith.constant 0 : i32
      %add3A_64 = arith.addi %add3A_63, %mul3A_62 : i32
      %mul3A_65 = arith.constant 12 : i32
      %mul3A_66 = arith.muli %add3A, %mul3A_65 : i32
      %mul3A_67 = arith.constant 2 : i32
      %mul3A_68 = arith.muli %add3A_64, %mul3A_67 : i32
      %add3A_69 = arith.addi %mul3A_66, %mul3A_68 : i32
      %add3A_70 = arith.constant 0 : i32
      %add3A_71 = arith.addi %add3A_69, %add3A_70 : i32
      %jit3A_72 = arith.constant 8 : i32
      %div3A_73 = arith.divsi %add3A_71, %jit3A_72 : i32
      %sign3A_74 = arith.constant 0 : i32
      %sign3A_75 = arith.cmpi sgt, %add3A_71, %sign3A_74 : i32
      %sign3A_76 = arith.extui %sign3A_75 : i1 to i32
      %sign3A_77 = arith.constant 0 : i32
      %sign3A_78 = arith.cmpi slt, %add3A_71, %sign3A_77 : i32
      %sign3A_79 = arith.extui %sign3A_78 : i1 to i32
      %sign3A_80 = arith.subi %sign3A_76, %sign3A_79 : i32
      %sign3A_81 = arith.constant 0 : i32
      %sign3A_82 = arith.cmpi sgt, %jit3A_72, %sign3A_81 : i32
      %sign3A_83 = arith.extui %sign3A_82 : i1 to i32
      %sign3A_84 = arith.constant 0 : i32
      %sign3A_85 = arith.cmpi slt, %jit3A_72, %sign3A_84 : i32
      %sign3A_86 = arith.extui %sign3A_85 : i1 to i32
      %sign3A_87 = arith.subi %sign3A_83, %sign3A_86 : i32
      %ne3A_88 = arith.cmpi ne, %sign3A_80, %sign3A_87 : i32
      %rem3A_89 = arith.remsi %add3A_71, %jit3A_72 : i32
      %ne3A_90 = arith.constant 0 : i32
      %ne3A_91 = arith.cmpi ne, %rem3A_89, %ne3A_90 : i32
      %and3A_92 = arith.andi %ne3A_88, %ne3A_91 : i1
      %sub3A_93 = arith.constant 1 : i32
      %sub3A_94 = arith.subi %div3A_73, %sub3A_93 : i32
      %select_n3A_95 = arith.select %and3A_92, %sub3A_94, %div3A_73 : i32
      %jit3A_96 = arith.constant 8 : i32
      %eq3A_97 = arith.constant 0 : i32
      %eq3A_98 = arith.cmpi eq, %jit3A_96, %eq3A_97 : i32
      %jit3A_99 = arith.constant 1 : i32
      %select_n3A_100 = arith.select %eq3A_98, %jit3A_99, %jit3A_96 : i32
      %rem3A_101 = arith.remsi %add3A_71, %select_n3A_100 : i32
      %ne3A_102 = arith.constant 0 : i32
      %ne3A_103 = arith.cmpi ne, %rem3A_101, %ne3A_102 : i32
      %lt3A_104 = arith.constant 0 : i32
      %lt3A_105 = arith.cmpi slt, %rem3A_101, %lt3A_104 : i32
      %lt3A_106 = arith.constant 0 : i32
      %lt3A_107 = arith.cmpi slt, %select_n3A_100, %lt3A_106 : i32
      %ne3A_108 = arith.xori %lt3A_105, %lt3A_107 : i1
      %and3A_109 = arith.andi %ne3A_108, %ne3A_103 : i1
      %add3A_110 = arith.addi %rem3A_101, %select_n3A_100 : i32
      %select_n3A_111 = arith.select %and3A_109, %add3A_110, %rem3A_101 : i32
      %mul3A_112 = arith.constant 64 : i32
      %mul3A_113 = arith.muli %select_n3A_111, %mul3A_112 : i32
      %add3A_114 = arith.constant 32 : i32
      %add3A_115 = arith.addi %mul3A_113, %add3A_114 : i32
      %dma_start3A_116 = arith.constant 0 : i32
      %dma_start3A_117 = tpu.memref_slice %arg2[%select_n3A_95, %add3A_115, %dma_start3A_116] : memref<48x512x512xf32, #tpu.memory_space<hbm>> -> memref<1x32x512xf32, #tpu.memory_space<hbm>>
      %dma_start3A_118 = tpu.memref_squeeze %dma_start3A_117 : memref<1x32x512xf32, #tpu.memory_space<hbm>> -> memref<32x512xf32, #tpu.memory_space<hbm>>
      %dma_start3A_119 = arith.constant 0 : i32
      %dma_start3A_120 = tpu.memref_slice %arg2[%select_n3A_95, %add3A_115, %dma_start3A_119] : memref<48x512x512xf32, #tpu.memory_space<hbm>> -> memref<1x32x512xf32, #tpu.memory_space<hbm>>
      %dma_start3A_121 = tpu.memref_squeeze %dma_start3A_120 : memref<1x32x512xf32, #tpu.memory_space<hbm>> -> memref<32x512xf32, #tpu.memory_space<hbm>>
      tpu.enqueue_dma source(%dma_start3A_121 : memref<32x512xf32, #tpu.memory_space<hbm>>) target(%arg5 : memref<32x512xf32, #tpu.memory_space<vmem>>) target_semaphore(%arg9 : memref<!tpu.dma_semaphore, #tpu.memory_space<semaphore_mem>>)
      %ge3A = arith.constant 1 : i32
      %ge3A_122 = arith.cmpi sge, %add3A_64, %ge3A : i32
      %convert_element_type3A = arith.extui %ge3A_122 : i1 to i32
      %cond3A = arith.constant 0 : i32
      %cond3A_123 = arith.cmpi ne, %convert_element_type3A, %cond3A : i32
      scf.if %cond3A_123 {
        %dma_wait3A_522 = arith.constant 0 : i32
        %dma_wait3A_523 = arith.constant 0 : i32
        %dma_wait3A_524 = tpu.memref_slice %arg3[%dma_wait3A_522, %dma_wait3A_523] : memref<3072x4096xf32, #tpu.memory_space<hbm>> -> memref<8x4096xf32, #tpu.memory_space<hbm>>
        %dma_wait3A_525 = arith.constant 0 : i32
        %dma_wait3A_526 = arith.constant 0 : i32
        %dma_wait3A_527 = tpu.memref_slice %arg3[%dma_wait3A_525, %dma_wait3A_526] : memref<3072x4096xf32, #tpu.memory_space<hbm>> -> memref<8x4096xf32, #tpu.memory_space<hbm>>
        tpu.wait_dma2 semaphore(%arg10 : memref<!tpu.dma_semaphore, #tpu.memory_space<semaphore_mem>>) src(%arg6 : memref<8x4096xf32, #tpu.memory_space<vmem>>) dst(%dma_wait3A_527 : memref<8x4096xf32, #tpu.memory_space<hbm>>)
      } else {
      }
      %parallel_loop3A = arith.constant 0 : i32
      %parallel_loop3A_124 = arith.constant 256 : i32
      %parallel_loop3A_125 = arith.constant 1 : i32
      scf.for %parallel_loop3A_522 = %parallel_loop3A to %parallel_loop3A_124 step %parallel_loop3A_125  : i32 {
        %parallel_loop3A_523 = arith.constant 16 : i32
        %parallel_loop3A_524 = arith.muli %parallel_loop3A_522, %parallel_loop3A_523 : i32
        %parallel_loop3A_525 = arith.constant 0 : i32
        %parallel_loop3A_526 = arith.index_cast %parallel_loop3A_525 : i32 to index
        %parallel_loop3A_527 = arith.index_cast %parallel_loop3A_524 : i32 to index
        %parallel_loop3A_528 = tpu.vector_load %arg6[%parallel_loop3A_526, %parallel_loop3A_527] {strides = array<i32>} : memref<8x4096xf32, #tpu.memory_space<vmem>>, vector<16xf32>,
        tpu.vector_store %arg6[%parallel_loop3A_526, %parallel_loop3A_527], %broadcast_in_dim3A_3 {strides = array<i32>} : memref<8x4096xf32, #tpu.memory_space<vmem>>, vector<16xf32>,
      } {sc.loop_unroll_factor = 4 : i64, sc.parallel_access}
      %parallel_loop3A_126 = arith.constant 0 : i32
      %parallel_loop3A_127 = arith.constant 256 : i32
      %parallel_loop3A_128 = arith.constant 1 : i32
      scf.for %parallel_loop3A_522 = %parallel_loop3A_126 to %parallel_loop3A_127 step %parallel_loop3A_128  : i32 {
        %parallel_loop3A_523 = arith.constant 16 : i32
        %parallel_loop3A_524 = arith.muli %parallel_loop3A_522, %parallel_loop3A_523 : i32
        %parallel_loop3A_525 = arith.constant 1 : i32
        %parallel_loop3A_526 = arith.index_cast %parallel_loop3A_525 : i32 to index
        %parallel_loop3A_527 = arith.index_cast %parallel_loop3A_524 : i32 to index
        %parallel_loop3A_528 = tpu.vector_load %arg6[%parallel_loop3A_526, %parallel_loop3A_527] {strides = array<i32>} : memref<8x4096xf32, #tpu.memory_space<vmem>>, vector<16xf32>,
        tpu.vector_store %arg6[%parallel_loop3A_526, %parallel_loop3A_527], %broadcast_in_dim3A_3 {strides = array<i32>} : memref<8x4096xf32, #tpu.memory_space<vmem>>, vector<16xf32>,
      } {sc.loop_unroll_factor = 4 : i64, sc.parallel_access}
      %parallel_loop3A_129 = arith.constant 0 : i32
      %parallel_loop3A_130 = arith.constant 256 : i32
      %parallel_loop3A_131 = arith.constant 1 : i32
      scf.for %parallel_loop3A_522 = %parallel_loop3A_129 to %parallel_loop3A_130 step %parallel_loop3A_131  : i32 {
        %parallel_loop3A_523 = arith.constant 16 : i32
        %parallel_loop3A_524 = arith.muli %parallel_loop3A_522, %parallel_loop3A_523 : i32
        %parallel_loop3A_525 = arith.constant 2 : i32
        %parallel_loop3A_526 = arith.index_cast %parallel_loop3A_525 : i32 to index
        %parallel_loop3A_527 = arith.index_cast %parallel_loop3A_524 : i32 to index
        %parallel_loop3A_528 = tpu.vector_load %arg6[%parallel_loop3A_526, %parallel_loop3A_527] {strides = array<i32>} : memref<8x4096xf32, #tpu.memory_space<vmem>>, vector<16xf32>,
        tpu.vector_store %arg6[%parallel_loop3A_526, %parallel_loop3A_527], %broadcast_in_dim3A_3 {strides = array<i32>} : memref<8x4096xf32, #tpu.memory_space<vmem>>, vector<16xf32>,
      } {sc.loop_unroll_factor = 4 : i64, sc.parallel_access}
      %parallel_loop3A_132 = arith.constant 0 : i32
      %parallel_loop3A_133 = arith.constant 256 : i32
      %parallel_loop3A_134 = arith.constant 1 : i32
      scf.for %parallel_loop3A_522 = %parallel_loop3A_132 to %parallel_loop3A_133 step %parallel_loop3A_134  : i32 {
        %parallel_loop3A_523 = arith.constant 16 : i32
        %parallel_loop3A_524 = arith.muli %parallel_loop3A_522, %parallel_loop3A_523 : i32
        %parallel_loop3A_525 = arith.constant 3 : i32
        %parallel_loop3A_526 = arith.index_cast %parallel_loop3A_525 : i32 to index
        %parallel_loop3A_527 = arith.index_cast %parallel_loop3A_524 : i32 to index
        %parallel_loop3A_528 = tpu.vector_load %arg6[%parallel_loop3A_526, %parallel_loop3A_527] {strides = array<i32>} : memref<8x4096xf32, #tpu.memory_space<vmem>>, vector<16xf32>,
        tpu.vector_store %arg6[%parallel_loop3A_526, %parallel_loop3A_527], %broadcast_in_dim3A_3 {strides = array<i32>} : memref<8x4096xf32, #tpu.memory_space<vmem>>, vector<16xf32>,
      } {sc.loop_unroll_factor = 4 : i64, sc.parallel_access}
      %parallel_loop3A_135 = arith.constant 0 : i32
      %parallel_loop3A_136 = arith.constant 256 : i32
      %parallel_loop3A_137 = arith.constant 1 : i32
      scf.for %parallel_loop3A_522 = %parallel_loop3A_135 to %parallel_loop3A_136 step %parallel_loop3A_137  : i32 {
        %parallel_loop3A_523 = arith.constant 16 : i32
        %parallel_loop3A_524 = arith.muli %parallel_loop3A_522, %parallel_loop3A_523 : i32
        %parallel_loop3A_525 = arith.constant 4 : i32
        %parallel_loop3A_526 = arith.index_cast %parallel_loop3A_525 : i32 to index
        %parallel_loop3A_527 = arith.index_cast %parallel_loop3A_524 : i32 to index
        %parallel_loop3A_528 = tpu.vector_load %arg6[%parallel_loop3A_526, %parallel_loop3A_527] {strides = array<i32>} : memref<8x4096xf32, #tpu.memory_space<vmem>>, vector<16xf32>,
        tpu.vector_store %arg6[%parallel_loop3A_526, %parallel_loop3A_527], %broadcast_in_dim3A_3 {strides = array<i32>} : memref<8x4096xf32, #tpu.memory_space<vmem>>, vector<16xf32>,
      } {sc.loop_unroll_factor = 4 : i64, sc.parallel_access}
      %parallel_loop3A_138 = arith.constant 0 : i32
      %parallel_loop3A_139 = arith.constant 256 : i32
      %parallel_loop3A_140 = arith.constant 1 : i32
      scf.for %parallel_loop3A_522 = %parallel_loop3A_138 to %parallel_loop3A_139 step %parallel_loop3A_140  : i32 {
        %parallel_loop3A_523 = arith.constant 16 : i32
        %parallel_loop3A_524 = arith.muli %parallel_loop3A_522, %parallel_loop3A_523 : i32
        %parallel_loop3A_525 = arith.constant 5 : i32
        %parallel_loop3A_526 = arith.index_cast %parallel_loop3A_525 : i32 to index
        %parallel_loop3A_527 = arith.index_cast %parallel_loop3A_524 : i32 to index
        %parallel_loop3A_528 = tpu.vector_load %arg6[%parallel_loop3A_526, %parallel_loop3A_527] {strides = array<i32>} : memref<8x4096xf32, #tpu.memory_space<vmem>>, vector<16xf32>,
        tpu.vector_store %arg6[%parallel_loop3A_526, %parallel_loop3A_527], %broadcast_in_dim3A_3 {strides = array<i32>} : memref<8x4096xf32, #tpu.memory_space<vmem>>, vector<16xf32>,
      } {sc.loop_unroll_factor = 4 : i64, sc.parallel_access}
      %parallel_loop3A_141 = arith.constant 0 : i32
      %parallel_loop3A_142 = arith.constant 256 : i32
      %parallel_loop3A_143 = arith.constant 1 : i32
      scf.for %parallel_loop3A_522 = %parallel_loop3A_141 to %parallel_loop3A_142 step %parallel_loop3A_143  : i32 {
        %parallel_loop3A_523 = arith.constant 16 : i32
        %parallel_loop3A_524 = arith.muli %parallel_loop3A_522, %parallel_loop3A_523 : i32
        %parallel_loop3A_525 = arith.constant 6 : i32
        %parallel_loop3A_526 = arith.index_cast %parallel_loop3A_525 : i32 to index
        %parallel_loop3A_527 = arith.index_cast %parallel_loop3A_524 : i32 to index
        %parallel_loop3A_528 = tpu.vector_load %arg6[%parallel_loop3A_526, %parallel_loop3A_527] {strides = array<i32>} : memref<8x4096xf32, #tpu.memory_space<vmem>>, vector<16xf32>,
        tpu.vector_store %arg6[%parallel_loop3A_526, %parallel_loop3A_527], %broadcast_in_dim3A_3 {strides = array<i32>} : memref<8x4096xf32, #tpu.memory_space<vmem>>, vector<16xf32>,
      } {sc.loop_unroll_factor = 4 : i64, sc.parallel_access}
      %parallel_loop3A_144 = arith.constant 0 : i32
      %parallel_loop3A_145 = arith.constant 256 : i32
      %parallel_loop3A_146 = arith.constant 1 : i32
      scf.for %parallel_loop3A_522 = %parallel_loop3A_144 to %parallel_loop3A_145 step %parallel_loop3A_146  : i32 {
        %parallel_loop3A_523 = arith.constant 16 : i32
        %parallel_loop3A_524 = arith.muli %parallel_loop3A_522, %parallel_loop3A_523 : i32
        %parallel_loop3A_525 = arith.constant 7 : i32
        %parallel_loop3A_526 = arith.index_cast %parallel_loop3A_525 : i32 to index
        %parallel_loop3A_527 = arith.index_cast %parallel_loop3A_524 : i32 to index
        %parallel_loop3A_528 = tpu.vector_load %arg6[%parallel_loop3A_526, %parallel_loop3A_527] {strides = array<i32>} : memref<8x4096xf32, #tpu.memory_space<vmem>>, vector<16xf32>,
        tpu.vector_store %arg6[%parallel_loop3A_526, %parallel_loop3A_527], %broadcast_in_dim3A_3 {strides = array<i32>} : memref<8x4096xf32, #tpu.memory_space<vmem>>, vector<16xf32>,
      } {sc.loop_unroll_factor = 4 : i64, sc.parallel_access}
      %jit3A_147 = arith.constant 8 : i32
      %div3A_148 = arith.divsi %add3A_71, %jit3A_147 : i32
      %sign3A_149 = arith.constant 0 : i32
      %sign3A_150 = arith.cmpi sgt, %add3A_71, %sign3A_149 : i32
      %sign3A_151 = arith.extui %sign3A_150 : i1 to i32
      %sign3A_152 = arith.constant 0 : i32
      %sign3A_153 = arith.cmpi slt, %add3A_71, %sign3A_152 : i32
      %sign3A_154 = arith.extui %sign3A_153 : i1 to i32
      %sign3A_155 = arith.subi %sign3A_151, %sign3A_154 : i32
      %sign3A_156 = arith.constant 0 : i32
      %sign3A_157 = arith.cmpi sgt, %jit3A_147, %sign3A_156 : i32
      %sign3A_158 = arith.extui %sign3A_157 : i1 to i32
      %sign3A_159 = arith.constant 0 : i32
      %sign3A_160 = arith.cmpi slt, %jit3A_147, %sign3A_159 : i32
      %sign3A_161 = arith.extui %sign3A_160 : i1 to i32
      %sign3A_162 = arith.subi %sign3A_158, %sign3A_161 : i32
      %ne3A_163 = arith.cmpi ne, %sign3A_155, %sign3A_162 : i32
      %rem3A_164 = arith.remsi %add3A_71, %jit3A_147 : i32
      %ne3A_165 = arith.constant 0 : i32
      %ne3A_166 = arith.cmpi ne, %rem3A_164, %ne3A_165 : i32
      %and3A_167 = arith.andi %ne3A_163, %ne3A_166 : i1
      %sub3A_168 = arith.constant 1 : i32
      %sub3A_169 = arith.subi %div3A_148, %sub3A_168 : i32
      %select_n3A_170 = arith.select %and3A_167, %sub3A_169, %div3A_148 : i32
      %jit3A_171 = arith.constant 8 : i32
      %eq3A_172 = arith.constant 0 : i32
      %eq3A_173 = arith.cmpi eq, %jit3A_171, %eq3A_172 : i32
      %jit3A_174 = arith.constant 1 : i32
      %select_n3A_175 = arith.select %eq3A_173, %jit3A_174, %jit3A_171 : i32
      %rem3A_176 = arith.remsi %add3A_71, %select_n3A_175 : i32
      %ne3A_177 = arith.constant 0 : i32
      %ne3A_178 = arith.cmpi ne, %rem3A_176, %ne3A_177 : i32
      %lt3A_179 = arith.constant 0 : i32
      %lt3A_180 = arith.cmpi slt, %rem3A_176, %lt3A_179 : i32
      %lt3A_181 = arith.constant 0 : i32
      %lt3A_182 = arith.cmpi slt, %select_n3A_175, %lt3A_181 : i32
      %ne3A_183 = arith.xori %lt3A_180, %lt3A_182 : i1
      %and3A_184 = arith.andi %ne3A_183, %ne3A_178 : i1
      %add3A_185 = arith.addi %rem3A_176, %select_n3A_175 : i32
      %select_n3A_186 = arith.select %and3A_184, %add3A_185, %rem3A_176 : i32
      %mul3A_187 = arith.constant 64 : i32
      %mul3A_188 = arith.muli %select_n3A_186, %mul3A_187 : i32
      %add3A_189 = arith.constant 0 : i32
      %add3A_190 = arith.addi %mul3A_188, %add3A_189 : i32
      %dma_wait3A_191 = arith.constant 0 : i32
      %dma_wait3A_192 = tpu.memref_slice %arg2[%select_n3A_170, %add3A_190, %dma_wait3A_191] : memref<48x512x512xf32, #tpu.memory_space<hbm>> -> memref<1x32x512xf32, #tpu.memory_space<hbm>>
      %dma_wait3A_193 = tpu.memref_squeeze %dma_wait3A_192 : memref<1x32x512xf32, #tpu.memory_space<hbm>> -> memref<32x512xf32, #tpu.memory_space<hbm>>
      %dma_wait3A_194 = arith.constant 0 : i32
      %dma_wait3A_195 = tpu.memref_slice %arg2[%select_n3A_170, %add3A_190, %dma_wait3A_194] : memref<48x512x512xf32, #tpu.memory_space<hbm>> -> memref<1x32x512xf32, #tpu.memory_space<hbm>>
      %dma_wait3A_196 = tpu.memref_squeeze %dma_wait3A_195 : memref<1x32x512xf32, #tpu.memory_space<hbm>> -> memref<32x512xf32, #tpu.memory_space<hbm>>
      tpu.wait_dma2 semaphore(%arg8 : memref<!tpu.dma_semaphore, #tpu.memory_space<semaphore_mem>>) src(%dma_wait3A_196 : memref<32x512xf32, #tpu.memory_space<hbm>>) dst(%arg4 : memref<32x512xf32, #tpu.memory_space<vmem>>)
      %scan3A_197 = arith.constant 0 : i32
      %scan3A_198 = arith.constant 32 : i32
      %scan3A_199 = arith.addi %scan3A_197, %scan3A_198 : i32
      %scan3A_200 = arith.constant 1 : i32
      scf.for %scan3A_522 = %scan3A_197 to %scan3A_199 step %scan3A_200  : i32 {
        %mul3A_523 = arith.constant 1 : i32
        %mul3A_524 = arith.muli %scan3A_522, %mul3A_523 : i32
        %add3A_525 = arith.constant 0 : i32
        %add3A_526 = arith.addi %add3A_525, %mul3A_524 : i32
        %mul3A_527 = arith.constant 16 : i32
        %mul3A_528 = arith.muli %add3A_526, %mul3A_527 : i32
        %jit3A_529 = arith.constant 64 : i32
        %div3A_530 = arith.divsi %mul3A_528, %jit3A_529 : i32
        %sign3A_531 = arith.constant 0 : i32
        %sign3A_532 = arith.cmpi sgt, %mul3A_528, %sign3A_531 : i32
        %sign3A_533 = arith.extui %sign3A_532 : i1 to i32
        %sign3A_534 = arith.constant 0 : i32
        %sign3A_535 = arith.cmpi slt, %mul3A_528, %sign3A_534 : i32
        %sign3A_536 = arith.extui %sign3A_535 : i1 to i32
        %sign3A_537 = arith.subi %sign3A_533, %sign3A_536 : i32
        %sign3A_538 = arith.constant 0 : i32
        %sign3A_539 = arith.cmpi sgt, %jit3A_529, %sign3A_538 : i32
        %sign3A_540 = arith.extui %sign3A_539 : i1 to i32
        %sign3A_541 = arith.constant 0 : i32
        %sign3A_542 = arith.cmpi slt, %jit3A_529, %sign3A_541 : i32
        %sign3A_543 = arith.extui %sign3A_542 : i1 to i32
        %sign3A_544 = arith.subi %sign3A_540, %sign3A_543 : i32
        %ne3A_545 = arith.cmpi ne, %sign3A_537, %sign3A_544 : i32
        %rem3A_546 = arith.remsi %mul3A_528, %jit3A_529 : i32
        %ne3A_547 = arith.constant 0 : i32
        %ne3A_548 = arith.cmpi ne, %rem3A_546, %ne3A_547 : i32
        %and3A_549 = arith.andi %ne3A_545, %ne3A_548 : i1
        %sub3A_550 = arith.constant 1 : i32
        %sub3A_551 = arith.subi %div3A_530, %sub3A_550 : i32
        %select_n3A_552 = arith.select %and3A_549, %sub3A_551, %div3A_530 : i32
        %broadcast_in_dim3A_553 = vector.broadcast %select_n3A_552 : i32 to vector<16xi32>
        %parallel_loop3A_554 = arith.constant 0 : i32
        %parallel_loop3A_555 = arith.constant 32 : i32
        %parallel_loop3A_556 = arith.constant 1 : i32
        scf.for %parallel_loop3A_557 = %parallel_loop3A_554 to %parallel_loop3A_555 step %parallel_loop3A_556  : i32 {
          %parallel_loop3A_558 = arith.constant 16 : i32
          %parallel_loop3A_559 = arith.muli %add3A_526, %parallel_loop3A_558 : i32
          %parallel_loop3A_560 = arith.index_cast %parallel_loop3A_557 : i32 to index
          %parallel_loop3A_561 = arith.index_cast %parallel_loop3A_559 : i32 to index
          %parallel_loop3A_562 = tpu.vector_load %arg4[%parallel_loop3A_560, %parallel_loop3A_561] {strides = array<i32>} : memref<32x512xf32, #tpu.memory_space<vmem>>, vector<16xf32>,
          %parallel_loop3A_563 = arith.constant 2.560000e+02 : f32
          %parallel_loop3A_564 = vector.broadcast %parallel_loop3A_563 : f32 to vector<16xf32>
          %parallel_loop3A_565 = arith.mulf %parallel_loop3A_562, %parallel_loop3A_564 : vector<16xf32>
          %parallel_loop3A_566 = arith.fptosi %parallel_loop3A_565 : vector<16xf32> to vector<16xi32>
          %parallel_loop3A_567 = arith.constant 16 : i32
          %parallel_loop3A_568 = vector.broadcast %parallel_loop3A_567 : i32 to vector<16xi32>
          %parallel_loop3A_569 = arith.muli %parallel_loop3A_566, %parallel_loop3A_568 : vector<16xi32>
          %parallel_loop3A_570 = arith.addi %iota3A, %parallel_loop3A_569 : vector<16xi32>
          tpu.vector_store_idx %arg6[%broadcast_in_dim3A_553, %parallel_loop3A_570], %broadcast_in_dim3A_1 {add = true} : memref<8x4096xf32, #tpu.memory_space<vmem>>[vector<16xi32>, vector<16xi32>], vector<16xf32>,
        } {sc.loop_unroll_factor = 8 : i64, sc.parallel_access}
      }
      %scan3A_201 = arith.constant 32 : i32
      %add3A_202 = arith.constant 1 : i32
      %add3A_203 = arith.addi %add3A_71, %add3A_202 : i32
      %jit3A_204 = arith.constant 8 : i32
      %div3A_205 = arith.divsi %add3A_203, %jit3A_204 : i32
      %sign3A_206 = arith.constant 0 : i32
      %sign3A_207 = arith.cmpi sgt, %add3A_203, %sign3A_206 : i32
      %sign3A_208 = arith.extui %sign3A_207 : i1 to i32
      %sign3A_209 = arith.constant 0 : i32
      %sign3A_210 = arith.cmpi slt, %add3A_203, %sign3A_209 : i32
      %sign3A_211 = arith.extui %sign3A_210 : i1 to i32
      %sign3A_212 = arith.subi %sign3A_208, %sign3A_211 : i32
      %sign3A_213 = arith.constant 0 : i32
      %sign3A_214 = arith.cmpi sgt, %jit3A_204, %sign3A_213 : i32
      %sign3A_215 = arith.extui %sign3A_214 : i1 to i32
      %sign3A_216 = arith.constant 0 : i32
      %sign3A_217 = arith.cmpi slt, %jit3A_204, %sign3A_216 : i32
      %sign3A_218 = arith.extui %sign3A_217 : i1 to i32
      %sign3A_219 = arith.subi %sign3A_215, %sign3A_218 : i32
      %ne3A_220 = arith.cmpi ne, %sign3A_212, %sign3A_219 : i32
      %rem3A_221 = arith.remsi %add3A_203, %jit3A_204 : i32
      %ne3A_222 = arith.constant 0 : i32
      %ne3A_223 = arith.cmpi ne, %rem3A_221, %ne3A_222 : i32
      %and3A_224 = arith.andi %ne3A_220, %ne3A_223 : i1
      %sub3A_225 = arith.constant 1 : i32
      %sub3A_226 = arith.subi %div3A_205, %sub3A_225 : i32
      %select_n3A_227 = arith.select %and3A_224, %sub3A_226, %div3A_205 : i32
      %jit3A_228 = arith.constant 8 : i32
      %eq3A_229 = arith.constant 0 : i32
      %eq3A_230 = arith.cmpi eq, %jit3A_228, %eq3A_229 : i32
      %jit3A_231 = arith.constant 1 : i32
      %select_n3A_232 = arith.select %eq3A_230, %jit3A_231, %jit3A_228 : i32
      %rem3A_233 = arith.remsi %add3A_203, %select_n3A_232 : i32
      %ne3A_234 = arith.constant 0 : i32
      %ne3A_235 = arith.cmpi ne, %rem3A_233, %ne3A_234 : i32
      %lt3A_236 = arith.constant 0 : i32
      %lt3A_237 = arith.cmpi slt, %rem3A_233, %lt3A_236 : i32
      %lt3A_238 = arith.constant 0 : i32
      %lt3A_239 = arith.cmpi slt, %select_n3A_232, %lt3A_238 : i32
      %ne3A_240 = arith.xori %lt3A_237, %lt3A_239 : i1
      %and3A_241 = arith.andi %ne3A_240, %ne3A_235 : i1
      %add3A_242 = arith.addi %rem3A_233, %select_n3A_232 : i32
      %select_n3A_243 = arith.select %and3A_241, %add3A_242, %rem3A_233 : i32
      %mul3A_244 = arith.constant 64 : i32
      %mul3A_245 = arith.muli %select_n3A_243, %mul3A_244 : i32
      %add3A_246 = arith.constant 0 : i32
      %add3A_247 = arith.addi %mul3A_245, %add3A_246 : i32
      %dma_start3A_248 = arith.constant 0 : i32
      %dma_start3A_249 = tpu.memref_slice %arg2[%select_n3A_227, %add3A_247, %dma_start3A_248] : memref<48x512x512xf32, #tpu.memory_space<hbm>> -> memref<1x32x512xf32, #tpu.memory_space<hbm>>
      %dma_start3A_250 = tpu.memref_squeeze %dma_start3A_249 : memref<1x32x512xf32, #tpu.memory_space<hbm>> -> memref<32x512xf32, #tpu.memory_space<hbm>>
      %dma_start3A_251 = arith.constant 0 : i32
      %dma_start3A_252 = tpu.memref_slice %arg2[%select_n3A_227, %add3A_247, %dma_start3A_251] : memref<48x512x512xf32, #tpu.memory_space<hbm>> -> memref<1x32x512xf32, #tpu.memory_space<hbm>>
      %dma_start3A_253 = tpu.memref_squeeze %dma_start3A_252 : memref<1x32x512xf32, #tpu.memory_space<hbm>> -> memref<32x512xf32, #tpu.memory_space<hbm>>
      tpu.enqueue_dma source(%dma_start3A_253 : memref<32x512xf32, #tpu.memory_space<hbm>>) target(%arg4 : memref<32x512xf32, #tpu.memory_space<vmem>>) target_semaphore(%arg8 : memref<!tpu.dma_semaphore, #tpu.memory_space<semaphore_mem>>)
      %jit3A_254 = arith.constant 8 : i32
      %div3A_255 = arith.divsi %add3A_71, %jit3A_254 : i32
      %sign3A_256 = arith.constant 0 : i32
      %sign3A_257 = arith.cmpi sgt, %add3A_71, %sign3A_256 : i32
      %sign3A_258 = arith.extui %sign3A_257 : i1 to i32
      %sign3A_259 = arith.constant 0 : i32
      %sign3A_260 = arith.cmpi slt, %add3A_71, %sign3A_259 : i32
      %sign3A_261 = arith.extui %sign3A_260 : i1 to i32
      %sign3A_262 = arith.subi %sign3A_258, %sign3A_261 : i32
      %sign3A_263 = arith.constant 0 : i32
      %sign3A_264 = arith.cmpi sgt, %jit3A_254, %sign3A_263 : i32
      %sign3A_265 = arith.extui %sign3A_264 : i1 to i32
      %sign3A_266 = arith.constant 0 : i32
      %sign3A_267 = arith.cmpi slt, %jit3A_254, %sign3A_266 : i32
      %sign3A_268 = arith.extui %sign3A_267 : i1 to i32
      %sign3A_269 = arith.subi %sign3A_265, %sign3A_268 : i32
      %ne3A_270 = arith.cmpi ne, %sign3A_262, %sign3A_269 : i32
      %rem3A_271 = arith.remsi %add3A_71, %jit3A_254 : i32
      %ne3A_272 = arith.constant 0 : i32
      %ne3A_273 = arith.cmpi ne, %rem3A_271, %ne3A_272 : i32
      %and3A_274 = arith.andi %ne3A_270, %ne3A_273 : i1
      %sub3A_275 = arith.constant 1 : i32
      %sub3A_276 = arith.subi %div3A_255, %sub3A_275 : i32
      %select_n3A_277 = arith.select %and3A_274, %sub3A_276, %div3A_255 : i32
      %jit3A_278 = arith.constant 8 : i32
      %eq3A_279 = arith.constant 0 : i32
      %eq3A_280 = arith.cmpi eq, %jit3A_278, %eq3A_279 : i32
      %jit3A_281 = arith.constant 1 : i32
      %select_n3A_282 = arith.select %eq3A_280, %jit3A_281, %jit3A_278 : i32
      %rem3A_283 = arith.remsi %add3A_71, %select_n3A_282 : i32
      %ne3A_284 = arith.constant 0 : i32
      %ne3A_285 = arith.cmpi ne, %rem3A_283, %ne3A_284 : i32
      %lt3A_286 = arith.constant 0 : i32
      %lt3A_287 = arith.cmpi slt, %rem3A_283, %lt3A_286 : i32
      %lt3A_288 = arith.constant 0 : i32
      %lt3A_289 = arith.cmpi slt, %select_n3A_282, %lt3A_288 : i32
      %ne3A_290 = arith.xori %lt3A_287, %lt3A_289 : i1
      %and3A_291 = arith.andi %ne3A_290, %ne3A_285 : i1
      %add3A_292 = arith.addi %rem3A_283, %select_n3A_282 : i32
      %select_n3A_293 = arith.select %and3A_291, %add3A_292, %rem3A_283 : i32
      %mul3A_294 = arith.constant 64 : i32
      %mul3A_295 = arith.muli %select_n3A_293, %mul3A_294 : i32
      %add3A_296 = arith.constant 32 : i32
      %add3A_297 = arith.addi %mul3A_295, %add3A_296 : i32
      %dma_wait3A_298 = arith.constant 0 : i32
      %dma_wait3A_299 = tpu.memref_slice %arg2[%select_n3A_277, %add3A_297, %dma_wait3A_298] : memref<48x512x512xf32, #tpu.memory_space<hbm>> -> memref<1x32x512xf32, #tpu.memory_space<hbm>>
      %dma_wait3A_300 = tpu.memref_squeeze %dma_wait3A_299 : memref<1x32x512xf32, #tpu.memory_space<hbm>> -> memref<32x512xf32, #tpu.memory_space<hbm>>
      %dma_wait3A_301 = arith.constant 0 : i32
      %dma_wait3A_302 = tpu.memref_slice %arg2[%select_n3A_277, %add3A_297, %dma_wait3A_301] : memref<48x512x512xf32, #tpu.memory_space<hbm>> -> memref<1x32x512xf32, #tpu.memory_space<hbm>>
      %dma_wait3A_303 = tpu.memref_squeeze %dma_wait3A_302 : memref<1x32x512xf32, #tpu.memory_space<hbm>> -> memref<32x512xf32, #tpu.memory_space<hbm>>
      tpu.wait_dma2 semaphore(%arg9 : memref<!tpu.dma_semaphore, #tpu.memory_space<semaphore_mem>>) src(%dma_wait3A_303 : memref<32x512xf32, #tpu.memory_space<hbm>>) dst(%arg5 : memref<32x512xf32, #tpu.memory_space<vmem>>)
      %scan3A_304 = arith.constant 0 : i32
      %scan3A_305 = arith.constant 32 : i32
      %scan3A_306 = arith.addi %scan3A_304, %scan3A_305 : i32
      %scan3A_307 = arith.constant 1 : i32
      scf.for %scan3A_522 = %scan3A_304 to %scan3A_306 step %scan3A_307  : i32 {
        %mul3A_523 = arith.constant 1 : i32
        %mul3A_524 = arith.muli %scan3A_522, %mul3A_523 : i32
        %add3A_525 = arith.constant 0 : i32
        %add3A_526 = arith.addi %add3A_525, %mul3A_524 : i32
        %mul3A_527 = arith.constant 16 : i32
        %mul3A_528 = arith.muli %add3A_526, %mul3A_527 : i32
        %jit3A_529 = arith.constant 64 : i32
        %div3A_530 = arith.divsi %mul3A_528, %jit3A_529 : i32
        %sign3A_531 = arith.constant 0 : i32
        %sign3A_532 = arith.cmpi sgt, %mul3A_528, %sign3A_531 : i32
        %sign3A_533 = arith.extui %sign3A_532 : i1 to i32
        %sign3A_534 = arith.constant 0 : i32
        %sign3A_535 = arith.cmpi slt, %mul3A_528, %sign3A_534 : i32
        %sign3A_536 = arith.extui %sign3A_535 : i1 to i32
        %sign3A_537 = arith.subi %sign3A_533, %sign3A_536 : i32
        %sign3A_538 = arith.constant 0 : i32
        %sign3A_539 = arith.cmpi sgt, %jit3A_529, %sign3A_538 : i32
        %sign3A_540 = arith.extui %sign3A_539 : i1 to i32
        %sign3A_541 = arith.constant 0 : i32
        %sign3A_542 = arith.cmpi slt, %jit3A_529, %sign3A_541 : i32
        %sign3A_543 = arith.extui %sign3A_542 : i1 to i32
        %sign3A_544 = arith.subi %sign3A_540, %sign3A_543 : i32
        %ne3A_545 = arith.cmpi ne, %sign3A_537, %sign3A_544 : i32
        %rem3A_546 = arith.remsi %mul3A_528, %jit3A_529 : i32
        %ne3A_547 = arith.constant 0 : i32
        %ne3A_548 = arith.cmpi ne, %rem3A_546, %ne3A_547 : i32
        %and3A_549 = arith.andi %ne3A_545, %ne3A_548 : i1
        %sub3A_550 = arith.constant 1 : i32
        %sub3A_551 = arith.subi %div3A_530, %sub3A_550 : i32
        %select_n3A_552 = arith.select %and3A_549, %sub3A_551, %div3A_530 : i32
        %broadcast_in_dim3A_553 = vector.broadcast %select_n3A_552 : i32 to vector<16xi32>
        %parallel_loop3A_554 = arith.constant 0 : i32
        %parallel_loop3A_555 = arith.constant 32 : i32
        %parallel_loop3A_556 = arith.constant 1 : i32
        scf.for %parallel_loop3A_557 = %parallel_loop3A_554 to %parallel_loop3A_555 step %parallel_loop3A_556  : i32 {
          %parallel_loop3A_558 = arith.constant 16 : i32
          %parallel_loop3A_559 = arith.muli %add3A_526, %parallel_loop3A_558 : i32
          %parallel_loop3A_560 = arith.index_cast %parallel_loop3A_557 : i32 to index
          %parallel_loop3A_561 = arith.index_cast %parallel_loop3A_559 : i32 to index
          %parallel_loop3A_562 = tpu.vector_load %arg5[%parallel_loop3A_560, %parallel_loop3A_561] {strides = array<i32>} : memref<32x512xf32, #tpu.memory_space<vmem>>, vector<16xf32>,
          %parallel_loop3A_563 = arith.constant 2.560000e+02 : f32
          %parallel_loop3A_564 = vector.broadcast %parallel_loop3A_563 : f32 to vector<16xf32>
          %parallel_loop3A_565 = arith.mulf %parallel_loop3A_562, %parallel_loop3A_564 : vector<16xf32>
          %parallel_loop3A_566 = arith.fptosi %parallel_loop3A_565 : vector<16xf32> to vector<16xi32>
          %parallel_loop3A_567 = arith.constant 16 : i32
          %parallel_loop3A_568 = vector.broadcast %parallel_loop3A_567 : i32 to vector<16xi32>
          %parallel_loop3A_569 = arith.muli %parallel_loop3A_566, %parallel_loop3A_568 : vector<16xi32>
          %parallel_loop3A_570 = arith.addi %iota3A, %parallel_loop3A_569 : vector<16xi32>
          tpu.vector_store_idx %arg6[%broadcast_in_dim3A_553, %parallel_loop3A_570], %broadcast_in_dim3A_1 {add = true} : memref<8x4096xf32, #tpu.memory_space<vmem>>[vector<16xi32>, vector<16xi32>], vector<16xf32>,
        } {sc.loop_unroll_factor = 8 : i64, sc.parallel_access}
      }
      %scan3A_308 = arith.constant 32 : i32
      %mul3A_309 = arith.constant 8 : i32
      %mul3A_310 = arith.muli %add3A_71, %mul3A_309 : i32
      %dma_start3A_311 = arith.constant 0 : i32
      %dma_start3A_312 = tpu.memref_slice %arg3[%mul3A_310, %dma_start3A_311] : memref<3072x4096xf32, #tpu.memory_space<hbm>> -> memref<8x4096xf32, #tpu.memory_space<hbm>>
      %dma_start3A_313 = arith.constant 0 : i32
      %dma_start3A_314 = tpu.memref_slice %arg3[%mul3A_310, %dma_start3A_313] : memref<3072x4096xf32, #tpu.memory_space<hbm>> -> memref<8x4096xf32, #tpu.memory_space<hbm>>
      tpu.enqueue_dma source(%arg6 : memref<8x4096xf32, #tpu.memory_space<vmem>>) target(%dma_start3A_314 : memref<8x4096xf32, #tpu.memory_space<hbm>>) target_semaphore(%arg10 : memref<!tpu.dma_semaphore, #tpu.memory_space<semaphore_mem>>)
      %mul3A_315 = arith.constant 12 : i32
      %mul3A_316 = arith.muli %add3A, %mul3A_315 : i32
      %mul3A_317 = arith.constant 2 : i32
      %mul3A_318 = arith.muli %add3A_64, %mul3A_317 : i32
      %add3A_319 = arith.addi %mul3A_316, %mul3A_318 : i32
      %add3A_320 = arith.constant 1 : i32
      %add3A_321 = arith.addi %add3A_319, %add3A_320 : i32
      %jit3A_322 = arith.constant 8 : i32
      %div3A_323 = arith.divsi %add3A_321, %jit3A_322 : i32
      %sign3A_324 = arith.constant 0 : i32
      %sign3A_325 = arith.cmpi sgt, %add3A_321, %sign3A_324 : i32
      %sign3A_326 = arith.extui %sign3A_325 : i1 to i32
      %sign3A_327 = arith.constant 0 : i32
      %sign3A_328 = arith.cmpi slt, %add3A_321, %sign3A_327 : i32
      %sign3A_329 = arith.extui %sign3A_328 : i1 to i32
      %sign3A_330 = arith.subi %sign3A_326, %sign3A_329 : i32
      %sign3A_331 = arith.constant 0 : i32
      %sign3A_332 = arith.cmpi sgt, %jit3A_322, %sign3A_331 : i32
      %sign3A_333 = arith.extui %sign3A_332 : i1 to i32
      %sign3A_334 = arith.constant 0 : i32
      %sign3A_335 = arith.cmpi slt, %jit3A_322, %sign3A_334 : i32
      %sign3A_336 = arith.extui %sign3A_335 : i1 to i32
      %sign3A_337 = arith.subi %sign3A_333, %sign3A_336 : i32
      %ne3A_338 = arith.cmpi ne, %sign3A_330, %sign3A_337 : i32
      %rem3A_339 = arith.remsi %add3A_321, %jit3A_322 : i32
      %ne3A_340 = arith.constant 0 : i32
      %ne3A_341 = arith.cmpi ne, %rem3A_339, %ne3A_340 : i32
      %and3A_342 = arith.andi %ne3A_338, %ne3A_341 : i1
      %sub3A_343 = arith.constant 1 : i32
      %sub3A_344 = arith.subi %div3A_323, %sub3A_343 : i32
      %select_n3A_345 = arith.select %and3A_342, %sub3A_344, %div3A_323 : i32
      %jit3A_346 = arith.constant 8 : i32
      %eq3A_347 = arith.constant 0 : i32
      %eq3A_348 = arith.cmpi eq, %jit3A_346, %eq3A_347 : i32
      %jit3A_349 = arith.constant 1 : i32
      %select_n3A_350 = arith.select %eq3A_348, %jit3A_349, %jit3A_346 : i32
      %rem3A_351 = arith.remsi %add3A_321, %select_n3A_350 : i32
      %ne3A_352 = arith.constant 0 : i32
      %ne3A_353 = arith.cmpi ne, %rem3A_351, %ne3A_352 : i32
      %lt3A_354 = arith.constant 0 : i32
      %lt3A_355 = arith.cmpi slt, %rem3A_351, %lt3A_354 : i32
      %lt3A_356 = arith.constant 0 : i32
      %lt3A_357 = arith.cmpi slt, %select_n3A_350, %lt3A_356 : i32
      %ne3A_358 = arith.xori %lt3A_355, %lt3A_357 : i1
      %and3A_359 = arith.andi %ne3A_358, %ne3A_353 : i1
      %add3A_360 = arith.addi %rem3A_351, %select_n3A_350 : i32
      %select_n3A_361 = arith.select %and3A_359, %add3A_360, %rem3A_351 : i32
      %mul3A_362 = arith.constant 64 : i32
      %mul3A_363 = arith.muli %select_n3A_361, %mul3A_362 : i32
      %add3A_364 = arith.constant 32 : i32
      %add3A_365 = arith.addi %mul3A_363, %add3A_364 : i32
      %dma_start3A_366 = arith.constant 0 : i32
      %dma_start3A_367 = tpu.memref_slice %arg2[%select_n3A_345, %add3A_365, %dma_start3A_366] : memref<48x512x512xf32, #tpu.memory_space<hbm>> -> memref<1x32x512xf32, #tpu.memory_space<hbm>>
      %dma_start3A_368 = tpu.memref_squeeze %dma_start3A_367 : memref<1x32x512xf32, #tpu.memory_space<hbm>> -> memref<32x512xf32, #tpu.memory_space<hbm>>
      %dma_start3A_369 = arith.constant 0 : i32
      %dma_start3A_370 = tpu.memref_slice %arg2[%select_n3A_345, %add3A_365, %dma_start3A_369] : memref<48x512x512xf32, #tpu.memory_space<hbm>> -> memref<1x32x512xf32, #tpu.memory_space<hbm>>
      %dma_start3A_371 = tpu.memref_squeeze %dma_start3A_370 : memref<1x32x512xf32, #tpu.memory_space<hbm>> -> memref<32x512xf32, #tpu.memory_space<hbm>>
      tpu.enqueue_dma source(%dma_start3A_371 : memref<32x512xf32, #tpu.memory_space<hbm>>) target(%arg5 : memref<32x512xf32, #tpu.memory_space<vmem>>) target_semaphore(%arg9 : memref<!tpu.dma_semaphore, #tpu.memory_space<semaphore_mem>>)
      %ge3A_372 = arith.constant 1 : i32
      %ge3A_373 = arith.cmpi sge, %add3A_64, %ge3A_372 : i32
      %convert_element_type3A_374 = arith.extui %ge3A_373 : i1 to i32
      %cond3A_375 = arith.constant 0 : i32
      %cond3A_376 = arith.cmpi ne, %convert_element_type3A_374, %cond3A_375 : i32
      scf.if %cond3A_376 {
        %dma_wait3A_522 = arith.constant 0 : i32
        %dma_wait3A_523 = arith.constant 0 : i32
        %dma_wait3A_524 = tpu.memref_slice %arg3[%dma_wait3A_522, %dma_wait3A_523] : memref<3072x4096xf32, #tpu.memory_space<hbm>> -> memref<8x4096xf32, #tpu.memory_space<hbm>>
        %dma_wait3A_525 = arith.constant 0 : i32
        %dma_wait3A_526 = arith.constant 0 : i32
        %dma_wait3A_527 = tpu.memref_slice %arg3[%dma_wait3A_525, %dma_wait3A_526] : memref<3072x4096xf32, #tpu.memory_space<hbm>> -> memref<8x4096xf32, #tpu.memory_space<hbm>>
        tpu.wait_dma2 semaphore(%arg11 : memref<!tpu.dma_semaphore, #tpu.memory_space<semaphore_mem>>) src(%arg7 : memref<8x4096xf32, #tpu.memory_space<vmem>>) dst(%dma_wait3A_527 : memref<8x4096xf32, #tpu.memory_space<hbm>>)
      } else {
      }
      %parallel_loop3A_377 = arith.constant 0 : i32
      %parallel_loop3A_378 = arith.constant 256 : i32
      %parallel_loop3A_379 = arith.constant 1 : i32
      scf.for %parallel_loop3A_522 = %parallel_loop3A_377 to %parallel_loop3A_378 step %parallel_loop3A_379  : i32 {
        %parallel_loop3A_523 = arith.constant 16 : i32
        %parallel_loop3A_524 = arith.muli %parallel_loop3A_522, %parallel_loop3A_523 : i32
        %parallel_loop3A_525 = arith.constant 0 : i32
        %parallel_loop3A_526 = arith.index_cast %parallel_loop3A_525 : i32 to index
        %parallel_loop3A_527 = arith.index_cast %parallel_loop3A_524 : i32 to index
        %parallel_loop3A_528 = tpu.vector_load %arg7[%parallel_loop3A_526, %parallel_loop3A_527] {strides = array<i32>} : memref<8x4096xf32, #tpu.memory_space<vmem>>, vector<16xf32>,
        tpu.vector_store %arg7[%parallel_loop3A_526, %parallel_loop3A_527], %broadcast_in_dim3A_3 {strides = array<i32>} : memref<8x4096xf32, #tpu.memory_space<vmem>>, vector<16xf32>,
      } {sc.loop_unroll_factor = 4 : i64, sc.parallel_access}
      %parallel_loop3A_380 = arith.constant 0 : i32
      %parallel_loop3A_381 = arith.constant 256 : i32
      %parallel_loop3A_382 = arith.constant 1 : i32
      scf.for %parallel_loop3A_522 = %parallel_loop3A_380 to %parallel_loop3A_381 step %parallel_loop3A_382  : i32 {
        %parallel_loop3A_523 = arith.constant 16 : i32
        %parallel_loop3A_524 = arith.muli %parallel_loop3A_522, %parallel_loop3A_523 : i32
        %parallel_loop3A_525 = arith.constant 1 : i32
        %parallel_loop3A_526 = arith.index_cast %parallel_loop3A_525 : i32 to index
        %parallel_loop3A_527 = arith.index_cast %parallel_loop3A_524 : i32 to index
        %parallel_loop3A_528 = tpu.vector_load %arg7[%parallel_loop3A_526, %parallel_loop3A_527] {strides = array<i32>} : memref<8x4096xf32, #tpu.memory_space<vmem>>, vector<16xf32>,
        tpu.vector_store %arg7[%parallel_loop3A_526, %parallel_loop3A_527], %broadcast_in_dim3A_3 {strides = array<i32>} : memref<8x4096xf32, #tpu.memory_space<vmem>>, vector<16xf32>,
      } {sc.loop_unroll_factor = 4 : i64, sc.parallel_access}
      %parallel_loop3A_383 = arith.constant 0 : i32
      %parallel_loop3A_384 = arith.constant 256 : i32
      %parallel_loop3A_385 = arith.constant 1 : i32
      scf.for %parallel_loop3A_522 = %parallel_loop3A_383 to %parallel_loop3A_384 step %parallel_loop3A_385  : i32 {
        %parallel_loop3A_523 = arith.constant 16 : i32
        %parallel_loop3A_524 = arith.muli %parallel_loop3A_522, %parallel_loop3A_523 : i32
        %parallel_loop3A_525 = arith.constant 2 : i32
        %parallel_loop3A_526 = arith.index_cast %parallel_loop3A_525 : i32 to index
        %parallel_loop3A_527 = arith.index_cast %parallel_loop3A_524 : i32 to index
        %parallel_loop3A_528 = tpu.vector_load %arg7[%parallel_loop3A_526, %parallel_loop3A_527] {strides = array<i32>} : memref<8x4096xf32, #tpu.memory_space<vmem>>, vector<16xf32>,
        tpu.vector_store %arg7[%parallel_loop3A_526, %parallel_loop3A_527], %broadcast_in_dim3A_3 {strides = array<i32>} : memref<8x4096xf32, #tpu.memory_space<vmem>>, vector<16xf32>,
      } {sc.loop_unroll_factor = 4 : i64, sc.parallel_access}
      %parallel_loop3A_386 = arith.constant 0 : i32
      %parallel_loop3A_387 = arith.constant 256 : i32
      %parallel_loop3A_388 = arith.constant 1 : i32
      scf.for %parallel_loop3A_522 = %parallel_loop3A_386 to %parallel_loop3A_387 step %parallel_loop3A_388  : i32 {
        %parallel_loop3A_523 = arith.constant 16 : i32
        %parallel_loop3A_524 = arith.muli %parallel_loop3A_522, %parallel_loop3A_523 : i32
        %parallel_loop3A_525 = arith.constant 3 : i32
        %parallel_loop3A_526 = arith.index_cast %parallel_loop3A_525 : i32 to index
        %parallel_loop3A_527 = arith.index_cast %parallel_loop3A_524 : i32 to index
        %parallel_loop3A_528 = tpu.vector_load %arg7[%parallel_loop3A_526, %parallel_loop3A_527] {strides = array<i32>} : memref<8x4096xf32, #tpu.memory_space<vmem>>, vector<16xf32>,
        tpu.vector_store %arg7[%parallel_loop3A_526, %parallel_loop3A_527], %broadcast_in_dim3A_3 {strides = array<i32>} : memref<8x4096xf32, #tpu.memory_space<vmem>>, vector<16xf32>,
      } {sc.loop_unroll_factor = 4 : i64, sc.parallel_access}
      %parallel_loop3A_389 = arith.constant 0 : i32
      %parallel_loop3A_390 = arith.constant 256 : i32
      %parallel_loop3A_391 = arith.constant 1 : i32
      scf.for %parallel_loop3A_522 = %parallel_loop3A_389 to %parallel_loop3A_390 step %parallel_loop3A_391  : i32 {
        %parallel_loop3A_523 = arith.constant 16 : i32
        %parallel_loop3A_524 = arith.muli %parallel_loop3A_522, %parallel_loop3A_523 : i32
        %parallel_loop3A_525 = arith.constant 4 : i32
        %parallel_loop3A_526 = arith.index_cast %parallel_loop3A_525 : i32 to index
        %parallel_loop3A_527 = arith.index_cast %parallel_loop3A_524 : i32 to index
        %parallel_loop3A_528 = tpu.vector_load %arg7[%parallel_loop3A_526, %parallel_loop3A_527] {strides = array<i32>} : memref<8x4096xf32, #tpu.memory_space<vmem>>, vector<16xf32>,
        tpu.vector_store %arg7[%parallel_loop3A_526, %parallel_loop3A_527], %broadcast_in_dim3A_3 {strides = array<i32>} : memref<8x4096xf32, #tpu.memory_space<vmem>>, vector<16xf32>,
      } {sc.loop_unroll_factor = 4 : i64, sc.parallel_access}
      %parallel_loop3A_392 = arith.constant 0 : i32
      %parallel_loop3A_393 = arith.constant 256 : i32
      %parallel_loop3A_394 = arith.constant 1 : i32
      scf.for %parallel_loop3A_522 = %parallel_loop3A_392 to %parallel_loop3A_393 step %parallel_loop3A_394  : i32 {
        %parallel_loop3A_523 = arith.constant 16 : i32
        %parallel_loop3A_524 = arith.muli %parallel_loop3A_522, %parallel_loop3A_523 : i32
        %parallel_loop3A_525 = arith.constant 5 : i32
        %parallel_loop3A_526 = arith.index_cast %parallel_loop3A_525 : i32 to index
        %parallel_loop3A_527 = arith.index_cast %parallel_loop3A_524 : i32 to index
        %parallel_loop3A_528 = tpu.vector_load %arg7[%parallel_loop3A_526, %parallel_loop3A_527] {strides = array<i32>} : memref<8x4096xf32, #tpu.memory_space<vmem>>, vector<16xf32>,
        tpu.vector_store %arg7[%parallel_loop3A_526, %parallel_loop3A_527], %broadcast_in_dim3A_3 {strides = array<i32>} : memref<8x4096xf32, #tpu.memory_space<vmem>>, vector<16xf32>,
      } {sc.loop_unroll_factor = 4 : i64, sc.parallel_access}
      %parallel_loop3A_395 = arith.constant 0 : i32
      %parallel_loop3A_396 = arith.constant 256 : i32
      %parallel_loop3A_397 = arith.constant 1 : i32
      scf.for %parallel_loop3A_522 = %parallel_loop3A_395 to %parallel_loop3A_396 step %parallel_loop3A_397  : i32 {
        %parallel_loop3A_523 = arith.constant 16 : i32
        %parallel_loop3A_524 = arith.muli %parallel_loop3A_522, %parallel_loop3A_523 : i32
        %parallel_loop3A_525 = arith.constant 6 : i32
        %parallel_loop3A_526 = arith.index_cast %parallel_loop3A_525 : i32 to index
        %parallel_loop3A_527 = arith.index_cast %parallel_loop3A_524 : i32 to index
        %parallel_loop3A_528 = tpu.vector_load %arg7[%parallel_loop3A_526, %parallel_loop3A_527] {strides = array<i32>} : memref<8x4096xf32, #tpu.memory_space<vmem>>, vector<16xf32>,
        tpu.vector_store %arg7[%parallel_loop3A_526, %parallel_loop3A_527], %broadcast_in_dim3A_3 {strides = array<i32>} : memref<8x4096xf32, #tpu.memory_space<vmem>>, vector<16xf32>,
      } {sc.loop_unroll_factor = 4 : i64, sc.parallel_access}
      %parallel_loop3A_398 = arith.constant 0 : i32
      %parallel_loop3A_399 = arith.constant 256 : i32
      %parallel_loop3A_400 = arith.constant 1 : i32
      scf.for %parallel_loop3A_522 = %parallel_loop3A_398 to %parallel_loop3A_399 step %parallel_loop3A_400  : i32 {
        %parallel_loop3A_523 = arith.constant 16 : i32
        %parallel_loop3A_524 = arith.muli %parallel_loop3A_522, %parallel_loop3A_523 : i32
        %parallel_loop3A_525 = arith.constant 7 : i32
        %parallel_loop3A_526 = arith.index_cast %parallel_loop3A_525 : i32 to index
        %parallel_loop3A_527 = arith.index_cast %parallel_loop3A_524 : i32 to index
        %parallel_loop3A_528 = tpu.vector_load %arg7[%parallel_loop3A_526, %parallel_loop3A_527] {strides = array<i32>} : memref<8x4096xf32, #tpu.memory_space<vmem>>, vector<16xf32>,
        tpu.vector_store %arg7[%parallel_loop3A_526, %parallel_loop3A_527], %broadcast_in_dim3A_3 {strides = array<i32>} : memref<8x4096xf32, #tpu.memory_space<vmem>>, vector<16xf32>,
      } {sc.loop_unroll_factor = 4 : i64, sc.parallel_access}
      %jit3A_401 = arith.constant 8 : i32
      %div3A_402 = arith.divsi %add3A_321, %jit3A_401 : i32
      %sign3A_403 = arith.constant 0 : i32
      %sign3A_404 = arith.cmpi sgt, %add3A_321, %sign3A_403 : i32
      %sign3A_405 = arith.extui %sign3A_404 : i1 to i32
      %sign3A_406 = arith.constant 0 : i32
      %sign3A_407 = arith.cmpi slt, %add3A_321, %sign3A_406 : i32
      %sign3A_408 = arith.extui %sign3A_407 : i1 to i32
      %sign3A_409 = arith.subi %sign3A_405, %sign3A_408 : i32
      %sign3A_410 = arith.constant 0 : i32
      %sign3A_411 = arith.cmpi sgt, %jit3A_401, %sign3A_410 : i32
      %sign3A_412 = arith.extui %sign3A_411 : i1 to i32
      %sign3A_413 = arith.constant 0 : i32
      %sign3A_414 = arith.cmpi slt, %jit3A_401, %sign3A_413 : i32
      %sign3A_415 = arith.extui %sign3A_414 : i1 to i32
      %sign3A_416 = arith.subi %sign3A_412, %sign3A_415 : i32
      %ne3A_417 = arith.cmpi ne, %sign3A_409, %sign3A_416 : i32
      %rem3A_418 = arith.remsi %add3A_321, %jit3A_401 : i32
      %ne3A_419 = arith.constant 0 : i32
      %ne3A_420 = arith.cmpi ne, %rem3A_418, %ne3A_419 : i32
      %and3A_421 = arith.andi %ne3A_417, %ne3A_420 : i1
      %sub3A_422 = arith.constant 1 : i32
      %sub3A_423 = arith.subi %div3A_402, %sub3A_422 : i32
      %select_n3A_424 = arith.select %and3A_421, %sub3A_423, %div3A_402 : i32
      %jit3A_425 = arith.constant 8 : i32
      %eq3A_426 = arith.constant 0 : i32
      %eq3A_427 = arith.cmpi eq, %jit3A_425, %eq3A_426 : i32
      %jit3A_428 = arith.constant 1 : i32
      %select_n3A_429 = arith.select %eq3A_427, %jit3A_428, %jit3A_425 : i32
      %rem3A_430 = arith.remsi %add3A_321, %select_n3A_429 : i32
      %ne3A_431 = arith.constant 0 : i32
      %ne3A_432 = arith.cmpi ne, %rem3A_430, %ne3A_431 : i32
      %lt3A_433 = arith.constant 0 : i32
      %lt3A_434 = arith.cmpi slt, %rem3A_430, %lt3A_433 : i32
      %lt3A_435 = arith.constant 0 : i32
      %lt3A_436 = arith.cmpi slt, %select_n3A_429, %lt3A_435 : i32
      %ne3A_437 = arith.xori %lt3A_434, %lt3A_436 : i1
      %and3A_438 = arith.andi %ne3A_437, %ne3A_432 : i1
      %add3A_439 = arith.addi %rem3A_430, %select_n3A_429 : i32
      %select_n3A_440 = arith.select %and3A_438, %add3A_439, %rem3A_430 : i32
      %mul3A_441 = arith.constant 64 : i32
      %mul3A_442 = arith.muli %select_n3A_440, %mul3A_441 : i32
      %add3A_443 = arith.constant 0 : i32
      %add3A_444 = arith.addi %mul3A_442, %add3A_443 : i32
      %dma_wait3A_445 = arith.constant 0 : i32
      %dma_wait3A_446 = tpu.memref_slice %arg2[%select_n3A_424, %add3A_444, %dma_wait3A_445] : memref<48x512x512xf32, #tpu.memory_space<hbm>> -> memref<1x32x512xf32, #tpu.memory_space<hbm>>
      %dma_wait3A_447 = tpu.memref_squeeze %dma_wait3A_446 : memref<1x32x512xf32, #tpu.memory_space<hbm>> -> memref<32x512xf32, #tpu.memory_space<hbm>>
      %dma_wait3A_448 = arith.constant 0 : i32
      %dma_wait3A_449 = tpu.memref_slice %arg2[%select_n3A_424, %add3A_444, %dma_wait3A_448] : memref<48x512x512xf32, #tpu.memory_space<hbm>> -> memref<1x32x512xf32, #tpu.memory_space<hbm>>
      %dma_wait3A_450 = tpu.memref_squeeze %dma_wait3A_449 : memref<1x32x512xf32, #tpu.memory_space<hbm>> -> memref<32x512xf32, #tpu.memory_space<hbm>>
      tpu.wait_dma2 semaphore(%arg8 : memref<!tpu.dma_semaphore, #tpu.memory_space<semaphore_mem>>) src(%dma_wait3A_450 : memref<32x512xf32, #tpu.memory_space<hbm>>) dst(%arg4 : memref<32x512xf32, #tpu.memory_space<vmem>>)
      %scan3A_451 = arith.constant 0 : i32
      %scan3A_452 = arith.constant 32 : i32
      %scan3A_453 = arith.addi %scan3A_451, %scan3A_452 : i32
      %scan3A_454 = arith.constant 1 : i32
      scf.for %scan3A_522 = %scan3A_451 to %scan3A_453 step %scan3A_454  : i32 {
        %mul3A_523 = arith.constant 1 : i32
        %mul3A_524 = arith.muli %scan3A_522, %mul3A_523 : i32
        %add3A_525 = arith.constant 0 : i32
        %add3A_526 = arith.addi %add3A_525, %mul3A_524 : i32
        %mul3A_527 = arith.constant 16 : i32
        %mul3A_528 = arith.muli %add3A_526, %mul3A_527 : i32
        %jit3A_529 = arith.constant 64 : i32
        %div3A_530 = arith.divsi %mul3A_528, %jit3A_529 : i32
        %sign3A_531 = arith.constant 0 : i32
        %sign3A_532 = arith.cmpi sgt, %mul3A_528, %sign3A_531 : i32
        %sign3A_533 = arith.extui %sign3A_532 : i1 to i32
        %sign3A_534 = arith.constant 0 : i32
        %sign3A_535 = arith.cmpi slt, %mul3A_528, %sign3A_534 : i32
        %sign3A_536 = arith.extui %sign3A_535 : i1 to i32
        %sign3A_537 = arith.subi %sign3A_533, %sign3A_536 : i32
        %sign3A_538 = arith.constant 0 : i32
        %sign3A_539 = arith.cmpi sgt, %jit3A_529, %sign3A_538 : i32
        %sign3A_540 = arith.extui %sign3A_539 : i1 to i32
        %sign3A_541 = arith.constant 0 : i32
        %sign3A_542 = arith.cmpi slt, %jit3A_529, %sign3A_541 : i32
        %sign3A_543 = arith.extui %sign3A_542 : i1 to i32
        %sign3A_544 = arith.subi %sign3A_540, %sign3A_543 : i32
        %ne3A_545 = arith.cmpi ne, %sign3A_537, %sign3A_544 : i32
        %rem3A_546 = arith.remsi %mul3A_528, %jit3A_529 : i32
        %ne3A_547 = arith.constant 0 : i32
        %ne3A_548 = arith.cmpi ne, %rem3A_546, %ne3A_547 : i32
        %and3A_549 = arith.andi %ne3A_545, %ne3A_548 : i1
        %sub3A_550 = arith.constant 1 : i32
        %sub3A_551 = arith.subi %div3A_530, %sub3A_550 : i32
        %select_n3A_552 = arith.select %and3A_549, %sub3A_551, %div3A_530 : i32
        %broadcast_in_dim3A_553 = vector.broadcast %select_n3A_552 : i32 to vector<16xi32>
        %parallel_loop3A_554 = arith.constant 0 : i32
        %parallel_loop3A_555 = arith.constant 32 : i32
        %parallel_loop3A_556 = arith.constant 1 : i32
        scf.for %parallel_loop3A_557 = %parallel_loop3A_554 to %parallel_loop3A_555 step %parallel_loop3A_556  : i32 {
          %parallel_loop3A_558 = arith.constant 16 : i32
          %parallel_loop3A_559 = arith.muli %add3A_526, %parallel_loop3A_558 : i32
          %parallel_loop3A_560 = arith.index_cast %parallel_loop3A_557 : i32 to index
          %parallel_loop3A_561 = arith.index_cast %parallel_loop3A_559 : i32 to index
          %parallel_loop3A_562 = tpu.vector_load %arg4[%parallel_loop3A_560, %parallel_loop3A_561] {strides = array<i32>} : memref<32x512xf32, #tpu.memory_space<vmem>>, vector<16xf32>,
          %parallel_loop3A_563 = arith.constant 2.560000e+02 : f32
          %parallel_loop3A_564 = vector.broadcast %parallel_loop3A_563 : f32 to vector<16xf32>
          %parallel_loop3A_565 = arith.mulf %parallel_loop3A_562, %parallel_loop3A_564 : vector<16xf32>
          %parallel_loop3A_566 = arith.fptosi %parallel_loop3A_565 : vector<16xf32> to vector<16xi32>
          %parallel_loop3A_567 = arith.constant 16 : i32
          %parallel_loop3A_568 = vector.broadcast %parallel_loop3A_567 : i32 to vector<16xi32>
          %parallel_loop3A_569 = arith.muli %parallel_loop3A_566, %parallel_loop3A_568 : vector<16xi32>
          %parallel_loop3A_570 = arith.addi %iota3A, %parallel_loop3A_569 : vector<16xi32>
          tpu.vector_store_idx %arg7[%broadcast_in_dim3A_553, %parallel_loop3A_570], %broadcast_in_dim3A_1 {add = true} : memref<8x4096xf32, #tpu.memory_space<vmem>>[vector<16xi32>, vector<16xi32>], vector<16xf32>,
        } {sc.loop_unroll_factor = 8 : i64, sc.parallel_access}
      }
      %scan3A_455 = arith.constant 32 : i32
      %lt3A_456 = arith.constant 5 : i32
      %lt3A_457 = arith.cmpi slt, %add3A_64, %lt3A_456 : i32
      %convert_element_type3A_458 = arith.extui %lt3A_457 : i1 to i32
      %cond3A_459 = arith.constant 0 : i32
      %cond3A_460 = arith.cmpi ne, %convert_element_type3A_458, %cond3A_459 : i32
      scf.if %cond3A_460 {
        %add3A_522 = arith.constant 1 : i32
        %add3A_523 = arith.addi %add3A_321, %add3A_522 : i32
        %jit3A_524 = arith.constant 8 : i32
        %div3A_525 = arith.divsi %add3A_523, %jit3A_524 : i32
        %sign3A_526 = arith.constant 0 : i32
        %sign3A_527 = arith.cmpi sgt, %add3A_523, %sign3A_526 : i32
        %sign3A_528 = arith.extui %sign3A_527 : i1 to i32
        %sign3A_529 = arith.constant 0 : i32
        %sign3A_530 = arith.cmpi slt, %add3A_523, %sign3A_529 : i32
        %sign3A_531 = arith.extui %sign3A_530 : i1 to i32
        %sign3A_532 = arith.subi %sign3A_528, %sign3A_531 : i32
        %sign3A_533 = arith.constant 0 : i32
        %sign3A_534 = arith.cmpi sgt, %jit3A_524, %sign3A_533 : i32
        %sign3A_535 = arith.extui %sign3A_534 : i1 to i32
        %sign3A_536 = arith.constant 0 : i32
        %sign3A_537 = arith.cmpi slt, %jit3A_524, %sign3A_536 : i32
        %sign3A_538 = arith.extui %sign3A_537 : i1 to i32
        %sign3A_539 = arith.subi %sign3A_535, %sign3A_538 : i32
        %ne3A_540 = arith.cmpi ne, %sign3A_532, %sign3A_539 : i32
        %rem3A_541 = arith.remsi %add3A_523, %jit3A_524 : i32
        %ne3A_542 = arith.constant 0 : i32
        %ne3A_543 = arith.cmpi ne, %rem3A_541, %ne3A_542 : i32
        %and3A_544 = arith.andi %ne3A_540, %ne3A_543 : i1
        %sub3A_545 = arith.constant 1 : i32
        %sub3A_546 = arith.subi %div3A_525, %sub3A_545 : i32
        %select_n3A_547 = arith.select %and3A_544, %sub3A_546, %div3A_525 : i32
        %jit3A_548 = arith.constant 8 : i32
        %eq3A_549 = arith.constant 0 : i32
        %eq3A_550 = arith.cmpi eq, %jit3A_548, %eq3A_549 : i32
        %jit3A_551 = arith.constant 1 : i32
        %select_n3A_552 = arith.select %eq3A_550, %jit3A_551, %jit3A_548 : i32
        %rem3A_553 = arith.remsi %add3A_523, %select_n3A_552 : i32
        %ne3A_554 = arith.constant 0 : i32
        %ne3A_555 = arith.cmpi ne, %rem3A_553, %ne3A_554 : i32
        %lt3A_556 = arith.constant 0 : i32
        %lt3A_557 = arith.cmpi slt, %rem3A_553, %lt3A_556 : i32
        %lt3A_558 = arith.constant 0 : i32
        %lt3A_559 = arith.cmpi slt, %select_n3A_552, %lt3A_558 : i32
        %ne3A_560 = arith.xori %lt3A_557, %lt3A_559 : i1
        %and3A_561 = arith.andi %ne3A_560, %ne3A_555 : i1
        %add3A_562 = arith.addi %rem3A_553, %select_n3A_552 : i32
        %select_n3A_563 = arith.select %and3A_561, %add3A_562, %rem3A_553 : i32
        %mul3A_564 = arith.constant 64 : i32
        %mul3A_565 = arith.muli %select_n3A_563, %mul3A_564 : i32
        %add3A_566 = arith.constant 0 : i32
        %add3A_567 = arith.addi %mul3A_565, %add3A_566 : i32
        %dma_start3A_568 = arith.constant 0 : i32
        %dma_start3A_569 = tpu.memref_slice %arg2[%select_n3A_547, %add3A_567, %dma_start3A_568] : memref<48x512x512xf32, #tpu.memory_space<hbm>> -> memref<1x32x512xf32, #tpu.memory_space<hbm>>
        %dma_start3A_570 = tpu.memref_squeeze %dma_start3A_569 : memref<1x32x512xf32, #tpu.memory_space<hbm>> -> memref<32x512xf32, #tpu.memory_space<hbm>>
        %dma_start3A_571 = arith.constant 0 : i32
        %dma_start3A_572 = tpu.memref_slice %arg2[%select_n3A_547, %add3A_567, %dma_start3A_571] : memref<48x512x512xf32, #tpu.memory_space<hbm>> -> memref<1x32x512xf32, #tpu.memory_space<hbm>>
        %dma_start3A_573 = tpu.memref_squeeze %dma_start3A_572 : memref<1x32x512xf32, #tpu.memory_space<hbm>> -> memref<32x512xf32, #tpu.memory_space<hbm>>
        tpu.enqueue_dma source(%dma_start3A_573 : memref<32x512xf32, #tpu.memory_space<hbm>>) target(%arg4 : memref<32x512xf32, #tpu.memory_space<vmem>>) target_semaphore(%arg8 : memref<!tpu.dma_semaphore, #tpu.memory_space<semaphore_mem>>)
      } else {
      }
      %jit3A_461 = arith.constant 8 : i32
      %div3A_462 = arith.divsi %add3A_321, %jit3A_461 : i32
      %sign3A_463 = arith.constant 0 : i32
      %sign3A_464 = arith.cmpi sgt, %add3A_321, %sign3A_463 : i32
      %sign3A_465 = arith.extui %sign3A_464 : i1 to i32
      %sign3A_466 = arith.constant 0 : i32
      %sign3A_467 = arith.cmpi slt, %add3A_321, %sign3A_466 : i32
      %sign3A_468 = arith.extui %sign3A_467 : i1 to i32
      %sign3A_469 = arith.subi %sign3A_465, %sign3A_468 : i32
      %sign3A_470 = arith.constant 0 : i32
      %sign3A_471 = arith.cmpi sgt, %jit3A_461, %sign3A_470 : i32
      %sign3A_472 = arith.extui %sign3A_471 : i1 to i32
      %sign3A_473 = arith.constant 0 : i32
      %sign3A_474 = arith.cmpi slt, %jit3A_461, %sign3A_473 : i32
      %sign3A_475 = arith.extui %sign3A_474 : i1 to i32
      %sign3A_476 = arith.subi %sign3A_472, %sign3A_475 : i32
      %ne3A_477 = arith.cmpi ne, %sign3A_469, %sign3A_476 : i32
      %rem3A_478 = arith.remsi %add3A_321, %jit3A_461 : i32
      %ne3A_479 = arith.constant 0 : i32
      %ne3A_480 = arith.cmpi ne, %rem3A_478, %ne3A_479 : i32
      %and3A_481 = arith.andi %ne3A_477, %ne3A_480 : i1
      %sub3A_482 = arith.constant 1 : i32
      %sub3A_483 = arith.subi %div3A_462, %sub3A_482 : i32
      %select_n3A_484 = arith.select %and3A_481, %sub3A_483, %div3A_462 : i32
      %jit3A_485 = arith.constant 8 : i32
      %eq3A_486 = arith.constant 0 : i32
      %eq3A_487 = arith.cmpi eq, %jit3A_485, %eq3A_486 : i32
      %jit3A_488 = arith.constant 1 : i32
      %select_n3A_489 = arith.select %eq3A_487, %jit3A_488, %jit3A_485 : i32
      %rem3A_490 = arith.remsi %add3A_321, %select_n3A_489 : i32
      %ne3A_491 = arith.constant 0 : i32
      %ne3A_492 = arith.cmpi ne, %rem3A_490, %ne3A_491 : i32
      %lt3A_493 = arith.constant 0 : i32
      %lt3A_494 = arith.cmpi slt, %rem3A_490, %lt3A_493 : i32
      %lt3A_495 = arith.constant 0 : i32
      %lt3A_496 = arith.cmpi slt, %select_n3A_489, %lt3A_495 : i32
      %ne3A_497 = arith.xori %lt3A_494, %lt3A_496 : i1
      %and3A_498 = arith.andi %ne3A_497, %ne3A_492 : i1
      %add3A_499 = arith.addi %rem3A_490, %select_n3A_489 : i32
      %select_n3A_500 = arith.select %and3A_498, %add3A_499, %rem3A_490 : i32
      %mul3A_501 = arith.constant 64 : i32
      %mul3A_502 = arith.muli %select_n3A_500, %mul3A_501 : i32
      %add3A_503 = arith.constant 32 : i32
      %add3A_504 = arith.addi %mul3A_502, %add3A_503 : i32
      %dma_wait3A_505 = arith.constant 0 : i32
      %dma_wait3A_506 = tpu.memref_slice %arg2[%select_n3A_484, %add3A_504, %dma_wait3A_505] : memref<48x512x512xf32, #tpu.memory_space<hbm>> -> memref<1x32x512xf32, #tpu.memory_space<hbm>>
      %dma_wait3A_507 = tpu.memref_squeeze %dma_wait3A_506 : memref<1x32x512xf32, #tpu.memory_space<hbm>> -> memref<32x512xf32, #tpu.memory_space<hbm>>
      %dma_wait3A_508 = arith.constant 0 : i32
      %dma_wait3A_509 = tpu.memref_slice %arg2[%select_n3A_484, %add3A_504, %dma_wait3A_508] : memref<48x512x512xf32, #tpu.memory_space<hbm>> -> memref<1x32x512xf32, #tpu.memory_space<hbm>>
      %dma_wait3A_510 = tpu.memref_squeeze %dma_wait3A_509 : memref<1x32x512xf32, #tpu.memory_space<hbm>> -> memref<32x512xf32, #tpu.memory_space<hbm>>
      tpu.wait_dma2 semaphore(%arg9 : memref<!tpu.dma_semaphore, #tpu.memory_space<semaphore_mem>>) src(%dma_wait3A_510 : memref<32x512xf32, #tpu.memory_space<hbm>>) dst(%arg5 : memref<32x512xf32, #tpu.memory_space<vmem>>)
      %scan3A_511 = arith.constant 0 : i32
      %scan3A_512 = arith.constant 32 : i32
      %scan3A_513 = arith.addi %scan3A_511, %scan3A_512 : i32
      %scan3A_514 = arith.constant 1 : i32
      scf.for %scan3A_522 = %scan3A_511 to %scan3A_513 step %scan3A_514  : i32 {
        %mul3A_523 = arith.constant 1 : i32
        %mul3A_524 = arith.muli %scan3A_522, %mul3A_523 : i32
        %add3A_525 = arith.constant 0 : i32
        %add3A_526 = arith.addi %add3A_525, %mul3A_524 : i32
        %mul3A_527 = arith.constant 16 : i32
        %mul3A_528 = arith.muli %add3A_526, %mul3A_527 : i32
        %jit3A_529 = arith.constant 64 : i32
        %div3A_530 = arith.divsi %mul3A_528, %jit3A_529 : i32
        %sign3A_531 = arith.constant 0 : i32
        %sign3A_532 = arith.cmpi sgt, %mul3A_528, %sign3A_531 : i32
        %sign3A_533 = arith.extui %sign3A_532 : i1 to i32
        %sign3A_534 = arith.constant 0 : i32
        %sign3A_535 = arith.cmpi slt, %mul3A_528, %sign3A_534 : i32
        %sign3A_536 = arith.extui %sign3A_535 : i1 to i32
        %sign3A_537 = arith.subi %sign3A_533, %sign3A_536 : i32
        %sign3A_538 = arith.constant 0 : i32
        %sign3A_539 = arith.cmpi sgt, %jit3A_529, %sign3A_538 : i32
        %sign3A_540 = arith.extui %sign3A_539 : i1 to i32
        %sign3A_541 = arith.constant 0 : i32
        %sign3A_542 = arith.cmpi slt, %jit3A_529, %sign3A_541 : i32
        %sign3A_543 = arith.extui %sign3A_542 : i1 to i32
        %sign3A_544 = arith.subi %sign3A_540, %sign3A_543 : i32
        %ne3A_545 = arith.cmpi ne, %sign3A_537, %sign3A_544 : i32
        %rem3A_546 = arith.remsi %mul3A_528, %jit3A_529 : i32
        %ne3A_547 = arith.constant 0 : i32
        %ne3A_548 = arith.cmpi ne, %rem3A_546, %ne3A_547 : i32
        %and3A_549 = arith.andi %ne3A_545, %ne3A_548 : i1
        %sub3A_550 = arith.constant 1 : i32
        %sub3A_551 = arith.subi %div3A_530, %sub3A_550 : i32
        %select_n3A_552 = arith.select %and3A_549, %sub3A_551, %div3A_530 : i32
        %broadcast_in_dim3A_553 = vector.broadcast %select_n3A_552 : i32 to vector<16xi32>
        %parallel_loop3A_554 = arith.constant 0 : i32
        %parallel_loop3A_555 = arith.constant 32 : i32
        %parallel_loop3A_556 = arith.constant 1 : i32
        scf.for %parallel_loop3A_557 = %parallel_loop3A_554 to %parallel_loop3A_555 step %parallel_loop3A_556  : i32 {
          %parallel_loop3A_558 = arith.constant 16 : i32
          %parallel_loop3A_559 = arith.muli %add3A_526, %parallel_loop3A_558 : i32
          %parallel_loop3A_560 = arith.index_cast %parallel_loop3A_557 : i32 to index
          %parallel_loop3A_561 = arith.index_cast %parallel_loop3A_559 : i32 to index
          %parallel_loop3A_562 = tpu.vector_load %arg5[%parallel_loop3A_560, %parallel_loop3A_561] {strides = array<i32>} : memref<32x512xf32, #tpu.memory_space<vmem>>, vector<16xf32>,
          %parallel_loop3A_563 = arith.constant 2.560000e+02 : f32
          %parallel_loop3A_564 = vector.broadcast %parallel_loop3A_563 : f32 to vector<16xf32>
          %parallel_loop3A_565 = arith.mulf %parallel_loop3A_562, %parallel_loop3A_564 : vector<16xf32>
          %parallel_loop3A_566 = arith.fptosi %parallel_loop3A_565 : vector<16xf32> to vector<16xi32>
          %parallel_loop3A_567 = arith.constant 16 : i32
          %parallel_loop3A_568 = vector.broadcast %parallel_loop3A_567 : i32 to vector<16xi32>
          %parallel_loop3A_569 = arith.muli %parallel_loop3A_566, %parallel_loop3A_568 : vector<16xi32>
          %parallel_loop3A_570 = arith.addi %iota3A, %parallel_loop3A_569 : vector<16xi32>
          tpu.vector_store_idx %arg7[%broadcast_in_dim3A_553, %parallel_loop3A_570], %broadcast_in_dim3A_1 {add = true} : memref<8x4096xf32, #tpu.memory_space<vmem>>[vector<16xi32>, vector<16xi32>], vector<16xf32>,
        } {sc.loop_unroll_factor = 8 : i64, sc.parallel_access}
      }
      %scan3A_515 = arith.constant 32 : i32
      %mul3A_516 = arith.constant 8 : i32
      %mul3A_517 = arith.muli %add3A_321, %mul3A_516 : i32
      %dma_start3A_518 = arith.constant 0 : i32
      %dma_start3A_519 = tpu.memref_slice %arg3[%mul3A_517, %dma_start3A_518] : memref<3072x4096xf32, #tpu.memory_space<hbm>> -> memref<8x4096xf32, #tpu.memory_space<hbm>>
      %dma_start3A_520 = arith.constant 0 : i32
      %dma_start3A_521 = tpu.memref_slice %arg3[%mul3A_517, %dma_start3A_520] : memref<3072x4096xf32, #tpu.memory_space<hbm>> -> memref<8x4096xf32, #tpu.memory_space<hbm>>
      tpu.enqueue_dma source(%arg7 : memref<8x4096xf32, #tpu.memory_space<vmem>>) target(%dma_start3A_521 : memref<8x4096xf32, #tpu.memory_space<hbm>>) target_semaphore(%arg11 : memref<!tpu.dma_semaphore, #tpu.memory_space<semaphore_mem>>)
    }
    %scan3A_48 = arith.constant 6 : i32
    %dma_wait3A = arith.constant 0 : i32
    %dma_wait3A_49 = arith.constant 0 : i32
    %dma_wait3A_50 = tpu.memref_slice %arg3[%dma_wait3A, %dma_wait3A_49] : memref<3072x4096xf32, #tpu.memory_space<hbm>> -> memref<8x4096xf32, #tpu.memory_space<hbm>>
    %dma_wait3A_51 = arith.constant 0 : i32
    %dma_wait3A_52 = arith.constant 0 : i32
    %dma_wait3A_53 = tpu.memref_slice %arg3[%dma_wait3A_51, %dma_wait3A_52] : memref<3072x4096xf32, #tpu.memory_space<hbm>> -> memref<8x4096xf32, #tpu.memory_space<hbm>>
    tpu.wait_dma2 semaphore(%arg10 : memref<!tpu.dma_semaphore, #tpu.memory_space<semaphore_mem>>) src(%arg6 : memref<8x4096xf32, #tpu.memory_space<vmem>>) dst(%dma_wait3A_53 : memref<8x4096xf32, #tpu.memory_space<hbm>>)
    %dma_wait3A_54 = arith.constant 0 : i32
    %dma_wait3A_55 = arith.constant 0 : i32
    %dma_wait3A_56 = tpu.memref_slice %arg3[%dma_wait3A_54, %dma_wait3A_55] : memref<3072x4096xf32, #tpu.memory_space<hbm>> -> memref<8x4096xf32, #tpu.memory_space<hbm>>
    %dma_wait3A_57 = arith.constant 0 : i32
    %dma_wait3A_58 = arith.constant 0 : i32
    %dma_wait3A_59 = tpu.memref_slice %arg3[%dma_wait3A_57, %dma_wait3A_58] : memref<3072x4096xf32, #tpu.memory_space<hbm>> -> memref<8x4096xf32, #tpu.memory_space<hbm>>
    tpu.wait_dma2 semaphore(%arg11 : memref<!tpu.dma_semaphore, #tpu.memory_space<semaphore_mem>>) src(%arg7 : memref<8x4096xf32, #tpu.memory_space<vmem>>) dst(%dma_wait3A_59 : memref<8x4096xf32, #tpu.memory_space<hbm>>)
    return
  }
}

module attributes {stable_mosaic.version = 14 : i64} {
  func.func @body(%arg0: i32, %arg1: memref<256x4096xf32, #tpu.memory_space<vmem>>, %arg2: memref<256x256xi32, #tpu.memory_space<vmem>>) attributes {dimension_semantics = [#tpu.dimension_semantics<arbitrary>], iteration_bounds = array<i64: 12>, scalar_prefetch = 0 : i64, scratch_operands = 0 : i64, tpu.core_type = #tpu.core_type<tc>, window_params = [{transform_indices = @transform_0, window_bounds = array<i64: 256, 4096>}, {transform_indices = @transform_1, window_bounds = array<i64: 256, 256>}]} {
    %get3A = arith.constant 0 : index
    %get3A_0 = arith.constant 0 : index
    %get3A_1 = vector.load %arg1[%get3A, %get3A_0] : memref<256x4096xf32, #tpu.memory_space<vmem>>, vector<256x4096xf32>
    %iota3A = tpu.iota {dimensions = array<i32: 0>} : vector<4096x256xi32>
    %iota3A_2 = tpu.iota {dimensions = array<i32: 1>} : vector<4096x256xi32>
    %jit3A = arith.constant 16 : i32
    %div3A = vector.broadcast %jit3A : i32 to vector<4096x256xi32>
    %div3A_3 = arith.divsi %iota3A, %div3A : vector<4096x256xi32>
    %sign3A = arith.constant 0 : i32
    %sign3A_4 = vector.broadcast %sign3A : i32 to vector<4096x256xi32>
    %sign3A_5 = arith.cmpi sgt, %iota3A, %sign3A_4 : vector<4096x256xi32>
    %sign3A_6 = arith.extui %sign3A_5 : vector<4096x256xi1> to vector<4096x256xi32>
    %sign3A_7 = arith.constant 0 : i32
    %sign3A_8 = vector.broadcast %sign3A_7 : i32 to vector<4096x256xi32>
    %sign3A_9 = arith.cmpi slt, %iota3A, %sign3A_8 : vector<4096x256xi32>
    %sign3A_10 = arith.extui %sign3A_9 : vector<4096x256xi1> to vector<4096x256xi32>
    %sign3A_11 = arith.subi %sign3A_6, %sign3A_10 : vector<4096x256xi32>
    %sign3A_12 = arith.constant 0 : i32
    %sign3A_13 = arith.cmpi sgt, %jit3A, %sign3A_12 : i32
    %sign3A_14 = arith.extui %sign3A_13 : i1 to i32
    %sign3A_15 = arith.constant 0 : i32
    %sign3A_16 = arith.cmpi slt, %jit3A, %sign3A_15 : i32
    %sign3A_17 = arith.extui %sign3A_16 : i1 to i32
    %sign3A_18 = arith.subi %sign3A_14, %sign3A_17 : i32
    %ne3A = vector.broadcast %sign3A_18 : i32 to vector<4096x256xi32>
    %ne3A_19 = arith.cmpi ne, %sign3A_11, %ne3A : vector<4096x256xi32>
    %rem3A = vector.broadcast %jit3A : i32 to vector<4096x256xi32>
    %rem3A_20 = arith.remsi %iota3A, %rem3A : vector<4096x256xi32>
    %ne3A_21 = arith.constant 0 : i32
    %ne3A_22 = vector.broadcast %ne3A_21 : i32 to vector<4096x256xi32>
    %ne3A_23 = arith.cmpi ne, %rem3A_20, %ne3A_22 : vector<4096x256xi32>
    %and3A = arith.andi %ne3A_19, %ne3A_23 : vector<4096x256xi1>
    %sub3A = arith.constant 1 : i32
    %sub3A_24 = vector.broadcast %sub3A : i32 to vector<4096x256xi32>
    %sub3A_25 = arith.subi %div3A_3, %sub3A_24 : vector<4096x256xi32>
    %select_n3A = arith.select %and3A, %sub3A_25, %div3A_3 : vector<4096x256xi1>, vector<4096x256xi32>
    %eq3A = arith.cmpi eq, %select_n3A, %iota3A_2 : vector<4096x256xi32>
    %convert_element_type3A = arith.extui %eq3A : vector<4096x256xi1> to vector<4096x256xi32>
    %convert_element_type3A_26 = arith.sitofp %convert_element_type3A : vector<4096x256xi32> to vector<4096x256xf32>
    %dot_general3A = arith.constant dense<0.000000e+00> : vector<256x256xf32>
    %dot_general3A_27 = tpu.matmul %get3A_1, %convert_element_type3A_26, %dot_general3A {dimension_numbers = #tpu.dot_dimension_numbers<[1], [0], [0], [1], [0, 0, 1, 1], [], []>, transpose_lhs_hint = false} : vector<256x4096xf32>, vector<4096x256xf32>, vector<256x256xf32> -> vector<256x256xf32>
    %min3A = arith.constant 1.200000e+01 : f32
    %min3A_28 = vector.broadcast %min3A : f32 to vector<256x256xf32>
    %min3A_29 = arith.minimumf %dot_general3A_27, %min3A_28 : vector<256x256xf32>
    %reduce_sum3A = arith.constant dense<0.000000e+00> : vector<256xf32>
    %reduce_sum3A_30 = vector.multi_reduction <add>, %min3A_29, %reduce_sum3A [1] : vector<256x256xf32> to vector<256xf32>
    %broadcast_in_dim3A = vector.shape_cast %reduce_sum3A_30 : vector<256xf32> to vector<256x1xf32>
    %sub3A_31 = arith.constant 4.096000e+03 : f32
    %sub3A_32 = vector.broadcast %sub3A_31 : f32 to vector<256x1xf32>
    %sub3A_33 = arith.subf %sub3A_32, %broadcast_in_dim3A : vector<256x1xf32>
    %mul3A = arith.constant 3.906250e-03 : f32
    %mul3A_34 = vector.broadcast %mul3A : f32 to vector<256x1xf32>
    %mul3A_35 = arith.mulf %sub3A_33, %mul3A_34 : vector<256x1xf32>
    %floor3A = math.floor %mul3A_35 : vector<256x1xf32>
    %mul3A_36 = arith.constant 2.560000e+02 : f32
    %mul3A_37 = vector.broadcast %mul3A_36 : f32 to vector<256x1xf32>
    %mul3A_38 = arith.mulf %floor3A, %mul3A_37 : vector<256x1xf32>
    %sub3A_39 = arith.subf %sub3A_33, %mul3A_38 : vector<256x1xf32>
    %iota3A_40 = tpu.iota {dimensions = array<i32: 1>} : vector<256x256xi32>
    %convert_element_type3A_41 = arith.sitofp %iota3A_40 : vector<256x256xi32> to vector<256x256xf32>
    %add3A = vector.broadcast %floor3A : vector<256x1xf32> to vector<256x256xf32>
    %add3A_42 = arith.addf %min3A_29, %add3A : vector<256x256xf32>
    %lt3A = vector.broadcast %sub3A_39 : vector<256x1xf32> to vector<256x256xf32>
    %lt3A_43 = arith.cmpf olt, %convert_element_type3A_41, %lt3A : vector<256x256xf32>
    %convert_element_type3A_44 = arith.extui %lt3A_43 : vector<256x256xi1> to vector<256x256xi32>
    %convert_element_type3A_45 = arith.sitofp %convert_element_type3A_44 : vector<256x256xi32> to vector<256x256xf32>
    %add3A_46 = arith.addf %add3A_42, %convert_element_type3A_45 : vector<256x256xf32>
    %broadcast_in_dim3A_47 = arith.constant 0.000000e+00 : f32
    %broadcast_in_dim3A_48 = vector.broadcast %broadcast_in_dim3A_47 : f32 to vector<256x1xf32>
    %slice3A = vector.extract_strided_slice %add3A_46 {offsets = [0, 0], sizes = [256, 255], strides = [1, 1]} : vector<256x256xf32> to vector<256x255xf32>
    %concatenate3A = tpu.concatenate %broadcast_in_dim3A_48, %slice3A in 1 : vector<256x1xf32>, vector<256x255xf32> -> vector<256x256xf32>
    %add3A_49 = arith.addf %add3A_46, %concatenate3A : vector<256x256xf32>
    %broadcast_in_dim3A_50 = arith.constant 0.000000e+00 : f32
    %broadcast_in_dim3A_51 = vector.broadcast %broadcast_in_dim3A_50 : f32 to vector<256x2xf32>
    %slice3A_52 = vector.extract_strided_slice %add3A_49 {offsets = [0, 0], sizes = [256, 254], strides = [1, 1]} : vector<256x256xf32> to vector<256x254xf32>
    %concatenate3A_53 = tpu.concatenate %broadcast_in_dim3A_51, %slice3A_52 in 1 : vector<256x2xf32>, vector<256x254xf32> -> vector<256x256xf32>
    %add3A_54 = arith.addf %add3A_49, %concatenate3A_53 : vector<256x256xf32>
    %broadcast_in_dim3A_55 = arith.constant 0.000000e+00 : f32
    %broadcast_in_dim3A_56 = vector.broadcast %broadcast_in_dim3A_55 : f32 to vector<256x4xf32>
    %slice3A_57 = vector.extract_strided_slice %add3A_54 {offsets = [0, 0], sizes = [256, 252], strides = [1, 1]} : vector<256x256xf32> to vector<256x252xf32>
    %concatenate3A_58 = tpu.concatenate %broadcast_in_dim3A_56, %slice3A_57 in 1 : vector<256x4xf32>, vector<256x252xf32> -> vector<256x256xf32>
    %add3A_59 = arith.addf %add3A_54, %concatenate3A_58 : vector<256x256xf32>
    %broadcast_in_dim3A_60 = arith.constant 0.000000e+00 : f32
    %broadcast_in_dim3A_61 = vector.broadcast %broadcast_in_dim3A_60 : f32 to vector<256x8xf32>
    %slice3A_62 = vector.extract_strided_slice %add3A_59 {offsets = [0, 0], sizes = [256, 248], strides = [1, 1]} : vector<256x256xf32> to vector<256x248xf32>
    %concatenate3A_63 = tpu.concatenate %broadcast_in_dim3A_61, %slice3A_62 in 1 : vector<256x8xf32>, vector<256x248xf32> -> vector<256x256xf32>
    %add3A_64 = arith.addf %add3A_59, %concatenate3A_63 : vector<256x256xf32>
    %broadcast_in_dim3A_65 = arith.constant 0.000000e+00 : f32
    %broadcast_in_dim3A_66 = vector.broadcast %broadcast_in_dim3A_65 : f32 to vector<256x16xf32>
    %slice3A_67 = vector.extract_strided_slice %add3A_64 {offsets = [0, 0], sizes = [256, 240], strides = [1, 1]} : vector<256x256xf32> to vector<256x240xf32>
    %concatenate3A_68 = tpu.concatenate %broadcast_in_dim3A_66, %slice3A_67 in 1 : vector<256x16xf32>, vector<256x240xf32> -> vector<256x256xf32>
    %add3A_69 = arith.addf %add3A_64, %concatenate3A_68 : vector<256x256xf32>
    %broadcast_in_dim3A_70 = arith.constant 0.000000e+00 : f32
    %broadcast_in_dim3A_71 = vector.broadcast %broadcast_in_dim3A_70 : f32 to vector<256x32xf32>
    %slice3A_72 = vector.extract_strided_slice %add3A_69 {offsets = [0, 0], sizes = [256, 224], strides = [1, 1]} : vector<256x256xf32> to vector<256x224xf32>
    %concatenate3A_73 = tpu.concatenate %broadcast_in_dim3A_71, %slice3A_72 in 1 : vector<256x32xf32>, vector<256x224xf32> -> vector<256x256xf32>
    %add3A_74 = arith.addf %add3A_69, %concatenate3A_73 : vector<256x256xf32>
    %broadcast_in_dim3A_75 = arith.constant 0.000000e+00 : f32
    %broadcast_in_dim3A_76 = vector.broadcast %broadcast_in_dim3A_75 : f32 to vector<256x64xf32>
    %slice3A_77 = vector.extract_strided_slice %add3A_74 {offsets = [0, 0], sizes = [256, 192], strides = [1, 1]} : vector<256x256xf32> to vector<256x192xf32>
    %concatenate3A_78 = tpu.concatenate %broadcast_in_dim3A_76, %slice3A_77 in 1 : vector<256x64xf32>, vector<256x192xf32> -> vector<256x256xf32>
    %add3A_79 = arith.addf %add3A_74, %concatenate3A_78 : vector<256x256xf32>
    %broadcast_in_dim3A_80 = arith.constant 0.000000e+00 : f32
    %broadcast_in_dim3A_81 = vector.broadcast %broadcast_in_dim3A_80 : f32 to vector<256x128xf32>
    %slice3A_82 = vector.extract_strided_slice %add3A_79 {offsets = [0, 0], sizes = [256, 128], strides = [1, 1]} : vector<256x256xf32> to vector<256x128xf32>
    %concatenate3A_83 = tpu.concatenate %broadcast_in_dim3A_81, %slice3A_82 in 1 : vector<256x128xf32>, vector<256x128xf32> -> vector<256x256xf32>
    %add3A_84 = arith.addf %add3A_79, %concatenate3A_83 : vector<256x256xf32>
    %mul3A_85 = arith.constant 0.0622558594 : f32
    %mul3A_86 = vector.broadcast %mul3A_85 : f32 to vector<256x256xf32>
    %mul3A_87 = arith.mulf %add3A_84, %mul3A_86 : vector<256x256xf32>
    %jit3A_88 = arith.constant 0.000000e+00 : f32
    %jit3A_89 = arith.constant 2.550000e+02 : f32
    %max3A = vector.broadcast %jit3A_88 : f32 to vector<256x256xf32>
    %max3A_90 = arith.maximumf %max3A, %mul3A_87 : vector<256x256xf32>
    %min3A_91 = vector.broadcast %jit3A_89 : f32 to vector<256x256xf32>
    %min3A_92 = arith.minimumf %min3A_91, %max3A_90 : vector<256x256xf32>
    %floor3A_93 = math.floor %min3A_92 : vector<256x256xf32>
    %mul3A_94 = arith.constant 0.00392156886 : f32
    %mul3A_95 = vector.broadcast %mul3A_94 : f32 to vector<256x256xf32>
    %mul3A_96 = arith.mulf %floor3A_93, %mul3A_95 : vector<256x256xf32>
    %slice3A_97 = vector.extract_strided_slice %mul3A_96 {offsets = [0, 0], sizes = [64, 256], strides = [1, 1]} : vector<256x256xf32> to vector<64x256xf32>
    %slice3A_98 = vector.extract_strided_slice %slice3A_97 {offsets = [8, 0], sizes = [56, 256], strides = [1, 1]} : vector<64x256xf32> to vector<56x256xf32>
    %slice3A_99 = vector.extract_strided_slice %slice3A_97 {offsets = [56, 0], sizes = [8, 256], strides = [1, 1]} : vector<64x256xf32> to vector<8x256xf32>
    %concatenate3A_100 = tpu.concatenate %slice3A_98, %slice3A_99 in 0 : vector<56x256xf32>, vector<8x256xf32> -> vector<64x256xf32>
    %slice3A_101 = vector.extract_strided_slice %mul3A_96 {offsets = [64, 0], sizes = [64, 256], strides = [1, 1]} : vector<256x256xf32> to vector<64x256xf32>
    %slice3A_102 = vector.extract_strided_slice %slice3A_101 {offsets = [8, 0], sizes = [56, 256], strides = [1, 1]} : vector<64x256xf32> to vector<56x256xf32>
    %slice3A_103 = vector.extract_strided_slice %slice3A_101 {offsets = [56, 0], sizes = [8, 256], strides = [1, 1]} : vector<64x256xf32> to vector<8x256xf32>
    %concatenate3A_104 = tpu.concatenate %slice3A_102, %slice3A_103 in 0 : vector<56x256xf32>, vector<8x256xf32> -> vector<64x256xf32>
    %slice3A_105 = vector.extract_strided_slice %mul3A_96 {offsets = [128, 0], sizes = [64, 256], strides = [1, 1]} : vector<256x256xf32> to vector<64x256xf32>
    %slice3A_106 = vector.extract_strided_slice %slice3A_105 {offsets = [8, 0], sizes = [56, 256], strides = [1, 1]} : vector<64x256xf32> to vector<56x256xf32>
    %slice3A_107 = vector.extract_strided_slice %slice3A_105 {offsets = [56, 0], sizes = [8, 256], strides = [1, 1]} : vector<64x256xf32> to vector<8x256xf32>
    %concatenate3A_108 = tpu.concatenate %slice3A_106, %slice3A_107 in 0 : vector<56x256xf32>, vector<8x256xf32> -> vector<64x256xf32>
    %slice3A_109 = vector.extract_strided_slice %mul3A_96 {offsets = [192, 0], sizes = [64, 256], strides = [1, 1]} : vector<256x256xf32> to vector<64x256xf32>
    %slice3A_110 = vector.extract_strided_slice %slice3A_109 {offsets = [8, 0], sizes = [56, 256], strides = [1, 1]} : vector<64x256xf32> to vector<56x256xf32>
    %slice3A_111 = vector.extract_strided_slice %slice3A_109 {offsets = [56, 0], sizes = [8, 256], strides = [1, 1]} : vector<64x256xf32> to vector<8x256xf32>
    %concatenate3A_112 = tpu.concatenate %slice3A_110, %slice3A_111 in 0 : vector<56x256xf32>, vector<8x256xf32> -> vector<64x256xf32>
    %concatenate3A_113 = tpu.concatenate %concatenate3A_100, %concatenate3A_104, %concatenate3A_108, %concatenate3A_112 in 0 : vector<64x256xf32>, vector<64x256xf32>, vector<64x256xf32>, vector<64x256xf32> -> vector<256x256xf32>
    %convert_element_type3A_114 = arith.truncf %mul3A_96 : vector<256x256xf32> to vector<256x256xbf16>
    %bitcast_convert_type3A = tpu.bitcast %convert_element_type3A_114 : vector<256x256xbf16> -> vector<256x256xi16>
    %convert_element_type3A_115 = arith.truncf %concatenate3A_113 : vector<256x256xf32> to vector<256x256xbf16>
    %bitcast_convert_type3A_116 = tpu.bitcast %convert_element_type3A_115 : vector<256x256xbf16> -> vector<256x256xi16>
    %convert_element_type3A_117 = arith.extui %bitcast_convert_type3A : vector<256x256xi16> to vector<256x256xi32>
    %shift_left3A = arith.constant 16 : i32
    %shift_left3A_118 = vector.broadcast %shift_left3A : i32 to vector<256x256xi32>
    %shift_left3A_119 = arith.shli %convert_element_type3A_117, %shift_left3A_118 : vector<256x256xi32>
    %convert_element_type3A_120 = arith.extui %bitcast_convert_type3A_116 : vector<256x256xi16> to vector<256x256xi32>
    %or3A = arith.ori %shift_left3A_119, %convert_element_type3A_120 : vector<256x256xi32>
    %bitcast_convert_type3A_121 = tpu.bitcast %or3A : vector<256x256xi32> -> vector<256x256xi32>
    %swap3A = arith.constant 0 : index
    %swap3A_122 = arith.constant 0 : index
    %swap3A_123 = vector.load %arg2[%swap3A, %swap3A_122] : memref<256x256xi32, #tpu.memory_space<vmem>>, vector<256x256xi32>
    tpu.vector_store %arg2[%swap3A, %swap3A_122], %bitcast_convert_type3A_121 {strides = array<i32>} : memref<256x256xi32, #tpu.memory_space<vmem>>, vector<256x256xi32>,
    return
  }
  func.func @transform_0(%arg0: i32) -> (i32, i32) {
    %c0_i32 = arith.constant 0 : i32
    %c0_i32_0 = arith.constant 0 : i32
    return %arg0, %c0_i32 : i32, i32
  }
  func.func @transform_1(%arg0: i32) -> (i32, i32) {
    %c0_i32 = arith.constant 0 : i32
    %c0_i32_0 = arith.constant 0 : i32
    return %arg0, %c0_i32 : i32, i32
  }
}

</mosaic_0001>

<sc_bundles>
// kernel: kernel.5.cloned.1.call-start
scs
__scs_entry_jumppad:
0x0: {  	(pc) =	sbr.rel $0x88, $3  }
0x1: {  	(tag) =	ssettag $0x0;
	lr =	simm.s32 $0x1  }
0x2: {  	[smem:$0x3FA0] =	sst lr;
	_ =	strace $0xD0000000  }
0x3: {  	_ = 	snop  }
0x4: {  	_ = 	snop  }
0x5: {  	_ = 	snop  }
0x6: {  	_ = 	snop  }
0x7: {  	_ = 	snop  }
__scs_overlays_trampoline_lowered:
0x8: {  	[smem:$0x3FAF] =	sst s0  }
0x9: {  	[smem:$0x3FB0] =	sst s1  }
0xa: {  	[smem:$0x3FB1] =	sst s2  }
0xb: {  	[smem:$0x3FB2] =	sst s3  }
0xc: {  	[smem:$0x3FB3] =	sst s4  }
0xd: {  	[smem:$0x3FB4] =	sst s5  }
0xe: {  	[smem:$0x3FB5] =	sst s6  }
0xf: {  	[smem:$0x3FB6] =	sst s7  }
0x10: {  	[smem:$0x3FB7] =	sst s8  }
0x11: {  	[smem:$0x3FB8] =	sst s9;
	s0 =	simm.s32 @!p0 $0x0  }
0x12: {  	s1 =	sld [smem:$0x3F9E];
	s0 =	simm.s32 @p0 $0x1  }
0x13: {  	[smem:$0x3FB9] =	sst s0;
	s0 =	simm.s32 @!p1 $0x0  }
0x14: {  	s2 =	sld [smem:$0x3F9D];
	s0 =	simm.s32 @p1 $0x1  }
0x15: {  	[smem:$0x3FBA] =	sst s0;
	s0 =	simm.s32 @!p2 $0x0  }
0x16: {  	s3 =	sld [smem:$0x3FDB];
	s0 =	simm.s32 @p2 $0x1  }
0x17: {  	s4 =	simm.s32 $0x1BF5;
	[smem:$0x3FBC] =	sst s0  }
0x18: {  	s0 =	sld [smem:$0x3F9F];
	_ =	swait.ge [sflag:s4], $0x0  }
0x19: {  	s7 =	sld [smem:$0x3FA0]  }
0x1a: {  	s8 =	sadd.s32 $0xFFFFE003, lr  }
0x1b: {  	s9 =	sadd.s32 $0xFFFFFEF7, lr;
	s5 =	simm.s32 $0xFFFFFFFF;
	p2 =	slt.u32 s8, $0xFFFFF086  }
0x1c: {  	p1 =	slt.u32 s9, $0xF7A;
	s5 =	simm.s32 @!p2 $0x0  }
0x1d: {  	s5 =	simm.s32 @p1 $0x1;
	p0 =	seq.s32 s7, s2  }
0x1e: {  	s7 =	smul.u32 @!p0 $0xF7A, s2;
	p2 =	seq.s32 @!p0 s5, $0x0  }
0x1f: {  	s9 =	smul.u32 $0xF7A, s1;
	s8 =	simm.s32 @!p0 $0x1BF5;
	p2 =	por !p2, p0  }
0x20: {  	[sflag:s8] =	ssyncset.s32 @!p0 $0xFFFFF086;
	s6 =	sadd.s32 @!p0 s3, s7;
	s7 =	simm.s32 @!p0 $0x108  }
0x21: {  	s3 =	sadd.s32 s3, s9;
	s6 =	sadd.s32 @!p0 $0x88, s6;
	s7 =	simm.s32 @p2 $0x1082  }
0x22: {  	[simem:s7], [sflag:s8] =	dma.local @!p0 [hbm:s6], $0xF7A  }
0x23: {  	s9 =	sor.u32 $0xD0000000, s2;
	s6 =	simm.s32 $0x108;
	_ =	swait.ge @!p0 [sflag:s8], $0x0  }
0x24: {  	s3 =	sadd.s32 $0x88, s3;
	s6 =	simm.s32 @!p1 $0x1082;
	[sflag:s4] =	ssyncset.s32 $0xFFFFF086  }
0x25: {  	[simem:s6], [sflag:s4] =	dma.local [hbm:s3], $0xF7A  }
0x26: {  	[smem:$0x3FA0] =	sst s1;
	(tag) =	ssettag s2;
	_ =	strace s9  }
0x27: {  	s1 =	sld [smem:$0x3FB0]  }
0x28: {  	s2 =	sld [smem:$0x3FB1]  }
0x29: {  	s4 =	sld [smem:$0x3FB3]  }
0x2a: {  	p0 =	seq.s32 s5, $0x0;
	s5 =	sld [smem:$0x3FB4]  }
0x2b: {  	s6 =	sld [smem:$0x3FB5]  }
0x2c: {  	s7 =	sld [smem:$0x3FB6]  }
0x2d: {  	s3 =	simm.s32 $0x108;
	s8 =	sld [smem:$0x3FB7]  }
0x2e: {  	s3 =	simm.s32 @!p0 $0x1082;
	s9 =	sld [smem:$0x3FB8]  }
0x2f: {  	lr =	sadd.s32 s0, s3;
	s0 =	sld [smem:$0x3FAF]  }
0x30: {  	s3 =	sld [smem:$0x3FB2]  }
0x31: {  	[smem:$0x3FBB] =	sst s10  }
0x32: {  	s10 =	sld [smem:$0x3FB9];
	_ =	sdelay $0x3  }
0x33: {  	p0 =	seq.s32 s10, $0x1;
	s10 =	sld [smem:$0x3FBB];
	_ =	sdelay $0x3  }
0x34: {  	[smem:$0x3FBB] =	sst s10  }
0x35: {  	s10 =	sld [smem:$0x3FBA];
	_ =	sdelay $0x3  }
0x36: {  	p1 =	seq.s32 s10, $0x1;
	s10 =	sld [smem:$0x3FBB];
	_ =	sdelay $0x3  }
0x37: {  	[smem:$0x3FBB] =	sst s10  }
0x38: {  	s10 =	sld [smem:$0x3FBC]  }
0x39: {  	_ = 	snop;
	(pc) =	sbr.ind lr, $3  }
0x3a: {  	_ = 	snop  }
0x3b: {  	_ = 	snop  }
0x3c: {  	p2 =	seq.s32 s10, $0x1;
	s10 =	sld [smem:$0x3FBB]  }
0x3d: {  	_ =	shalt  }
0x3e: {  	_ =	shalt  }
0x3f: {  	_ =	shalt  }
0x40: {  	_ =	shalt  }
0x41: {  	_ =	shalt  }
0x42: {  	_ =	shalt  }
0x43: {  	_ =	shalt  }
0x44: {  	_ =	shalt  }
0x45: {  	_ =	shalt  }
0x46: {  	_ =	shalt  }
0x47: {  	_ =	shalt  }
0x48: {  	_ =	shalt  }
0x49: {  	_ =	shalt  }
0x4a: {  	_ =	shalt  }
0x4b: {  	_ =	shalt  }
0x4c: {  	_ =	shalt  }
0x4d: {  	_ =	shalt  }
0x4e: {  	_ =	shalt  }
0x4f: {  	_ =	shalt  }
0x50: {  	_ =	shalt  }
0x51: {  	_ =	shalt  }
0x52: {  	_ =	shalt  }
0x53: {  	_ =	shalt  }
0x54: {  	_ =	shalt  }
0x55: {  	_ =	shalt  }
0x56: {  	_ =	shalt  }
0x57: {  	_ =	shalt  }
0x58: {  	_ =	shalt  }
0x59: {  	_ =	shalt  }
0x5a: {  	_ =	shalt  }
0x5b: {  	_ =	shalt  }
0x5c: {  	_ =	shalt  }
0x5d: {  	_ =	shalt  }
0x5e: {  	_ =	shalt  }
0x5f: {  	_ =	shalt  }
0x60: {  	_ =	shalt  }
0x61: {  	_ =	shalt  }
0x62: {  	_ =	shalt  }
0x63: {  	_ =	shalt  }
0x64: {  	_ =	shalt  }
0x65: {  	_ =	shalt  }
0x66: {  	_ =	shalt  }
0x67: {  	_ =	shalt  }
0x68: {  	_ =	shalt  }
0x69: {  	_ =	shalt  }
0x6a: {  	_ =	shalt  }
0x6b: {  	_ =	shalt  }
0x6c: {  	_ =	shalt  }
0x6d: {  	_ =	shalt  }
0x6e: {  	_ =	shalt  }
0x6f: {  	_ =	shalt  }
0x70: {  	_ =	shalt  }
0x71: {  	_ =	shalt  }
0x72: {  	_ =	shalt  }
0x73: {  	_ =	shalt  }
0x74: {  	_ =	shalt  }
0x75: {  	_ =	shalt  }
0x76: {  	_ =	shalt  }
0x77: {  	_ =	shalt  }
0x78: {  	_ =	shalt  }
0x79: {  	_ =	shalt  }
0x7a: {  	_ =	shalt  }
0x7b: {  	_ =	shalt  }
0x7c: {  	_ =	shalt  }
0x7d: {  	_ =	shalt  }
0x7e: {  	_ =	shalt  }
0x7f: {  	_ =	shalt  }
0x80: {  	_ =	shalt  }
0x81: {  	_ =	shalt  }
0x82: {  	_ =	shalt  }
0x83: {  	_ =	shalt  }
0x84: {  	_ =	shalt  }
0x85: {  	_ =	shalt  }
0x86: {  	_ =	shalt  }
0x87: {  	_ =	shalt  }
.Lfunc_end0:
.L_simem_size_0:
called_computation_lowered:
.L_overlay_start_0:
0x88: {  	s2 =	sld [smem:$0x3FD9]  }
0x89: {  	s3 =	sld [smem:$0x3FFE];
	_ =	sdelay $0x1  }
0x8a: {  	s1 =	srdreg.scid  }
0x8b: {  	s0 =	sand.u32 $0x1, s1  }
0x8c: {  	s18 =	sshll.u32 s0, $0xA;
	s2 =	sadd.s32 s3, s2  }
0x8d: {  	s2 =	sadd.s32 s2, s18  }
0x8e: {  	[smem:$0x3FC7] =	sst s2  }
0x8f: {  	_ = 	snop  }
0x90: {  	s2 =	sld [smem:$0x3FC9]  }
0x91: {  	s19 =	sld [smem:$0x3FD0];
	(tm) =	ssettm $0x1  }
0x92: {  	s4 =	sld [smem:$0x3FFB];
	_ =	sdelay $0x3  }
0x93: {  	_ =	strace s4  }
0x94: {  	s4 =	sld [smem:$0x3FFC];
	_ =	sdelay $0x3  }
0x95: {  	_ =	strace s4  }
0x96: {  	s4 =	sld [smem:$0x3FFD];
	_ =	sdelay $0x3  }
0x97: {  	_ =	strace s4  }
0x98: {  	_ =	strace $0x8FFFFFFF  }
0x99: {  	s20 =	sld [smem:$0x3FDB];
	_ =	sdelay $0x1  }
0x9a: {  	s5 =	simm.s32 $_scs_section_size  }
0x9b: {  	s6 =	simm.s32 $_size__tile_overlayer_lowered;
	s7 =	simm.s32 $_tile_overlayer_lowered  }
0x9c: {  	s23 =	simm.s32 $0x1BFF;
	s22 =	sshll.u32 s7, $0x1;
	s4 =	sadd.s32 s5, s20  }
0x9d: {  	s8 =	simm.s32 $0x0;
	s21 =	sshll.u32 s6, $0x1;
	s6 =	sadd.s32 s22, s4  }
0x9e: {  	[timem:s8], [sflag:s23] =	dma.local [hbm:s6], s21  }
0x9f: {  	_ =	swait.ge [sflag:s23], s21  }
0xa0: {  	s5 =	ssub.s32 $0x0, s21;
	[sflag:s23] =	ssyncset.done $0x0  }
0xa1: {  	[sflag:s23] =	ssyncadd.s32 s5;
	_ =	sdelay $0x1  }
0xa2: {  	s24 =	simm.s32 $0x1B8B  }
0xa3: {  	_ =	swait.ge [sflag:s24], $0x1  }
0xa4: {  	[sflag:s24] =	ssyncset.done $0x0  }
0xa5: {  	s25 =	simm.s32 $0x1B8E;
	[sflag:s24] =	ssyncadd.s32 $0xFFFFFFFF  }
0xa6: {  	s26 =	simm.s32 $execute0_lowered;
	[smem:$0x3FD2] =	sst s25  }
0xa7: {  	s5 =	sshll.u32 s26, $0x1;
	_ =	strace $0x80000046;
	[dreg:$0x1] =	wrdreg $0xFFFFFFFF  }
0xa8: {  	s28 =	simm.s32 $_size_execute0_lowered;
	s4 =	sadd.s32 s4, s5;
	[dreg:$0x0] =	wrdreg $0x0  }
0xa9: {  	s5 =	sshll.u32 s28, $0x1;
	[dreg:$0x2] =	wrdreg s4  }
0xaa: {  	[dreg:$0x3] =	wrdreg s5  }
0xab: {  	[dreg:$0x4] =	wrdreg $0xC0  }
0xac: {  	_ =	task [dreg:s8], $0x5FFFF  }
0xad: {  	[dreg:$0x1] =	wrdreg $0xFFFFFFFF  }
0xae: {  	[dreg:$0x0] =	wrdreg $0x60  }
0xaf: {  	[dreg:$0x2] =	wrdreg s2  }
0xb0: {  	[dreg:$0x3] =	wrdreg s19  }
0xb1: {  	[dreg:$0x4] =	wrdreg $0x9  }
0xb2: {  	_ =	task.clear_ibuf [dreg:s8], $0x5FFFF;
	_ =	strace $0x90000046  }
0xb3: {  	s29 =	simm.s32 $0x9;
	_ =	strace $0x80000048  }
0xb4: {  	_ =	swait.ge [sflag:s29], $0x1  }
0xb5: {  	[sflag:s29] =	ssyncadd.s32 $0xFFFFFFFF  }
0xb6: {  	_ =	strace $0x90000048  }
0xb7: {  	_ =	sfence  }
0xb8: {  	s30 =	sld [smem:$0x0];
	_ =	sdelay $0x2  }
0xb9: {  	s31 =	sshll.u32 s1, $0xD;
	s1 =	sshrl.u32 s1, $0x2  }
0xba: {  	s3 =	sand.u32 $0x4000, s31;
	s1 =	sadd.s32 s1, s30  }
0xbb: {  	s0 =	sor.u32 s3, s0;
	s1 =	sshll.u32 s1, $0x11  }
0xbc: {  	s0 =	sor.u32 s1, s0  }
0xbd: {  	s0 =	sadd.s32 $0x8F2B, s0  }
0xbe: {  	[sflag:s0] =	ssyncadd.remote.s32 $0x1  }
0xbf: {  	_ =	sfence.sel $0xFFFF  }
0xc0: {  	[dreg:$0x0] =	wrdreg $0xFFFFFFFF;
	(pc) =	sbr.abs _section_cstart, $3  }
0xc1: {  	[dreg:$0x1] =	wrdreg $0xFFFFFFFF  }
0xc2: {  	_ =	task.clear_ibuf [dreg:s8], $0x2FFFF;
	_ =	strace $0x9FFFFFFF  }
0xc3: {  	(tm) =	ssettm $0x7FFFFFFF  }
tec
execute0_lowered:
.L_overlay_start_1:
0x0: {  	(tag) =	ssettag $0x1  }
0x1: {  	s5 =	srdreg.scid  }
0x2: {  	s0 =	stileid.u32;
	s2 =	rddreg [dreg:$0x0]  }
0x3: {  	s3 =	rddreg [dreg:$0x1];
	s4 =	simm.s32 $0x0;
	s10 =	simm.s32 $0x4000  }
0x4: {  	s11 =	simm.s32 $0x1;
	s12 =	simm.s32 $0x8000;
	s13 =	simm.s32 $0x2  }
0x5: {  	s14 =	simm.s32 $0x10000;
	s6 =	sand.u32 $0x1, s5;
	s1 =	sshll.u32 s0, $0x1  }
0x6: {  	s15 =	simm.s32 $0x3;
	s16 =	simm.s32 $0x4;
	s7 =	sor.u32 s6, s1  }
0x7: {  	s17 =	simm.s32 $0x0;
	[smem:$0x7FF] =	sst s4;
	s8 =	smul.u32 $0x60000, s7  }
0x8: {  	s5 =	sshll.u32 s5, $0x11;
	s1 =	rddreg [dreg:$0x2];
	s6 =	ssub.s32 $0x2, s6  }
0x9: {  	s5 =	sand.u32 $0x20000, s5;
	s9 =	sshrl.u32 s6, $0x1;
	s8 =	sand.u32 $0xFC0000, s8  }
0xa: {  	_ =	strace $0x80000047;
	s9 =	ssub.s32 s6, s9;
	s8 =	sor.u32 s5, s8  }
0xb: {  	s5 =	smul.u32 $0xC, s7;
	s7 =	sadd.s32 $0x800, s2;
	s31 =	sshrl.u32 s8, $0x3  }
0xc: {  	v0 =	vimm.f32 $0.0e+00;
	v1 =	vlaneseq.u32;
	v2 =	vimm.f32 $1.000000000e+00;
	s8 =	smax.u32 s9, $0x1;
	s9 =	sadd.s32 $0x2000, s2;
	s6 =	sadd.s32 s2, s31  }
.LBB2_1:
0xd: {  	[tilespmem:s4], [sflag:$0x1] =	stream.linear.gather [hbm4b:s6+s4], $0x4000, $0x38;
	[tilespmem:$0x18000] =	vst v63  }
0xe: {  	s18 =	simm.s32 $0x0  }
.LBB2_2:
0xf: {  	s19 =	sshll.u32 s18, $0x1  }
0x10: {  	s21 =	sadd.s32 s5, s19  }
0x11: {  	s19 =	sshll.u32 s21, $0xC  }
0x12: {  	p0 =	seq.s32 s18, $0x0;
	s20 =	sadd.s32 s19, s7  }
0x13: {  	[tilespmem:s10], [sflag:$0x2] =	stream.linear.gather [hbm4b:s20+s4], $0x4000, $0x38;
	[tilespmem:$0x18000] =	vst v63  }
0x14: {  	s20 =	simm.s32 @!p0 $0x3  }
0x15: {  	_ =	swait.ge @!p0 [sflag:s20], $0x8000  }
0x16: {  	s22 =	simm.s32 $0x0;
	s24 =	simm.s32 $0x0;
	[sflag:s20] =	ssyncset.done @!p0 $0x0  }
0x17: {  	s23 =	sand.u32 $0x7C00, s22;
	[sflag:s20] =	ssyncadd.s32 @!p0 $0xFFFF8000;
	s20 =	sand.u32 $0x40, s22  }
0x18: {  	s26 =	simm.s32 $0x0;
	s28 =	simm.s32 $0x0;
	s25 =	sor.u32 s20, s23  }
.LBB2_3:
0x19: {  	s24 =	sadd.s32 $0x4, s24  }
0x1a: {  	[tilespmem:s25+$0x8020] =	vst v0;
	s26 =	sadd.s32 $0x200, s26;
	s28 =	sadd.s32 $0x40, s28;
	p1 =	slt.u32 s24, $0xFC  }
.Ltmp0:
0x1b: {  	[tilespmem:s25+$0x8010] =	vst v0;
	(pc) =	sbr.rel @p1 .LBB2_3-.Ltmp0, $4  }
0x1c: {  	[tilespmem:s25+$0x8030] =	vst v0  }
0x1d: {  	[tilespmem:s25+$0x8000] =	vst v0  }
0x1e: {  	s29 =	sand.u32 $0x7C00, s26;
	s25 =	sand.u32 $0x40, s28  }
0x1f: {  	s25 =	sor.u32 s25, s29  }
0x20: {  	[tilespmem:s25+$0x8020] =	vst v0  }
0x21: {  	[tilespmem:s25+$0x8010] =	vst v0  }
0x22: {  	[tilespmem:s25+$0x8030] =	vst v0  }
0x23: {  	[tilespmem:s25+$0x8000] =	vst v0;
	s24 =	simm.s32 $0x0;
	s25 =	sor.u32 s20, s23;
	s23 =	simm.s32 $0x0  }
.LBB2_5:
0x24: {  	s24 =	sadd.s32 $0x4, s24  }
0x25: {  	[tilespmem:s25+$0x80A0] =	vst v0;
	s22 =	sadd.s32 $0x200, s22;
	s23 =	sadd.s32 $0x40, s23;
	p1 =	slt.u32 s24, $0xFC  }
.Ltmp1:
0x26: {  	[tilespmem:s25+$0x8090] =	vst v0;
	(pc) =	sbr.rel @p1 .LBB2_5-.Ltmp1, $4  }
0x27: {  	[tilespmem:s25+$0x80B0] =	vst v0  }
0x28: {  	[tilespmem:s25+$0x8080] =	vst v0  }
0x29: {  	s20 =	sand.u32 $0x40, s23;
	s25 =	sand.u32 $0x7C00, s22  }
0x2a: {  	s25 =	sor.u32 s20, s25;
	s20 =	simm.s32 $0x0  }
0x2b: {  	[tilespmem:s25+$0x80A0] =	vst v0  }
0x2c: {  	[tilespmem:s25+$0x8090] =	vst v0  }
0x2d: {  	[tilespmem:s25+$0x80B0] =	vst v0;
	s24 =	simm.s32 $0x0;
	s22 =	sand.u32 $0x40, s20;
	s23 =	sand.u32 $0x7C00, s20  }
0x2e: {  	[tilespmem:s25+$0x8080] =	vst v0;
	s25 =	simm.s32 $0x0;
	s28 =	simm.s32 $0x0;
	s26 =	sor.u32 s22, s23  }
.LBB2_7:
0x2f: {  	s24 =	sadd.s32 $0x4, s24  }
0x30: {  	[tilespmem:s26+$0x8120] =	vst v0;
	s25 =	sadd.s32 $0x200, s25;
	s28 =	sadd.s32 $0x40, s28;
	p1 =	slt.u32 s24, $0xFC  }
.Ltmp2:
0x31: {  	[tilespmem:s26+$0x8110] =	vst v0;
	(pc) =	sbr.rel @p1 .LBB2_7-.Ltmp2, $4  }
0x32: {  	[tilespmem:s26+$0x8130] =	vst v0  }
0x33: {  	[tilespmem:s26+$0x8100] =	vst v0  }
0x34: {  	s29 =	sand.u32 $0x7C00, s25;
	s26 =	sand.u32 $0x40, s28  }
0x35: {  	s26 =	sor.u32 s26, s29  }
0x36: {  	[tilespmem:s26+$0x8120] =	vst v0  }
0x37: {  	[tilespmem:s26+$0x8110] =	vst v0  }
0x38: {  	[tilespmem:s26+$0x8130] =	vst v0;
	s25 =	simm.s32 $0x0  }
0x39: {  	[tilespmem:s26+$0x8100] =	vst v0;
	p1 =	por $0x0, $0x0;
	s24 =	sor.u32 s22, s23;
	s23 =	simm.s32 $0x0  }
.LBB2_9:
0x3a: {  	s25 =	sadd.s32 $0x4, s25  }
0x3b: {  	[tilespmem:s24+$0x81A0] =	vst v0;
	s20 =	sadd.s32 $0x200, s20;
	s23 =	sadd.s32 $0x40, s23;
	p2 =	slt.u32 s25, $0xFC  }
.Ltmp3:
0x3c: {  	[tilespmem:s24+$0x8190] =	vst v0;
	(pc) =	sbr.rel @p2 .LBB2_9-.Ltmp3, $4  }
0x3d: {  	[tilespmem:s24+$0x81B0] =	vst v0  }
0x3e: {  	[tilespmem:s24+$0x8180] =	vst v0  }
0x3f: {  	s22 =	sand.u32 $0x40, s23;
	s24 =	sand.u32 $0x7C00, s20  }
0x40: {  	s24 =	sor.u32 s22, s24;
	s22 =	simm.s32 $0x0  }
0x41: {  	s20 =	simm.s32 $0x1;
	[tilespmem:s24+$0x81A0] =	vst v0  }
0x42: {  	[tilespmem:s24+$0x8190] =	vst v0;
	s20 =	simm.s32 @!p1 $0x0  }
0x43: {  	[tilespmem:s24+$0x81B0] =	vst v0;
	s23 =	simm.s32 $0x0;
	s20 =	sshll.u32 s20, $0x6  }
0x44: {  	p2 =	por !p1, !p1;
	[tilespmem:s24+$0x8180] =	vst v0;
	s24 =	simm.s32 $0x0;
	s26 =	sadd.s32 $0x0, s20  }
0x45: {  	s29 =	sor.u32 $0x200, s26;
	s25 =	sor.u32 $0x210, s26;
	s28 =	sor.u32 $0x220, s26  }
.LBB2_11:
0x46: {  	s23 =	sadd.s32 $0x4, s23  }
0x47: {  	[tilespmem:s29+$0x8000] =	vst v0;
	s26 =	sor.u32 $0x230, s26;
	s24 =	sadd.s32 $0x200, s24;
	p3 =	slt.u32 s23, $0xFC  }
.Ltmp4:
0x48: {  	[tilespmem:s28+$0x8000] =	vst v0;
	s28 =	simm.s32 $0x1;
	(pc) =	sbr.rel @p3 .LBB2_11-.Ltmp4, $4  }
0x49: {  	s28 =	simm.s32 @!p2 $0x0;
	[tilespmem:s26+$0x8000] =	vst v0  }
0x4a: {  	s26 =	sshll.u32 s28, $0x6;
	[tilespmem:s25+$0x8000] =	vst v0  }
0x4b: {  	p2 =	por !p2, !p2;
	s26 =	sadd.s32 s26, s24  }
0x4c: {  	s29 =	sor.u32 $0x200, s26;
	s25 =	sor.u32 $0x210, s26;
	s28 =	sor.u32 $0x220, s26  }
0x4d: {  	[tilespmem:s29+$0x8000] =	vst v0  }
0x4e: {  	s23 =	sor.u32 $0x230, s26;
	[tilespmem:s28+$0x8000] =	vst v0  }
0x4f: {  	s24 =	simm.s32 $0x0;
	s26 =	sadd.s32 $0x0, s20;
	p2 =	por !p1, !p1;
	[tilespmem:s25+$0x8000] =	vst v0  }
0x50: {  	[tilespmem:s23+$0x8000] =	vst v0;
	s28 =	sor.u32 $0x280, s26;
	s23 =	sor.u32 $0x290, s26;
	s25 =	sor.u32 $0x2A0, s26  }
.LBB2_13:
0x51: {  	s24 =	sadd.s32 $0x4, s24  }
0x52: {  	[tilespmem:s28+$0x8000] =	vst v0;
	s20 =	sor.u32 $0x2B0, s26;
	s22 =	sadd.s32 $0x200, s22;
	p3 =	slt.u32 s24, $0xFC  }
.Ltmp5:
0x53: {  	[tilespmem:s25+$0x8000] =	vst v0;
	s25 =	simm.s32 $0x1;
	(pc) =	sbr.rel @p3 .LBB2_13-.Ltmp5, $4  }
0x54: {  	s25 =	simm.s32 @!p2 $0x0;
	[tilespmem:s20+$0x8000] =	vst v0  }
0x55: {  	p1 =	por $0x0, $0x0;
	s20 =	simm.s32 $0x0;
	s25 =	sshll.u32 s25, $0x6;
	[tilespmem:s23+$0x8000] =	vst v0  }
0x56: {  	p2 =	por !p2, !p2;
	s26 =	sadd.s32 s25, s22  }
0x57: {  	s28 =	sor.u32 $0x280, s26;
	s23 =	sor.u32 $0x290, s26;
	s25 =	sor.u32 $0x2A0, s26  }
0x58: {  	s22 =	simm.s32 $0x1  }
0x59: {  	[tilespmem:s28+$0x8000] =	vst v0;
	s22 =	simm.s32 @!p1 $0x0  }
0x5a: {  	s24 =	sor.u32 $0x2B0, s26;
	p2 =	por !p1, !p1;
	[tilespmem:s23+$0x8000] =	vst v0;
	s22 =	sshll.u32 s22, $0x6  }
0x5b: {  	s23 =	simm.s32 $0x0;
	[tilespmem:s24+$0x8000] =	vst v0;
	s24 =	simm.s32 $0x0;
	s26 =	sadd.s32 $0x0, s22  }
0x5c: {  	[tilespmem:s25+$0x8000] =	vst v0;
	s29 =	sor.u32 $0x300, s26;
	s25 =	sor.u32 $0x310, s26;
	s28 =	sor.u32 $0x320, s26  }
.LBB2_15:
0x5d: {  	s24 =	sadd.s32 $0x4, s24  }
0x5e: {  	[tilespmem:s29+$0x8000] =	vst v0;
	s26 =	sor.u32 $0x330, s26;
	s23 =	sadd.s32 $0x200, s23;
	p3 =	slt.u32 s24, $0xFC  }
.Ltmp6:
0x5f: {  	[tilespmem:s28+$0x8000] =	vst v0;
	s28 =	simm.s32 $0x1;
	(pc) =	sbr.rel @p3 .LBB2_15-.Ltmp6, $4  }
0x60: {  	s28 =	simm.s32 @!p2 $0x0;
	[tilespmem:s26+$0x8000] =	vst v0  }
0x61: {  	s26 =	sshll.u32 s28, $0x6;
	[tilespmem:s25+$0x8000] =	vst v0  }
0x62: {  	p2 =	por !p2, !p2;
	s26 =	sadd.s32 s26, s23  }
0x63: {  	s29 =	sor.u32 $0x300, s26;
	s25 =	sor.u32 $0x310, s26;
	s28 =	sor.u32 $0x320, s26  }
0x64: {  	[tilespmem:s29+$0x8000] =	vst v0  }
0x65: {  	s23 =	sor.u32 $0x330, s26;
	[tilespmem:s28+$0x8000] =	vst v0  }
0x66: {  	s24 =	sadd.s32 $0x0, s22;
	p1 =	por !p1, !p1;
	[tilespmem:s23+$0x8000] =	vst v0;
	s23 =	simm.s32 $0x0  }
0x67: {  	[tilespmem:s25+$0x8000] =	vst v0;
	s26 =	sor.u32 $0x380, s24;
	s22 =	sor.u32 $0x390, s24;
	s25 =	sor.u32 $0x3A0, s24  }
.LBB2_17:
0x68: {  	s23 =	sadd.s32 $0x4, s23  }
0x69: {  	[tilespmem:s26+$0x8000] =	vst v0;
	s24 =	sor.u32 $0x3B0, s24;
	s20 =	sadd.s32 $0x200, s20;
	p2 =	slt.u32 s23, $0xFC  }
.Ltmp7:
0x6a: {  	[tilespmem:s25+$0x8000] =	vst v0;
	s25 =	simm.s32 $0x1;
	(pc) =	sbr.rel @p2 .LBB2_17-.Ltmp7, $4  }
0x6b: {  	s25 =	simm.s32 @!p1 $0x0;
	[tilespmem:s24+$0x8000] =	vst v0  }
0x6c: {  	s24 =	sshll.u32 s25, $0x6;
	[tilespmem:s22+$0x8000] =	vst v0  }
0x6d: {  	p1 =	por !p1, !p1;
	s24 =	sadd.s32 s24, s20  }
0x6e: {  	s26 =	sor.u32 $0x380, s24;
	s22 =	sor.u32 $0x390, s24;
	s25 =	sor.u32 $0x3A0, s24  }
0x6f: {  	[tilespmem:s26+$0x8000] =	vst v0  }
0x70: {  	[tilespmem:s25+$0x8000] =	vst v0  }
0x71: {  	s20 =	sor.u32 $0x3B0, s24;
	[tilespmem:s22+$0x8000] =	vst v0  }
0x72: {  	[tilespmem:s20+$0x8000] =	vst v0  }
0x73: {  	_ =	swait.ge [sflag:s11], $0x4000  }
0x74: {  	s22 =	simm.s32 $0x0;
	[sflag:s11] =	ssyncset.done $0x0  }
0x75: {  	s23 =	simm.s32 $0x0;
	s20 =	simm.s32 $0x0;
	[sflag:s11] =	ssyncadd.s32 $0xFFFFC000  }
.LBB2_19:
0x76: {  	s24 =	sshll.u32 s22, $0x2;
	s25 =	sand.u32 $0x7, s20  }
0x77: {  	s24 =	sand.u32 $0xFFFFF000, s24;
	s25 =	sshll.u32 s25, $0x6  }
0x78: {  	s24 =	sor.u32 s25, s24  }
0x79: {  	s24 =	sshrl.u32 s24, $0x2  }
0x7a: {  	s30 =	sor.u32 $0x200, s24  }
0x7b: {  	v4 =	vld [tilespmem:s30+$0x180]  }
0x7c: {  	v5 =	vld [tilespmem:s30+$0xFFFFFE80]  }
0x7d: {  	v6 =	vld [tilespmem:s30+$0xFFFFFF00]  }
0x7e: {  	v7 =	vld [tilespmem:s30+$0xFFFFFF80]  }
0x7f: {  	s31 =	sshrl.u32 s23, $0x2;
	v8 =	vld [tilespmem:s30+$0x0]  }
0x80: {  	v3 =	vmov s31;
	v9 =	vld [tilespmem:s30+$0x80]  }
0x81: {  	v3 =	vshll.u32 v3, $0x7;
	v10 =	vld [tilespmem:s30+$0x100]  }
0x82: {  	v3 =	vand.u32 $0x380, v3;
	v11 =	vld [tilespmem:s30+$0xFFFFFE00]  }
0x83: {  	v3 =	vbroadcast v3, $0x0;
	v4 =	vmul.f32 $2.560000000e+02, v4  }
0x84: {  	v5 =	vmul.f32 $2.560000000e+02, v5;
	v6 =	vmul.f32 $2.560000000e+02, v6  }
0x85: {  	v7 =	vmul.f32 $2.560000000e+02, v7;
	v8 =	vmul.f32 $2.560000000e+02, v8  }
0x86: {  	v9 =	vmul.f32 $2.560000000e+02, v9;
	v10 =	vmul.f32 $2.560000000e+02, v10  }
0x87: {  	v11 =	vmul.f32 $2.560000000e+02, v11;
	v4 =	vtrunc.f32 v4  }
0x88: {  	v5 =	vtrunc.f32 v5;
	v6 =	vtrunc.f32 v6  }
0x89: {  	v7 =	vtrunc.f32 v7;
	v8 =	vtrunc.f32 v8  }
0x8a: {  	v11 =	vtrunc.f32 v11;
	v9 =	vtrunc.f32 v9  }
0x8b: {  	v10 =	vtrunc.f32 v10;
	v4 =	vcvt.f32.s32 v4  }
0x8c: {  	v13 =	vcvt.f32.s32 v11;
	v7 =	vcvt.f32.s32 v7  }
0x8d: {  	v14 =	vcvt.f32.s32 v8;
	v15 =	vcvt.f32.s32 v9  }
0x8e: {  	v10 =	vcvt.f32.s32 v10;
	v12 =	vshll.u32 v4, $0x4;
	v4 =	vshll.u32 v4, $0x7  }
0x8f: {  	v11 =	vshll.u32 v7, $0x4;
	v17 =	vshll.u32 v15, $0x4;
	v12 =	vor.u32 v1, v12  }
0x90: {  	v18 =	vshll.u32 v10, $0x4;
	v4 =	vand.u32 $0xFFFFFC00, v4;
	v12 =	vand.u32 $0x7F, v12  }
0x91: {  	v21 =	vor.u32 v1, v11;
	v11 =	vor.u32 v1, v17;
	v4 =	vor.u32 v12, v4  }
0x92: {  	v17 =	vshll.u32 v13, $0x7;
	v12 =	vshll.u32 v14, $0x4;
	v16 =	vor.u32 v3, v4  }
0x93: {  	v4 =	vcvt.f32.s32 v5;
	v5 =	vcvt.f32.s32 v6;
	v6 =	vshll.u32 v13, $0x4  }
0x94: {  	v22 =	vor.u32 v1, v12;
	v12 =	vor.u32 v1, v18;
	v6 =	vor.u32 v1, v6  }
0x95: {  	v8 =	vshll.u32 v4, $0x4;
	v9 =	vshll.u32 v5, $0x4;
	v13 =	vshll.u32 v4, $0x7  }
0x96: {  	v4 =	vshll.u32 v15, $0x7;
	v15 =	vand.u32 $0x7F, v6;
	v6 =	vshll.u32 v10, $0x7  }
0x97: {  	v10 =	vand.u32 $0x7F, v21;
	v19 =	vor.u32 v1, v8;
	v20 =	vor.u32 v1, v9  }
0x98: {  	v9 =	vshll.u32 v5, $0x7;
	v8 =	vshll.u32 v7, $0x7;
	v5 =	vshll.u32 v14, $0x7  }
0x99: {  	s24 =	simm.s32 $0x0;
	s25 =	sadd.s32 $0x1000, s30;
	v7 =	vand.u32 $0x7F, v22;
	v14 =	vand.u32 $0x7F, v19;
	[tilespmem:v16+s12+$0x0] =	vst.idx.add.f32.msk $0xffff, v2;
	v16 =	vand.u32 $0x7F, v20  }
.LBB2_20:
0x9a: {  	v18 =	vld [tilespmem:s25+$0x180];
	s24 =	sadd.s32 $0x8, s24;
	v17 =	vand.u32 $0xFFFFFC00, v17;
	v11 =	vand.u32 $0x7F, v11;
	v12 =	vand.u32 $0x7F, v12  }
0x9b: {  	v13 =	vand.u32 $0xFFFFFC00, v13;
	v9 =	vand.u32 $0xFFFFFC00, v9;
	v8 =	vand.u32 $0xFFFFFC00, v8;
	v19 =	vld [tilespmem:s25+$0xFFFFFE80];
	p1 =	slt.u32 s24, $0x18  }
0x9c: {  	v5 =	vand.u32 $0xFFFFFC00, v5;
	v4 =	vand.u32 $0xFFFFFC00, v4;
	v6 =	vand.u32 $0xFFFFFC00, v6;
	v20 =	vld [tilespmem:s25+$0xFFFFFF00]  }
0x9d: {  	v15 =	vor.u32 v15, v17;
	v13 =	vor.u32 v14, v13;
	v9 =	vor.u32 v16, v9;
	v21 =	vld [tilespmem:s25+$0xFFFFFF80]  }
0x9e: {  	v8 =	vor.u32 v10, v8;
	v5 =	vor.u32 v7, v5;
	v4 =	vor.u32 v11, v4;
	v14 =	vld [tilespmem:s25+$0x0]  }
0x9f: {  	v6 =	vor.u32 v12, v6;
	v11 =	vor.u32 v3, v15;
	v7 =	vld [tilespmem:s25+$0x80];
	v10 =	vmul.f32 $2.560000000e+02, v18  }
0xa0: {  	v13 =	vor.u32 v3, v13;
	v9 =	vor.u32 v3, v9;
	v12 =	vmul.f32 $2.560000000e+02, v19;
	v15 =	vld [tilespmem:s25+$0x100]  }
0xa1: {  	v8 =	vor.u32 v3, v8;
	v16 =	vld [tilespmem:s25+$0xFFFFFE00];
	v17 =	vmul.f32 $2.560000000e+02, v20;
	v10 =	vtrunc.f32 v10  }
0xa2: {  	v5 =	vor.u32 v3, v5;
	v18 =	vmul.f32 $2.560000000e+02, v21;
	v10 =	vcvt.f32.s32 v10  }
0xa3: {  	v4 =	vor.u32 v3, v4;
	v12 =	vtrunc.f32 v12;
	v14 =	vmul.f32 $2.560000000e+02, v14  }
0xa4: {  	v17 =	vtrunc.f32 v17;
	v7 =	vmul.f32 $2.560000000e+02, v7;
	v19 =	vshll.u32 v10, $0x4;
	[tilespmem:v11+s12+$0x0] =	vst.idx.add.f32.msk $0xffff, v2  }
0xa5: {  	v10 =	vshll.u32 v10, $0x7;
	v11 =	vmul.f32 $2.560000000e+02, v15;
	v15 =	vor.u32 v1, v19;
	[tilespmem:v13+s12+$0x0] =	vst.idx.add.f32.msk $0xffff, v2  }
0xa6: {  	v10 =	vand.u32 $0xFFFFFC00, v10;
	v13 =	vmul.f32 $2.560000000e+02, v16;
	v15 =	vand.u32 $0x7F, v15;
	[tilespmem:v9+s12+$0x0] =	vst.idx.add.f32.msk $0xffff, v2  }
0xa7: {  	v14 =	vtrunc.f32 v14;
	v9 =	vtrunc.f32 v18;
	v10 =	vor.u32 v15, v10;
	[tilespmem:v8+s12+$0x0] =	vst.idx.add.f32.msk $0xffff, v2  }
0xa8: {  	v7 =	vtrunc.f32 v7;
	v8 =	vtrunc.f32 v13;
	v10 =	vor.u32 v3, v10;
	[tilespmem:v5+s12+$0x0] =	vst.idx.add.f32.msk $0xffff, v2  }
0xa9: {  	v5 =	vcvt.f32.s32 v8;
	v8 =	vtrunc.f32 v11;
	[tilespmem:v4+s12+$0x0] =	vst.idx.add.f32.msk $0xffff, v2;
	v4 =	vor.u32 v3, v6  }
0xaa: {  	v15 =	vcvt.f32.s32 v17;
	v6 =	vcvt.f32.s32 v12  }
0xab: {  	v14 =	vcvt.f32.s32 v14;
	v16 =	vcvt.f32.s32 v9;
	v11 =	vshll.u32 v5, $0x4  }
0xac: {  	v7 =	vcvt.f32.s32 v7;
	v18 =	vcvt.f32.s32 v8;
	v9 =	vshll.u32 v6, $0x4  }
0xad: {  	v13 =	vshll.u32 v14, $0x4;
	v12 =	vshll.u32 v16, $0x4;
	v8 =	vshll.u32 v15, $0x4;
	[tilespmem:v10+s12+$0x0] =	vst.idx.add.f32.msk $0xffff, v2  }
0xae: {  	v17 =	vshll.u32 v18, $0x4;
	v10 =	vor.u32 v1, v11;
	v11 =	vshll.u32 v7, $0x4;
	[tilespmem:v4+s12+$0x0] =	vst.idx.add.f32.msk $0xffff, v2  }
0xaf: {  	v21 =	vor.u32 v1, v12;
	v20 =	vor.u32 v1, v8;
	v19 =	vor.u32 v1, v9  }
.Ltmp8:
0xb0: {  	v22 =	vor.u32 v1, v13;
	v12 =	vor.u32 v1, v17;
	v11 =	vor.u32 v1, v11;
	(pc) =	sbr.rel @p1 .LBB2_20-.Ltmp8, $4  }
0xb1: {  	v13 =	vshll.u32 v6, $0x7;
	v9 =	vshll.u32 v15, $0x7;
	v17 =	vshll.u32 v5, $0x7  }
0xb2: {  	v8 =	vshll.u32 v16, $0x7;
	v5 =	vshll.u32 v14, $0x7;
	v4 =	vshll.u32 v7, $0x7  }
0xb3: {  	v6 =	vshll.u32 v18, $0x7;
	v14 =	vand.u32 $0x7F, v19;
	v15 =	vand.u32 $0x7F, v10  }
0xb4: {  	s25 =	sadd.s32 $0x1000, s25;
	v16 =	vand.u32 $0x7F, v20;
	v10 =	vand.u32 $0x7F, v21;
	v7 =	vand.u32 $0x7F, v22  }
0xb5: {  	v17 =	vand.u32 $0xFFFFFC00, v17;
	v11 =	vand.u32 $0x7F, v11  }
0xb6: {  	v12 =	vand.u32 $0x7F, v12;
	v13 =	vand.u32 $0xFFFFFC00, v13;
	v15 =	vor.u32 v15, v17  }
0xb7: {  	v9 =	vand.u32 $0xFFFFFC00, v9;
	v13 =	vor.u32 v14, v13;
	v62 =	vor.u32 v3, v15  }
0xb8: {  	v8 =	vand.u32 $0xFFFFFC00, v8;
	v9 =	vor.u32 v16, v9;
	v13 =	vor.u32 v3, v13  }
0xb9: {  	v5 =	vand.u32 $0xFFFFFC00, v5;
	v8 =	vor.u32 v10, v8;
	v9 =	vor.u32 v3, v9  }
0xba: {  	v4 =	vand.u32 $0xFFFFFC00, v4;
	v5 =	vor.u32 v7, v5;
	v63 =	vor.u32 v3, v8  }
0xbb: {  	v6 =	vand.u32 $0xFFFFFC00, v6;
	v4 =	vor.u32 v11, v4;
	v5 =	vor.u32 v3, v5  }
0xbc: {  	s23 =	sadd.s32 $0x1, s23;
	v6 =	vor.u32 v12, v6;
	v4 =	vor.u32 v3, v4;
	[tilespmem:v62+s12+$0x0] =	vst.idx.add.f32.msk $0xffff, v2  }
0xbd: {  	p1 =	sne.s32 s23, $0x20;
	v3 =	vor.u32 v3, v6;
	[tilespmem:v13+s12+$0x0] =	vst.idx.add.f32.msk $0xffff, v2  }
.Ltmp9:
0xbe: {  	[tilespmem:v9+s12+$0x0] =	vst.idx.add.f32.msk $0xffff, v2;
	(pc) =	sbr.rel @p1 .LBB2_19-.Ltmp9, $4  }
0xbf: {  	[tilespmem:v63+s12+$0x0] =	vst.idx.add.f32.msk $0xffff, v2  }
0xc0: {  	[tilespmem:v5+s12+$0x0] =	vst.idx.add.f32.msk $0xffff, v2  }
0xc1: {  	[tilespmem:v4+s12+$0x0] =	vst.idx.add.f32.msk $0xffff, v2  }
0xc2: {  	s22 =	sadd.s32 $0x80, s22;
	s20 =	sadd.s32 $0x1, s20;
	[tilespmem:v3+s12+$0x0] =	vst.idx.add.f32.msk $0xffff, v2  }
0xc3: {  	s20 =	sor.u32 $0x1, s21  }
0xc4: {  	s31 =	sshll.u32 s21, $0xF;
	s22 =	sshll.u32 s20, $0xF  }
0xc5: {  	s21 =	sand.u32 $0x7FFC0000, s31;
	s22 =	sand.u32 $0x38000, s22  }
0xc6: {  	s21 =	sor.u32 s21, s22  }
0xc7: {  	s21 =	sshrl.u32 s21, $0x3  }
0xc8: {  	s22 =	simm.s32 $0x0;
	s23 =	sadd.s32 s2, s21  }
0xc9: {  	[tilespmem:s22], [sflag:$0x1] =	stream.linear.gather [hbm4b:s23+s22], $0x4000, $0x38;
	[tilespmem:$0x18000] =	vst v63  }
0xca: {  	_ =	swait.ge [sflag:s13], $0x4000  }
0xcb: {  	[sflag:s13] =	ssyncset.done $0x0  }
0xcc: {  	s24 =	simm.s32 $0x0;
	s23 =	simm.s32 $0x0;
	[sflag:s13] =	ssyncadd.s32 $0xFFFFC000  }
.LBB2_23:
0xcd: {  	s25 =	sshll.u32 s23, $0x2;
	s26 =	sand.u32 $0x7, s22  }
0xce: {  	s25 =	sand.u32 $0xFFFFF000, s25;
	s26 =	sshll.u32 s26, $0x6  }
0xcf: {  	s25 =	sor.u32 s26, s25  }
0xd0: {  	s25 =	sshrl.u32 s25, $0x2  }
0xd1: {  	s30 =	sadd.s32 $0x4200, s25  }
0xd2: {  	v4 =	vld [tilespmem:s30+$0x180]  }
0xd3: {  	v5 =	vld [tilespmem:s30+$0xFFFFFE80]  }
0xd4: {  	v6 =	vld [tilespmem:s30+$0xFFFFFF00]  }
0xd5: {  	v7 =	vld [tilespmem:s30+$0xFFFFFF80]  }
0xd6: {  	s31 =	sshrl.u32 s24, $0x2;
	v8 =	vld [tilespmem:s30+$0x0]  }
0xd7: {  	v3 =	vmov s31;
	v9 =	vld [tilespmem:s30+$0x80]  }
0xd8: {  	v3 =	vshll.u32 v3, $0x7;
	v10 =	vld [tilespmem:s30+$0x100]  }
0xd9: {  	v3 =	vand.u32 $0x380, v3;
	v11 =	vld [tilespmem:s30+$0xFFFFFE00]  }
0xda: {  	v3 =	vbroadcast v3, $0x0;
	v4 =	vmul.f32 $2.560000000e+02, v4  }
0xdb: {  	v5 =	vmul.f32 $2.560000000e+02, v5;
	v6 =	vmul.f32 $2.560000000e+02, v6  }
0xdc: {  	v7 =	vmul.f32 $2.560000000e+02, v7;
	v8 =	vmul.f32 $2.560000000e+02, v8  }
0xdd: {  	v9 =	vmul.f32 $2.560000000e+02, v9;
	v10 =	vmul.f32 $2.560000000e+02, v10  }
0xde: {  	v11 =	vmul.f32 $2.560000000e+02, v11;
	v4 =	vtrunc.f32 v4  }
0xdf: {  	v5 =	vtrunc.f32 v5;
	v6 =	vtrunc.f32 v6  }
0xe0: {  	v7 =	vtrunc.f32 v7;
	v8 =	vtrunc.f32 v8  }
0xe1: {  	v11 =	vtrunc.f32 v11;
	v9 =	vtrunc.f32 v9  }
0xe2: {  	v10 =	vtrunc.f32 v10;
	v4 =	vcvt.f32.s32 v4  }
0xe3: {  	v13 =	vcvt.f32.s32 v11;
	v7 =	vcvt.f32.s32 v7  }
0xe4: {  	v14 =	vcvt.f32.s32 v8;
	v15 =	vcvt.f32.s32 v9  }
0xe5: {  	v10 =	vcvt.f32.s32 v10;
	v12 =	vshll.u32 v4, $0x4;
	v4 =	vshll.u32 v4, $0x7  }
0xe6: {  	v11 =	vshll.u32 v7, $0x4;
	v17 =	vshll.u32 v15, $0x4;
	v12 =	vor.u32 v1, v12  }
0xe7: {  	v18 =	vshll.u32 v10, $0x4;
	v4 =	vand.u32 $0xFFFFFC00, v4;
	v12 =	vand.u32 $0x7F, v12  }
0xe8: {  	v21 =	vor.u32 v1, v11;
	v11 =	vor.u32 v1, v17;
	v4 =	vor.u32 v12, v4  }
0xe9: {  	v17 =	vshll.u32 v13, $0x7;
	v12 =	vshll.u32 v14, $0x4;
	v16 =	vor.u32 v3, v4  }
0xea: {  	v4 =	vcvt.f32.s32 v5;
	v5 =	vcvt.f32.s32 v6;
	v6 =	vshll.u32 v13, $0x4  }
0xeb: {  	v22 =	vor.u32 v1, v12;
	v12 =	vor.u32 v1, v18;
	v6 =	vor.u32 v1, v6  }
0xec: {  	v8 =	vshll.u32 v4, $0x4;
	v9 =	vshll.u32 v5, $0x4;
	v13 =	vshll.u32 v4, $0x7  }
0xed: {  	v4 =	vshll.u32 v15, $0x7;
	v15 =	vand.u32 $0x7F, v6;
	v6 =	vshll.u32 v10, $0x7  }
0xee: {  	v10 =	vand.u32 $0x7F, v21;
	v19 =	vor.u32 v1, v8;
	v20 =	vor.u32 v1, v9  }
0xef: {  	v9 =	vshll.u32 v5, $0x7;
	v8 =	vshll.u32 v7, $0x7;
	v5 =	vshll.u32 v14, $0x7  }
0xf0: {  	s25 =	simm.s32 $0x0;
	s26 =	sadd.s32 $0x1000, s30;
	v7 =	vand.u32 $0x7F, v22;
	v14 =	vand.u32 $0x7F, v19;
	[tilespmem:v16+s12+$0x0] =	vst.idx.add.f32.msk $0xffff, v2;
	v16 =	vand.u32 $0x7F, v20  }
.LBB2_24:
0xf1: {  	v18 =	vld [tilespmem:s26+$0x180];
	s25 =	sadd.s32 $0x8, s25;
	v17 =	vand.u32 $0xFFFFFC00, v17;
	v11 =	vand.u32 $0x7F, v11;
	v12 =	vand.u32 $0x7F, v12  }
0xf2: {  	v13 =	vand.u32 $0xFFFFFC00, v13;
	v9 =	vand.u32 $0xFFFFFC00, v9;
	v8 =	vand.u32 $0xFFFFFC00, v8;
	v19 =	vld [tilespmem:s26+$0xFFFFFE80];
	p1 =	slt.u32 s25, $0x18  }
0xf3: {  	v5 =	vand.u32 $0xFFFFFC00, v5;
	v4 =	vand.u32 $0xFFFFFC00, v4;
	v6 =	vand.u32 $0xFFFFFC00, v6;
	v20 =	vld [tilespmem:s26+$0xFFFFFF00]  }
0xf4: {  	v15 =	vor.u32 v15, v17;
	v13 =	vor.u32 v14, v13;
	v9 =	vor.u32 v16, v9;
	v21 =	vld [tilespmem:s26+$0xFFFFFF80]  }
0xf5: {  	v8 =	vor.u32 v10, v8;
	v5 =	vor.u32 v7, v5;
	v4 =	vor.u32 v11, v4;
	v14 =	vld [tilespmem:s26+$0x0]  }
0xf6: {  	v6 =	vor.u32 v12, v6;
	v11 =	vor.u32 v3, v15;
	v7 =	vld [tilespmem:s26+$0x80];
	v10 =	vmul.f32 $2.560000000e+02, v18  }
0xf7: {  	v13 =	vor.u32 v3, v13;
	v9 =	vor.u32 v3, v9;
	v12 =	vmul.f32 $2.560000000e+02, v19;
	v15 =	vld [tilespmem:s26+$0x100]  }
0xf8: {  	v8 =	vor.u32 v3, v8;
	v16 =	vld [tilespmem:s26+$0xFFFFFE00];
	v17 =	vmul.f32 $2.560000000e+02, v20;
	v10 =	vtrunc.f32 v10  }
0xf9: {  	v5 =	vor.u32 v3, v5;
	v18 =	vmul.f32 $2.560000000e+02, v21;
	v10 =	vcvt.f32.s32 v10  }
0xfa: {  	v4 =	vor.u32 v3, v4;
	v12 =	vtrunc.f32 v12;
	v14 =	vmul.f32 $2.560000000e+02, v14  }
0xfb: {  	v17 =	vtrunc.f32 v17;
	v7 =	vmul.f32 $2.560000000e+02, v7;
	v19 =	vshll.u32 v10, $0x4;
	[tilespmem:v11+s12+$0x0] =	vst.idx.add.f32.msk $0xffff, v2  }
0xfc: {  	v10 =	vshll.u32 v10, $0x7;
	v11 =	vmul.f32 $2.560000000e+02, v15;
	v15 =	vor.u32 v1, v19;
	[tilespmem:v13+s12+$0x0] =	vst.idx.add.f32.msk $0xffff, v2  }
0xfd: {  	v10 =	vand.u32 $0xFFFFFC00, v10;
	v13 =	vmul.f32 $2.560000000e+02, v16;
	v15 =	vand.u32 $0x7F, v15;
	[tilespmem:v9+s12+$0x0] =	vst.idx.add.f32.msk $0xffff, v2  }
0xfe: {  	v14 =	vtrunc.f32 v14;
	v9 =	vtrunc.f32 v18;
	v10 =	vor.u32 v15, v10;
	[tilespmem:v8+s12+$0x0] =	vst.idx.add.f32.msk $0xffff, v2  }
0xff: {  	v7 =	vtrunc.f32 v7;
	v8 =	vtrunc.f32 v13;
	v10 =	vor.u32 v3, v10;
	[tilespmem:v5+s12+$0x0] =	vst.idx.add.f32.msk $0xffff, v2  }
0x100: {  	v5 =	vcvt.f32.s32 v8;
	v8 =	vtrunc.f32 v11;
	[tilespmem:v4+s12+$0x0] =	vst.idx.add.f32.msk $0xffff, v2;
	v4 =	vor.u32 v3, v6  }
0x101: {  	v15 =	vcvt.f32.s32 v17;
	v6 =	vcvt.f32.s32 v12  }
0x102: {  	v14 =	vcvt.f32.s32 v14;
	v16 =	vcvt.f32.s32 v9;
	v11 =	vshll.u32 v5, $0x4  }
0x103: {  	v7 =	vcvt.f32.s32 v7;
	v18 =	vcvt.f32.s32 v8;
	v9 =	vshll.u32 v6, $0x4  }
0x104: {  	v13 =	vshll.u32 v14, $0x4;
	v12 =	vshll.u32 v16, $0x4;
	v8 =	vshll.u32 v15, $0x4;
	[tilespmem:v10+s12+$0x0] =	vst.idx.add.f32.msk $0xffff, v2  }
0x105: {  	v17 =	vshll.u32 v18, $0x4;
	v10 =	vor.u32 v1, v11;
	v11 =	vshll.u32 v7, $0x4;
	[tilespmem:v4+s12+$0x0] =	vst.idx.add.f32.msk $0xffff, v2  }
0x106: {  	v21 =	vor.u32 v1, v12;
	v20 =	vor.u32 v1, v8;
	v19 =	vor.u32 v1, v9  }
.Ltmp10:
0x107: {  	v22 =	vor.u32 v1, v13;
	v12 =	vor.u32 v1, v17;
	v11 =	vor.u32 v1, v11;
	(pc) =	sbr.rel @p1 .LBB2_24-.Ltmp10, $4  }
0x108: {  	v13 =	vshll.u32 v6, $0x7;
	v9 =	vshll.u32 v15, $0x7;
	v17 =	vshll.u32 v5, $0x7  }
0x109: {  	v8 =	vshll.u32 v16, $0x7;
	v5 =	vshll.u32 v14, $0x7;
	v4 =	vshll.u32 v7, $0x7  }
0x10a: {  	v6 =	vshll.u32 v18, $0x7;
	v14 =	vand.u32 $0x7F, v19;
	v15 =	vand.u32 $0x7F, v10  }
0x10b: {  	s26 =	sadd.s32 $0x1000, s26;
	v16 =	vand.u32 $0x7F, v20;
	v10 =	vand.u32 $0x7F, v21;
	v7 =	vand.u32 $0x7F, v22  }
0x10c: {  	v17 =	vand.u32 $0xFFFFFC00, v17;
	v11 =	vand.u32 $0x7F, v11  }
0x10d: {  	v12 =	vand.u32 $0x7F, v12;
	v13 =	vand.u32 $0xFFFFFC00, v13;
	v15 =	vor.u32 v15, v17  }
0x10e: {  	v9 =	vand.u32 $0xFFFFFC00, v9;
	v13 =	vor.u32 v14, v13;
	v62 =	vor.u32 v3, v15  }
0x10f: {  	v8 =	vand.u32 $0xFFFFFC00, v8;
	v9 =	vor.u32 v16, v9;
	v13 =	vor.u32 v3, v13  }
0x110: {  	v5 =	vand.u32 $0xFFFFFC00, v5;
	v8 =	vor.u32 v10, v8;
	v9 =	vor.u32 v3, v9  }
0x111: {  	v4 =	vand.u32 $0xFFFFFC00, v4;
	v5 =	vor.u32 v7, v5;
	v63 =	vor.u32 v3, v8  }
0x112: {  	v6 =	vand.u32 $0xFFFFFC00, v6;
	v4 =	vor.u32 v11, v4;
	v5 =	vor.u32 v3, v5  }
0x113: {  	s24 =	sadd.s32 $0x1, s24;
	v6 =	vor.u32 v12, v6;
	v4 =	vor.u32 v3, v4;
	[tilespmem:v62+s12+$0x0] =	vst.idx.add.f32.msk $0xffff, v2  }
0x114: {  	p1 =	sne.s32 s24, $0x20;
	v3 =	vor.u32 v3, v6;
	[tilespmem:v13+s12+$0x0] =	vst.idx.add.f32.msk $0xffff, v2  }
.Ltmp11:
0x115: {  	[tilespmem:v9+s12+$0x0] =	vst.idx.add.f32.msk $0xffff, v2;
	(pc) =	sbr.rel @p1 .LBB2_23-.Ltmp11, $4  }
0x116: {  	[tilespmem:v63+s12+$0x0] =	vst.idx.add.f32.msk $0xffff, v2  }
0x117: {  	[tilespmem:v5+s12+$0x0] =	vst.idx.add.f32.msk $0xffff, v2  }
0x118: {  	[tilespmem:v4+s12+$0x0] =	vst.idx.add.f32.msk $0xffff, v2  }
0x119: {  	s23 =	sadd.s32 $0x80, s23;
	s22 =	sadd.s32 $0x1, s22;
	[tilespmem:v3+s12+$0x0] =	vst.idx.add.f32.msk $0xffff, v2  }
0x11a: {  	s22 =	sadd.s32 s3, s19;
	s21 =	sadd.s32 s21, s2  }
0x11b: {  	[hbm4b:s22+s4] =	stream.linear.scatter [tilespmem:s12], [sflag:$0x3], $0x8000, $0x38;
	[tilespmem:$0x18000] =	vst v63  }
0x11c: {  	s21 =	sadd.s32 $0x800, s21  }
0x11d: {  	[tilespmem:s10], [sflag:$0x2] =	stream.linear.gather [hbm4b:s21+s4], $0x4000, $0x38;
	[tilespmem:$0x18000] =	vst v63  }
0x11e: {  	s21 =	simm.s32 @!p0 $0x4  }
0x11f: {  	_ =	swait.ge @!p0 [sflag:s21], $0x8000  }
0x120: {  	s24 =	simm.s32 $0x0;
	s22 =	simm.s32 $0x0;
	[sflag:s21] =	ssyncset.done @!p0 $0x0  }
0x121: {  	s23 =	sand.u32 $0x7C00, s22;
	[sflag:s21] =	ssyncadd.s32 @!p0 $0xFFFF8000;
	s21 =	sand.u32 $0x40, s22  }
0x122: {  	s26 =	simm.s32 $0x0;
	s28 =	simm.s32 $0x0;
	s25 =	sor.u32 s21, s23  }
.LBB2_27:
0x123: {  	s24 =	sadd.s32 $0x4, s24  }
0x124: {  	[tilespmem:s25+$0x10020] =	vst v0;
	s26 =	sadd.s32 $0x200, s26;
	s28 =	sadd.s32 $0x40, s28;
	p0 =	slt.u32 s24, $0xFC  }
.Ltmp12:
0x125: {  	[tilespmem:s25+$0x10010] =	vst v0;
	(pc) =	sbr.rel @p0 .LBB2_27-.Ltmp12, $4  }
0x126: {  	[tilespmem:s25+$0x10030] =	vst v0  }
0x127: {  	[tilespmem:s25+$0x10000] =	vst v0  }
0x128: {  	s29 =	sand.u32 $0x7C00, s26;
	s25 =	sand.u32 $0x40, s28  }
0x129: {  	s25 =	sor.u32 s25, s29  }
0x12a: {  	[tilespmem:s25+$0x10020] =	vst v0  }
0x12b: {  	[tilespmem:s25+$0x10010] =	vst v0  }
0x12c: {  	[tilespmem:s25+$0x10030] =	vst v0  }
0x12d: {  	[tilespmem:s25+$0x10000] =	vst v0;
	s24 =	simm.s32 $0x0;
	s25 =	sor.u32 s21, s23;
	s23 =	simm.s32 $0x0  }
.LBB2_29:
0x12e: {  	s24 =	sadd.s32 $0x4, s24  }
0x12f: {  	[tilespmem:s25+$0x100A0] =	vst v0;
	s22 =	sadd.s32 $0x200, s22;
	s23 =	sadd.s32 $0x40, s23;
	p0 =	slt.u32 s24, $0xFC  }
.Ltmp13:
0x130: {  	[tilespmem:s25+$0x10090] =	vst v0;
	(pc) =	sbr.rel @p0 .LBB2_29-.Ltmp13, $4  }
0x131: {  	[tilespmem:s25+$0x100B0] =	vst v0  }
0x132: {  	[tilespmem:s25+$0x10080] =	vst v0  }
0x133: {  	s21 =	sand.u32 $0x40, s23;
	s25 =	sand.u32 $0x7C00, s22  }
0x134: {  	s25 =	sor.u32 s21, s25;
	s21 =	simm.s32 $0x0  }
0x135: {  	[tilespmem:s25+$0x100A0] =	vst v0  }
0x136: {  	[tilespmem:s25+$0x10090] =	vst v0  }
0x137: {  	[tilespmem:s25+$0x100B0] =	vst v0;
	s24 =	simm.s32 $0x0;
	s22 =	sand.u32 $0x40, s21;
	s23 =	sand.u32 $0x7C00, s21  }
0x138: {  	[tilespmem:s25+$0x10080] =	vst v0;
	s26 =	simm.s32 $0x0;
	s28 =	simm.s32 $0x0;
	s25 =	sor.u32 s22, s23  }
.LBB2_31:
0x139: {  	s24 =	sadd.s32 $0x4, s24  }
0x13a: {  	[tilespmem:s25+$0x10120] =	vst v0;
	s26 =	sadd.s32 $0x200, s26;
	s28 =	sadd.s32 $0x40, s28;
	p0 =	slt.u32 s24, $0xFC  }
.Ltmp14:
0x13b: {  	[tilespmem:s25+$0x10110] =	vst v0;
	(pc) =	sbr.rel @p0 .LBB2_31-.Ltmp14, $4  }
0x13c: {  	[tilespmem:s25+$0x10130] =	vst v0  }
0x13d: {  	[tilespmem:s25+$0x10100] =	vst v0  }
0x13e: {  	s29 =	sand.u32 $0x7C00, s26;
	s25 =	sand.u32 $0x40, s28  }
0x13f: {  	s25 =	sor.u32 s25, s29  }
0x140: {  	[tilespmem:s25+$0x10120] =	vst v0  }
0x141: {  	[tilespmem:s25+$0x10110] =	vst v0  }
0x142: {  	[tilespmem:s25+$0x10130] =	vst v0  }
0x143: {  	[tilespmem:s25+$0x10100] =	vst v0;
	s25 =	simm.s32 $0x0;
	s24 =	sor.u32 s22, s23;
	s23 =	simm.s32 $0x0  }
.LBB2_33:
0x144: {  	s25 =	sadd.s32 $0x4, s25  }
0x145: {  	[tilespmem:s24+$0x101A0] =	vst v0;
	s21 =	sadd.s32 $0x200, s21;
	s23 =	sadd.s32 $0x40, s23;
	p1 =	slt.u32 s25, $0xFC  }
.Ltmp15:
0x146: {  	[tilespmem:s24+$0x10190] =	vst v0;
	(pc) =	sbr.rel @p1 .LBB2_33-.Ltmp15, $4  }
0x147: {  	[tilespmem:s24+$0x101B0] =	vst v0  }
0x148: {  	[tilespmem:s24+$0x10180] =	vst v0  }
0x149: {  	p0 =	por $0x0, $0x0;
	s22 =	sand.u32 $0x40, s23;
	s24 =	sand.u32 $0x7C00, s21  }
0x14a: {  	s24 =	sor.u32 s22, s24;
	s22 =	simm.s32 $0x0  }
0x14b: {  	s21 =	simm.s32 $0x1;
	[tilespmem:s24+$0x101A0] =	vst v0  }
0x14c: {  	[tilespmem:s24+$0x10190] =	vst v0;
	s21 =	simm.s32 @!p0 $0x0  }
0x14d: {  	[tilespmem:s24+$0x101B0] =	vst v0;
	s23 =	simm.s32 $0x0;
	s21 =	sshll.u32 s21, $0x6  }
0x14e: {  	p1 =	por !p0, !p0;
	[tilespmem:s24+$0x10180] =	vst v0;
	s24 =	simm.s32 $0x0;
	s26 =	sadd.s32 $0x0, s21  }
0x14f: {  	s29 =	sor.u32 $0x200, s26;
	s25 =	sor.u32 $0x210, s26;
	s28 =	sor.u32 $0x220, s26  }
.LBB2_35:
0x150: {  	s23 =	sadd.s32 $0x4, s23  }
0x151: {  	[tilespmem:s29+$0x10000] =	vst v0;
	s26 =	sor.u32 $0x230, s26;
	s24 =	sadd.s32 $0x200, s24;
	p2 =	slt.u32 s23, $0xFC  }
.Ltmp16:
0x152: {  	[tilespmem:s28+$0x10000] =	vst v0;
	s28 =	simm.s32 $0x1;
	(pc) =	sbr.rel @p2 .LBB2_35-.Ltmp16, $4  }
0x153: {  	s28 =	simm.s32 @!p1 $0x0;
	[tilespmem:s26+$0x10000] =	vst v0  }
0x154: {  	s26 =	sshll.u32 s28, $0x6;
	[tilespmem:s25+$0x10000] =	vst v0  }
0x155: {  	p1 =	por !p1, !p1;
	s26 =	sadd.s32 s26, s24  }
0x156: {  	s29 =	sor.u32 $0x200, s26;
	s25 =	sor.u32 $0x210, s26;
	s28 =	sor.u32 $0x220, s26  }
0x157: {  	[tilespmem:s29+$0x10000] =	vst v0  }
0x158: {  	s23 =	sor.u32 $0x230, s26;
	[tilespmem:s28+$0x10000] =	vst v0  }
0x159: {  	s24 =	simm.s32 $0x0;
	s26 =	sadd.s32 $0x0, s21;
	p1 =	por !p0, !p0;
	[tilespmem:s25+$0x10000] =	vst v0  }
0x15a: {  	[tilespmem:s23+$0x10000] =	vst v0;
	s28 =	sor.u32 $0x280, s26;
	s23 =	sor.u32 $0x290, s26;
	s25 =	sor.u32 $0x2A0, s26  }
.LBB2_37:
0x15b: {  	s24 =	sadd.s32 $0x4, s24  }
0x15c: {  	[tilespmem:s28+$0x10000] =	vst v0;
	s21 =	sor.u32 $0x2B0, s26;
	s22 =	sadd.s32 $0x200, s22;
	p2 =	slt.u32 s24, $0xFC  }
.Ltmp17:
0x15d: {  	[tilespmem:s25+$0x10000] =	vst v0;
	s25 =	simm.s32 $0x1;
	(pc) =	sbr.rel @p2 .LBB2_37-.Ltmp17, $4  }
0x15e: {  	s25 =	simm.s32 @!p1 $0x0;
	[tilespmem:s21+$0x10000] =	vst v0  }
0x15f: {  	p0 =	por $0x0, $0x0;
	s21 =	simm.s32 $0x0;
	s25 =	sshll.u32 s25, $0x6;
	[tilespmem:s23+$0x10000] =	vst v0  }
0x160: {  	p1 =	por !p1, !p1;
	s26 =	sadd.s32 s25, s22  }
0x161: {  	s28 =	sor.u32 $0x280, s26;
	s23 =	sor.u32 $0x290, s26;
	s25 =	sor.u32 $0x2A0, s26  }
0x162: {  	s22 =	simm.s32 $0x1  }
0x163: {  	[tilespmem:s28+$0x10000] =	vst v0;
	s22 =	simm.s32 @!p0 $0x0  }
0x164: {  	s24 =	sor.u32 $0x2B0, s26;
	p1 =	por !p0, !p0;
	[tilespmem:s23+$0x10000] =	vst v0;
	s22 =	sshll.u32 s22, $0x6  }
0x165: {  	s23 =	simm.s32 $0x0;
	[tilespmem:s24+$0x10000] =	vst v0;
	s24 =	simm.s32 $0x0;
	s26 =	sadd.s32 $0x0, s22  }
0x166: {  	[tilespmem:s25+$0x10000] =	vst v0;
	s29 =	sor.u32 $0x300, s26;
	s25 =	sor.u32 $0x310, s26;
	s28 =	sor.u32 $0x320, s26  }
.LBB2_39:
0x167: {  	s24 =	sadd.s32 $0x4, s24  }
0x168: {  	[tilespmem:s29+$0x10000] =	vst v0;
	s26 =	sor.u32 $0x330, s26;
	s23 =	sadd.s32 $0x200, s23;
	p2 =	slt.u32 s24, $0xFC  }
.Ltmp18:
0x169: {  	[tilespmem:s28+$0x10000] =	vst v0;
	s28 =	simm.s32 $0x1;
	(pc) =	sbr.rel @p2 .LBB2_39-.Ltmp18, $4  }
0x16a: {  	s28 =	simm.s32 @!p1 $0x0;
	[tilespmem:s26+$0x10000] =	vst v0  }
0x16b: {  	s26 =	sshll.u32 s28, $0x6;
	[tilespmem:s25+$0x10000] =	vst v0  }
0x16c: {  	p1 =	por !p1, !p1;
	s26 =	sadd.s32 s26, s23  }
0x16d: {  	s29 =	sor.u32 $0x300, s26;
	s25 =	sor.u32 $0x310, s26;
	s28 =	sor.u32 $0x320, s26  }
0x16e: {  	[tilespmem:s29+$0x10000] =	vst v0  }
0x16f: {  	s23 =	sor.u32 $0x330, s26;
	[tilespmem:s28+$0x10000] =	vst v0  }
0x170: {  	s24 =	sadd.s32 $0x0, s22;
	p0 =	por !p0, !p0;
	[tilespmem:s23+$0x10000] =	vst v0;
	s23 =	simm.s32 $0x0  }
0x171: {  	[tilespmem:s25+$0x10000] =	vst v0;
	s26 =	sor.u32 $0x380, s24;
	s22 =	sor.u32 $0x390, s24;
	s25 =	sor.u32 $0x3A0, s24  }
.LBB2_41:
0x172: {  	s23 =	sadd.s32 $0x4, s23  }
0x173: {  	[tilespmem:s26+$0x10000] =	vst v0;
	s24 =	sor.u32 $0x3B0, s24;
	s21 =	sadd.s32 $0x200, s21;
	p1 =	slt.u32 s23, $0xFC  }
.Ltmp19:
0x174: {  	[tilespmem:s25+$0x10000] =	vst v0;
	s25 =	simm.s32 $0x1;
	(pc) =	sbr.rel @p1 .LBB2_41-.Ltmp19, $4  }
0x175: {  	s25 =	simm.s32 @!p0 $0x0;
	[tilespmem:s24+$0x10000] =	vst v0  }
0x176: {  	s24 =	sshll.u32 s25, $0x6;
	[tilespmem:s22+$0x10000] =	vst v0  }
0x177: {  	p0 =	por !p0, !p0;
	s24 =	sadd.s32 s24, s21  }
0x178: {  	s26 =	sor.u32 $0x380, s24;
	s22 =	sor.u32 $0x390, s24;
	s25 =	sor.u32 $0x3A0, s24  }
0x179: {  	[tilespmem:s26+$0x10000] =	vst v0  }
0x17a: {  	[tilespmem:s25+$0x10000] =	vst v0  }
0x17b: {  	s21 =	sor.u32 $0x3B0, s24;
	[tilespmem:s22+$0x10000] =	vst v0  }
0x17c: {  	[tilespmem:s21+$0x10000] =	vst v0  }
0x17d: {  	_ =	swait.ge [sflag:s11], $0x4000  }
0x17e: {  	s22 =	simm.s32 $0x0;
	[sflag:s11] =	ssyncset.done $0x0  }
0x17f: {  	s23 =	simm.s32 $0x0;
	s21 =	simm.s32 $0x0;
	[sflag:s11] =	ssyncadd.s32 $0xFFFFC000  }
.LBB2_43:
0x180: {  	s24 =	sshll.u32 s22, $0x2;
	s25 =	sand.u32 $0x7, s21  }
0x181: {  	s24 =	sand.u32 $0xFFFFF000, s24;
	s25 =	sshll.u32 s25, $0x6  }
0x182: {  	s24 =	sor.u32 s25, s24  }
0x183: {  	s24 =	sshrl.u32 s24, $0x2  }
0x184: {  	s30 =	sor.u32 $0x200, s24  }
0x185: {  	v4 =	vld [tilespmem:s30+$0x180]  }
0x186: {  	v5 =	vld [tilespmem:s30+$0xFFFFFE80]  }
0x187: {  	v6 =	vld [tilespmem:s30+$0xFFFFFF00]  }
0x188: {  	v7 =	vld [tilespmem:s30+$0xFFFFFF80]  }
0x189: {  	s31 =	sshrl.u32 s23, $0x2;
	v8 =	vld [tilespmem:s30+$0x0]  }
0x18a: {  	v3 =	vmov s31;
	v9 =	vld [tilespmem:s30+$0x80]  }
0x18b: {  	v3 =	vshll.u32 v3, $0x7;
	v10 =	vld [tilespmem:s30+$0x100]  }
0x18c: {  	v3 =	vand.u32 $0x380, v3;
	v11 =	vld [tilespmem:s30+$0xFFFFFE00]  }
0x18d: {  	v3 =	vbroadcast v3, $0x0;
	v4 =	vmul.f32 $2.560000000e+02, v4  }
0x18e: {  	v5 =	vmul.f32 $2.560000000e+02, v5;
	v6 =	vmul.f32 $2.560000000e+02, v6  }
0x18f: {  	v7 =	vmul.f32 $2.560000000e+02, v7;
	v8 =	vmul.f32 $2.560000000e+02, v8  }
0x190: {  	v9 =	vmul.f32 $2.560000000e+02, v9;
	v10 =	vmul.f32 $2.560000000e+02, v10  }
0x191: {  	v11 =	vmul.f32 $2.560000000e+02, v11;
	v4 =	vtrunc.f32 v4  }
0x192: {  	v5 =	vtrunc.f32 v5;
	v6 =	vtrunc.f32 v6  }
0x193: {  	v7 =	vtrunc.f32 v7;
	v8 =	vtrunc.f32 v8  }
0x194: {  	v11 =	vtrunc.f32 v11;
	v9 =	vtrunc.f32 v9  }
0x195: {  	v10 =	vtrunc.f32 v10;
	v4 =	vcvt.f32.s32 v4  }
0x196: {  	v13 =	vcvt.f32.s32 v11;
	v7 =	vcvt.f32.s32 v7  }
0x197: {  	v14 =	vcvt.f32.s32 v8;
	v15 =	vcvt.f32.s32 v9  }
0x198: {  	v10 =	vcvt.f32.s32 v10;
	v12 =	vshll.u32 v4, $0x4;
	v4 =	vshll.u32 v4, $0x7  }
0x199: {  	v11 =	vshll.u32 v7, $0x4;
	v17 =	vshll.u32 v15, $0x4;
	v12 =	vor.u32 v1, v12  }
0x19a: {  	v18 =	vshll.u32 v10, $0x4;
	v4 =	vand.u32 $0xFFFFFC00, v4;
	v12 =	vand.u32 $0x7F, v12  }
0x19b: {  	v21 =	vor.u32 v1, v11;
	v11 =	vor.u32 v1, v17;
	v4 =	vor.u32 v12, v4  }
0x19c: {  	v17 =	vshll.u32 v13, $0x7;
	v12 =	vshll.u32 v14, $0x4;
	v16 =	vor.u32 v3, v4  }
0x19d: {  	v4 =	vcvt.f32.s32 v5;
	v5 =	vcvt.f32.s32 v6;
	v6 =	vshll.u32 v13, $0x4  }
0x19e: {  	v22 =	vor.u32 v1, v12;
	v12 =	vor.u32 v1, v18;
	v6 =	vor.u32 v1, v6  }
0x19f: {  	v8 =	vshll.u32 v4, $0x4;
	v9 =	vshll.u32 v5, $0x4;
	v13 =	vshll.u32 v4, $0x7  }
0x1a0: {  	v4 =	vshll.u32 v15, $0x7;
	v15 =	vand.u32 $0x7F, v6;
	v6 =	vshll.u32 v10, $0x7  }
0x1a1: {  	v10 =	vand.u32 $0x7F, v21;
	v19 =	vor.u32 v1, v8;
	v20 =	vor.u32 v1, v9  }
0x1a2: {  	v9 =	vshll.u32 v5, $0x7;
	v8 =	vshll.u32 v7, $0x7;
	v5 =	vshll.u32 v14, $0x7  }
0x1a3: {  	s24 =	simm.s32 $0x0;
	s25 =	sadd.s32 $0x1000, s30;
	v7 =	vand.u32 $0x7F, v22;
	v14 =	vand.u32 $0x7F, v19;
	[tilespmem:v16+s14+$0x0] =	vst.idx.add.f32.msk $0xffff, v2;
	v16 =	vand.u32 $0x7F, v20  }
.LBB2_44:
0x1a4: {  	v18 =	vld [tilespmem:s25+$0x180];
	s24 =	sadd.s32 $0x8, s24;
	v17 =	vand.u32 $0xFFFFFC00, v17;
	v11 =	vand.u32 $0x7F, v11;
	v12 =	vand.u32 $0x7F, v12  }
0x1a5: {  	v13 =	vand.u32 $0xFFFFFC00, v13;
	v9 =	vand.u32 $0xFFFFFC00, v9;
	v8 =	vand.u32 $0xFFFFFC00, v8;
	v19 =	vld [tilespmem:s25+$0xFFFFFE80];
	p0 =	slt.u32 s24, $0x18  }
0x1a6: {  	v5 =	vand.u32 $0xFFFFFC00, v5;
	v4 =	vand.u32 $0xFFFFFC00, v4;
	v6 =	vand.u32 $0xFFFFFC00, v6;
	v20 =	vld [tilespmem:s25+$0xFFFFFF00]  }
0x1a7: {  	v15 =	vor.u32 v15, v17;
	v13 =	vor.u32 v14, v13;
	v9 =	vor.u32 v16, v9;
	v21 =	vld [tilespmem:s25+$0xFFFFFF80]  }
0x1a8: {  	v8 =	vor.u32 v10, v8;
	v5 =	vor.u32 v7, v5;
	v4 =	vor.u32 v11, v4;
	v14 =	vld [tilespmem:s25+$0x0]  }
0x1a9: {  	v6 =	vor.u32 v12, v6;
	v11 =	vor.u32 v3, v15;
	v7 =	vld [tilespmem:s25+$0x80];
	v10 =	vmul.f32 $2.560000000e+02, v18  }
0x1aa: {  	v13 =	vor.u32 v3, v13;
	v9 =	vor.u32 v3, v9;
	v12 =	vmul.f32 $2.560000000e+02, v19;
	v15 =	vld [tilespmem:s25+$0x100]  }
0x1ab: {  	v8 =	vor.u32 v3, v8;
	v16 =	vld [tilespmem:s25+$0xFFFFFE00];
	v17 =	vmul.f32 $2.560000000e+02, v20;
	v10 =	vtrunc.f32 v10  }
0x1ac: {  	v5 =	vor.u32 v3, v5;
	v18 =	vmul.f32 $2.560000000e+02, v21;
	v10 =	vcvt.f32.s32 v10  }
0x1ad: {  	v4 =	vor.u32 v3, v4;
	v12 =	vtrunc.f32 v12;
	v14 =	vmul.f32 $2.560000000e+02, v14  }
0x1ae: {  	v17 =	vtrunc.f32 v17;
	v7 =	vmul.f32 $2.560000000e+02, v7;
	v19 =	vshll.u32 v10, $0x4;
	[tilespmem:v11+s14+$0x0] =	vst.idx.add.f32.msk $0xffff, v2  }
0x1af: {  	v10 =	vshll.u32 v10, $0x7;
	v11 =	vmul.f32 $2.560000000e+02, v15;
	v15 =	vor.u32 v1, v19;
	[tilespmem:v13+s14+$0x0] =	vst.idx.add.f32.msk $0xffff, v2  }
0x1b0: {  	v10 =	vand.u32 $0xFFFFFC00, v10;
	v13 =	vmul.f32 $2.560000000e+02, v16;
	v15 =	vand.u32 $0x7F, v15;
	[tilespmem:v9+s14+$0x0] =	vst.idx.add.f32.msk $0xffff, v2  }
0x1b1: {  	v14 =	vtrunc.f32 v14;
	v9 =	vtrunc.f32 v18;
	v10 =	vor.u32 v15, v10;
	[tilespmem:v8+s14+$0x0] =	vst.idx.add.f32.msk $0xffff, v2  }
0x1b2: {  	v7 =	vtrunc.f32 v7;
	v8 =	vtrunc.f32 v13;
	v10 =	vor.u32 v3, v10;
	[tilespmem:v5+s14+$0x0] =	vst.idx.add.f32.msk $0xffff, v2  }
0x1b3: {  	v5 =	vcvt.f32.s32 v8;
	v8 =	vtrunc.f32 v11;
	[tilespmem:v4+s14+$0x0] =	vst.idx.add.f32.msk $0xffff, v2;
	v4 =	vor.u32 v3, v6  }
0x1b4: {  	v15 =	vcvt.f32.s32 v17;
	v6 =	vcvt.f32.s32 v12  }
0x1b5: {  	v14 =	vcvt.f32.s32 v14;
	v16 =	vcvt.f32.s32 v9;
	v11 =	vshll.u32 v5, $0x4  }
0x1b6: {  	v7 =	vcvt.f32.s32 v7;
	v18 =	vcvt.f32.s32 v8;
	v9 =	vshll.u32 v6, $0x4  }
0x1b7: {  	v13 =	vshll.u32 v14, $0x4;
	v12 =	vshll.u32 v16, $0x4;
	v8 =	vshll.u32 v15, $0x4;
	[tilespmem:v10+s14+$0x0] =	vst.idx.add.f32.msk $0xffff, v2  }
0x1b8: {  	v17 =	vshll.u32 v18, $0x4;
	v10 =	vor.u32 v1, v11;
	v11 =	vshll.u32 v7, $0x4;
	[tilespmem:v4+s14+$0x0] =	vst.idx.add.f32.msk $0xffff, v2  }
0x1b9: {  	v21 =	vor.u32 v1, v12;
	v20 =	vor.u32 v1, v8;
	v19 =	vor.u32 v1, v9  }
.Ltmp20:
0x1ba: {  	v22 =	vor.u32 v1, v13;
	v12 =	vor.u32 v1, v17;
	v11 =	vor.u32 v1, v11;
	(pc) =	sbr.rel @p0 .LBB2_44-.Ltmp20, $4  }
0x1bb: {  	v13 =	vshll.u32 v6, $0x7;
	v9 =	vshll.u32 v15, $0x7;
	v17 =	vshll.u32 v5, $0x7  }
0x1bc: {  	v8 =	vshll.u32 v16, $0x7;
	v5 =	vshll.u32 v14, $0x7;
	v4 =	vshll.u32 v7, $0x7  }
0x1bd: {  	v6 =	vshll.u32 v18, $0x7;
	v14 =	vand.u32 $0x7F, v19;
	v15 =	vand.u32 $0x7F, v10  }
0x1be: {  	s25 =	sadd.s32 $0x1000, s25;
	v16 =	vand.u32 $0x7F, v20;
	v10 =	vand.u32 $0x7F, v21;
	v7 =	vand.u32 $0x7F, v22  }
0x1bf: {  	v17 =	vand.u32 $0xFFFFFC00, v17;
	v11 =	vand.u32 $0x7F, v11  }
0x1c0: {  	v12 =	vand.u32 $0x7F, v12;
	v13 =	vand.u32 $0xFFFFFC00, v13;
	v15 =	vor.u32 v15, v17  }
0x1c1: {  	v9 =	vand.u32 $0xFFFFFC00, v9;
	v13 =	vor.u32 v14, v13;
	v62 =	vor.u32 v3, v15  }
0x1c2: {  	v8 =	vand.u32 $0xFFFFFC00, v8;
	v9 =	vor.u32 v16, v9;
	v13 =	vor.u32 v3, v13  }
0x1c3: {  	v5 =	vand.u32 $0xFFFFFC00, v5;
	v8 =	vor.u32 v10, v8;
	v9 =	vor.u32 v3, v9  }
0x1c4: {  	v4 =	vand.u32 $0xFFFFFC00, v4;
	v5 =	vor.u32 v7, v5;
	v63 =	vor.u32 v3, v8  }
0x1c5: {  	v6 =	vand.u32 $0xFFFFFC00, v6;
	v4 =	vor.u32 v11, v4;
	v5 =	vor.u32 v3, v5  }
0x1c6: {  	s23 =	sadd.s32 $0x1, s23;
	v6 =	vor.u32 v12, v6;
	v4 =	vor.u32 v3, v4;
	[tilespmem:v62+s14+$0x0] =	vst.idx.add.f32.msk $0xffff, v2  }
0x1c7: {  	p0 =	sne.s32 s23, $0x20;
	v3 =	vor.u32 v3, v6;
	[tilespmem:v13+s14+$0x0] =	vst.idx.add.f32.msk $0xffff, v2  }
.Ltmp21:
0x1c8: {  	[tilespmem:v9+s14+$0x0] =	vst.idx.add.f32.msk $0xffff, v2;
	(pc) =	sbr.rel @p0 .LBB2_43-.Ltmp21, $4  }
0x1c9: {  	[tilespmem:v63+s14+$0x0] =	vst.idx.add.f32.msk $0xffff, v2  }
0x1ca: {  	[tilespmem:v5+s14+$0x0] =	vst.idx.add.f32.msk $0xffff, v2  }
0x1cb: {  	[tilespmem:v4+s14+$0x0] =	vst.idx.add.f32.msk $0xffff, v2  }
0x1cc: {  	s22 =	sadd.s32 $0x80, s22;
	s21 =	sadd.s32 $0x1, s21;
	[tilespmem:v3+s14+$0x0] =	vst.idx.add.f32.msk $0xffff, v2  }
0x1cd: {  	p0 =	seq.s32 s18, $0x5  }
0x1ce: {  	s19 =	sadd.s32 @!p0 s9, s19;
	s21 =	simm.s32 @!p0 $0x0  }
0x1cf: {  	[tilespmem:s21], [sflag:$0x1] =	stream.linear.gather @!p0 [hbm4b:s19+s21], $0x4000, $0x38;
	[tilespmem:$0x18000] =	vst v63  }
0x1d0: {  	_ =	swait.ge [sflag:s13], $0x4000  }
0x1d1: {  	s22 =	simm.s32 $0x0;
	[sflag:s13] =	ssyncset.done $0x0  }
0x1d2: {  	s19 =	simm.s32 $0x0;
	s21 =	simm.s32 $0x0;
	[sflag:s13] =	ssyncadd.s32 $0xFFFFC000  }
.LBB2_47:
0x1d3: {  	s23 =	sshll.u32 s21, $0x2;
	s24 =	sand.u32 $0x7, s19  }
0x1d4: {  	s23 =	sand.u32 $0xFFFFF000, s23;
	s24 =	sshll.u32 s24, $0x6  }
0x1d5: {  	s23 =	sor.u32 s24, s23  }
0x1d6: {  	s23 =	sshrl.u32 s23, $0x2  }
0x1d7: {  	s30 =	sadd.s32 $0x4200, s23  }
0x1d8: {  	v4 =	vld [tilespmem:s30+$0x180]  }
0x1d9: {  	v5 =	vld [tilespmem:s30+$0xFFFFFE80]  }
0x1da: {  	v6 =	vld [tilespmem:s30+$0xFFFFFF00]  }
0x1db: {  	v7 =	vld [tilespmem:s30+$0xFFFFFF80]  }
0x1dc: {  	s31 =	sshrl.u32 s22, $0x2;
	v8 =	vld [tilespmem:s30+$0x0]  }
0x1dd: {  	v3 =	vmov s31;
	v9 =	vld [tilespmem:s30+$0x80]  }
0x1de: {  	v3 =	vshll.u32 v3, $0x7;
	v10 =	vld [tilespmem:s30+$0x100]  }
0x1df: {  	v3 =	vand.u32 $0x380, v3;
	v11 =	vld [tilespmem:s30+$0xFFFFFE00]  }
0x1e0: {  	v3 =	vbroadcast v3, $0x0;
	v4 =	vmul.f32 $2.560000000e+02, v4  }
0x1e1: {  	v5 =	vmul.f32 $2.560000000e+02, v5;
	v6 =	vmul.f32 $2.560000000e+02, v6  }
0x1e2: {  	v7 =	vmul.f32 $2.560000000e+02, v7;
	v8 =	vmul.f32 $2.560000000e+02, v8  }
0x1e3: {  	v9 =	vmul.f32 $2.560000000e+02, v9;
	v10 =	vmul.f32 $2.560000000e+02, v10  }
0x1e4: {  	v11 =	vmul.f32 $2.560000000e+02, v11;
	v4 =	vtrunc.f32 v4  }
0x1e5: {  	v5 =	vtrunc.f32 v5;
	v6 =	vtrunc.f32 v6  }
0x1e6: {  	v7 =	vtrunc.f32 v7;
	v8 =	vtrunc.f32 v8  }
0x1e7: {  	v11 =	vtrunc.f32 v11;
	v9 =	vtrunc.f32 v9  }
0x1e8: {  	v10 =	vtrunc.f32 v10;
	v4 =	vcvt.f32.s32 v4  }
0x1e9: {  	v13 =	vcvt.f32.s32 v11;
	v7 =	vcvt.f32.s32 v7  }
0x1ea: {  	v14 =	vcvt.f32.s32 v8;
	v15 =	vcvt.f32.s32 v9  }
0x1eb: {  	v10 =	vcvt.f32.s32 v10;
	v12 =	vshll.u32 v4, $0x4;
	v4 =	vshll.u32 v4, $0x7  }
0x1ec: {  	v11 =	vshll.u32 v7, $0x4;
	v17 =	vshll.u32 v15, $0x4;
	v12 =	vor.u32 v1, v12  }
0x1ed: {  	v18 =	vshll.u32 v10, $0x4;
	v4 =	vand.u32 $0xFFFFFC00, v4;
	v12 =	vand.u32 $0x7F, v12  }
0x1ee: {  	v21 =	vor.u32 v1, v11;
	v11 =	vor.u32 v1, v17;
	v4 =	vor.u32 v12, v4  }
0x1ef: {  	v17 =	vshll.u32 v13, $0x7;
	v12 =	vshll.u32 v14, $0x4;
	v16 =	vor.u32 v3, v4  }
0x1f0: {  	v4 =	vcvt.f32.s32 v5;
	v5 =	vcvt.f32.s32 v6;
	v6 =	vshll.u32 v13, $0x4  }
0x1f1: {  	v22 =	vor.u32 v1, v12;
	v12 =	vor.u32 v1, v18;
	v6 =	vor.u32 v1, v6  }
0x1f2: {  	v8 =	vshll.u32 v4, $0x4;
	v9 =	vshll.u32 v5, $0x4;
	v13 =	vshll.u32 v4, $0x7  }
0x1f3: {  	v4 =	vshll.u32 v15, $0x7;
	v15 =	vand.u32 $0x7F, v6;
	v6 =	vshll.u32 v10, $0x7  }
0x1f4: {  	v10 =	vand.u32 $0x7F, v21;
	v19 =	vor.u32 v1, v8;
	v20 =	vor.u32 v1, v9  }
0x1f5: {  	v9 =	vshll.u32 v5, $0x7;
	v8 =	vshll.u32 v7, $0x7;
	v5 =	vshll.u32 v14, $0x7  }
0x1f6: {  	s23 =	simm.s32 $0x0;
	s24 =	sadd.s32 $0x1000, s30;
	v7 =	vand.u32 $0x7F, v22;
	v14 =	vand.u32 $0x7F, v19;
	[tilespmem:v16+s14+$0x0] =	vst.idx.add.f32.msk $0xffff, v2;
	v16 =	vand.u32 $0x7F, v20  }
.LBB2_48:
0x1f7: {  	v18 =	vld [tilespmem:s24+$0x180];
	s23 =	sadd.s32 $0x8, s23;
	v17 =	vand.u32 $0xFFFFFC00, v17;
	v11 =	vand.u32 $0x7F, v11;
	v12 =	vand.u32 $0x7F, v12  }
0x1f8: {  	v13 =	vand.u32 $0xFFFFFC00, v13;
	v9 =	vand.u32 $0xFFFFFC00, v9;
	v8 =	vand.u32 $0xFFFFFC00, v8;
	v19 =	vld [tilespmem:s24+$0xFFFFFE80];
	p0 =	slt.u32 s23, $0x18  }
0x1f9: {  	v5 =	vand.u32 $0xFFFFFC00, v5;
	v4 =	vand.u32 $0xFFFFFC00, v4;
	v6 =	vand.u32 $0xFFFFFC00, v6;
	v20 =	vld [tilespmem:s24+$0xFFFFFF00]  }
0x1fa: {  	v15 =	vor.u32 v15, v17;
	v13 =	vor.u32 v14, v13;
	v9 =	vor.u32 v16, v9;
	v21 =	vld [tilespmem:s24+$0xFFFFFF80]  }
0x1fb: {  	v8 =	vor.u32 v10, v8;
	v5 =	vor.u32 v7, v5;
	v4 =	vor.u32 v11, v4;
	v14 =	vld [tilespmem:s24+$0x0]  }
0x1fc: {  	v6 =	vor.u32 v12, v6;
	v11 =	vor.u32 v3, v15;
	v7 =	vld [tilespmem:s24+$0x80];
	v10 =	vmul.f32 $2.560000000e+02, v18  }
0x1fd: {  	v13 =	vor.u32 v3, v13;
	v9 =	vor.u32 v3, v9;
	v12 =	vmul.f32 $2.560000000e+02, v19;
	v15 =	vld [tilespmem:s24+$0x100]  }
0x1fe: {  	v8 =	vor.u32 v3, v8;
	v16 =	vld [tilespmem:s24+$0xFFFFFE00];
	v17 =	vmul.f32 $2.560000000e+02, v20;
	v10 =	vtrunc.f32 v10  }
0x1ff: {  	v5 =	vor.u32 v3, v5;
	v18 =	vmul.f32 $2.560000000e+02, v21;
	v10 =	vcvt.f32.s32 v10  }
0x200: {  	v4 =	vor.u32 v3, v4;
	v12 =	vtrunc.f32 v12;
	v14 =	vmul.f32 $2.560000000e+02, v14  }
0x201: {  	v17 =	vtrunc.f32 v17;
	v7 =	vmul.f32 $2.560000000e+02, v7;
	v19 =	vshll.u32 v10, $0x4;
	[tilespmem:v11+s14+$0x0] =	vst.idx.add.f32.msk $0xffff, v2  }
0x202: {  	v10 =	vshll.u32 v10, $0x7;
	v11 =	vmul.f32 $2.560000000e+02, v15;
	v15 =	vor.u32 v1, v19;
	[tilespmem:v13+s14+$0x0] =	vst.idx.add.f32.msk $0xffff, v2  }
0x203: {  	v10 =	vand.u32 $0xFFFFFC00, v10;
	v13 =	vmul.f32 $2.560000000e+02, v16;
	v15 =	vand.u32 $0x7F, v15;
	[tilespmem:v9+s14+$0x0] =	vst.idx.add.f32.msk $0xffff, v2  }
0x204: {  	v14 =	vtrunc.f32 v14;
	v9 =	vtrunc.f32 v18;
	v10 =	vor.u32 v15, v10;
	[tilespmem:v8+s14+$0x0] =	vst.idx.add.f32.msk $0xffff, v2  }
0x205: {  	v7 =	vtrunc.f32 v7;
	v8 =	vtrunc.f32 v13;
	v10 =	vor.u32 v3, v10;
	[tilespmem:v5+s14+$0x0] =	vst.idx.add.f32.msk $0xffff, v2  }
0x206: {  	v5 =	vcvt.f32.s32 v8;
	v8 =	vtrunc.f32 v11;
	[tilespmem:v4+s14+$0x0] =	vst.idx.add.f32.msk $0xffff, v2;
	v4 =	vor.u32 v3, v6  }
0x207: {  	v15 =	vcvt.f32.s32 v17;
	v6 =	vcvt.f32.s32 v12  }
0x208: {  	v14 =	vcvt.f32.s32 v14;
	v16 =	vcvt.f32.s32 v9;
	v11 =	vshll.u32 v5, $0x4  }
0x209: {  	v7 =	vcvt.f32.s32 v7;
	v18 =	vcvt.f32.s32 v8;
	v9 =	vshll.u32 v6, $0x4  }
0x20a: {  	v13 =	vshll.u32 v14, $0x4;
	v12 =	vshll.u32 v16, $0x4;
	v8 =	vshll.u32 v15, $0x4;
	[tilespmem:v10+s14+$0x0] =	vst.idx.add.f32.msk $0xffff, v2  }
0x20b: {  	v17 =	vshll.u32 v18, $0x4;
	v10 =	vor.u32 v1, v11;
	v11 =	vshll.u32 v7, $0x4;
	[tilespmem:v4+s14+$0x0] =	vst.idx.add.f32.msk $0xffff, v2  }
0x20c: {  	v21 =	vor.u32 v1, v12;
	v20 =	vor.u32 v1, v8;
	v19 =	vor.u32 v1, v9  }
.Ltmp22:
0x20d: {  	v22 =	vor.u32 v1, v13;
	v12 =	vor.u32 v1, v17;
	v11 =	vor.u32 v1, v11;
	(pc) =	sbr.rel @p0 .LBB2_48-.Ltmp22, $4  }
0x20e: {  	v13 =	vshll.u32 v6, $0x7;
	v9 =	vshll.u32 v15, $0x7;
	v17 =	vshll.u32 v5, $0x7  }
0x20f: {  	v8 =	vshll.u32 v16, $0x7;
	v5 =	vshll.u32 v14, $0x7;
	v4 =	vshll.u32 v7, $0x7  }
0x210: {  	v6 =	vshll.u32 v18, $0x7;
	v14 =	vand.u32 $0x7F, v19;
	v15 =	vand.u32 $0x7F, v10  }
0x211: {  	s24 =	sadd.s32 $0x1000, s24;
	v16 =	vand.u32 $0x7F, v20;
	v10 =	vand.u32 $0x7F, v21;
	v7 =	vand.u32 $0x7F, v22  }
0x212: {  	v17 =	vand.u32 $0xFFFFFC00, v17;
	v11 =	vand.u32 $0x7F, v11  }
0x213: {  	v12 =	vand.u32 $0x7F, v12;
	v13 =	vand.u32 $0xFFFFFC00, v13;
	v15 =	vor.u32 v15, v17  }
0x214: {  	v9 =	vand.u32 $0xFFFFFC00, v9;
	v13 =	vor.u32 v14, v13;
	v62 =	vor.u32 v3, v15  }
0x215: {  	v8 =	vand.u32 $0xFFFFFC00, v8;
	v9 =	vor.u32 v16, v9;
	v13 =	vor.u32 v3, v13  }
0x216: {  	v5 =	vand.u32 $0xFFFFFC00, v5;
	v8 =	vor.u32 v10, v8;
	v9 =	vor.u32 v3, v9  }
0x217: {  	v4 =	vand.u32 $0xFFFFFC00, v4;
	v5 =	vor.u32 v7, v5;
	v63 =	vor.u32 v3, v8  }
0x218: {  	v6 =	vand.u32 $0xFFFFFC00, v6;
	v4 =	vor.u32 v11, v4;
	v5 =	vor.u32 v3, v5  }
0x219: {  	s22 =	sadd.s32 $0x1, s22;
	v6 =	vor.u32 v12, v6;
	v4 =	vor.u32 v3, v4;
	[tilespmem:v62+s14+$0x0] =	vst.idx.add.f32.msk $0xffff, v2  }
0x21a: {  	p0 =	sne.s32 s22, $0x20;
	v3 =	vor.u32 v3, v6;
	[tilespmem:v13+s14+$0x0] =	vst.idx.add.f32.msk $0xffff, v2  }
.Ltmp23:
0x21b: {  	[tilespmem:v9+s14+$0x0] =	vst.idx.add.f32.msk $0xffff, v2;
	(pc) =	sbr.rel @p0 .LBB2_47-.Ltmp23, $4  }
0x21c: {  	[tilespmem:v63+s14+$0x0] =	vst.idx.add.f32.msk $0xffff, v2  }
0x21d: {  	[tilespmem:v5+s14+$0x0] =	vst.idx.add.f32.msk $0xffff, v2  }
0x21e: {  	[tilespmem:v4+s14+$0x0] =	vst.idx.add.f32.msk $0xffff, v2  }
0x21f: {  	s21 =	sadd.s32 $0x80, s21;
	s19 =	sadd.s32 $0x1, s19;
	[tilespmem:v3+s14+$0x0] =	vst.idx.add.f32.msk $0xffff, v2  }
0x220: {  	s18 =	sadd.s32 $0x1, s18  }
0x221: {  	p0 =	sne.s32 s18, $0x6  }
.Ltmp24:
0x222: {  	_ = 	snop;
	(pc) =	sbr.rel @p0 .LBB2_2-.Ltmp24, $4  }
0x223: {  	s19 =	sshll.u32 s20, $0xC  }
0x224: {  	s19 =	sand.u32 $0x1FFFF000, s19  }
0x225: {  	s19 =	sadd.s32 s3, s19  }
0x226: {  	[hbm4b:s19+s4] =	stream.linear.scatter [tilespmem:s14], [sflag:$0x4], $0x8000, $0x38;
	[tilespmem:$0x18000] =	vst v63  }
0x227: {  	s17 =	sadd.s32 $0x1, s17  }
0x228: {  	_ =	swait.ge [sflag:s15], $0x8000;
	p0 =	sne.s32 s17, s8  }
.Ltmp25:
0x229: {  	[sflag:s15] =	ssyncset.done $0x0;
	(pc) =	sbr.rel @p0 .LBB2_1-.Ltmp25, $4  }
0x22a: {  	[sflag:s15] =	ssyncadd.s32 $0xFFFF8000  }
0x22b: {  	_ =	swait.ge [sflag:s16], $0x8000  }
0x22c: {  	[sflag:s16] =	ssyncset.done $0x0  }
0x22d: {  	[sflag:s16] =	ssyncadd.s32 $0xFFFF8000  }
0x22e: {  	_ =	sfence.sel $0x180000  }
0x22f: {  	[bflag:$0x0] =	sbarrier.arrive $0xFFFF  }
0x230: {  	p0 =	sne.s32 s0, $0x0;
	_ =	strace $0x90000047  }
0x231: {  	s0 =	sadd.s32 @!p0 $0x100000, s1;
	[bflag:$0x2] =	sbarrier.arrive $0xFFFF  }
0x232: {  	[sflag:s0] =	ssyncadd.tile.s32 @!p0 $0x1;
	_ =	shalt  }
.Lfunc_end2:
_tile_overlayer_lowered:
.L_overlay_start_2:
0x233: {  	(tag) =	ssettag $0x2  }
0x234: {  	s0 =	rddreg [dreg:$0x0];
	s2 =	stileid.u32  }
0x235: {  	s1 =	rddreg [dreg:$0x1];
	p0 =	sne.s32 s2, $0x0  }
0x236: {  	s3 =	rddreg [dreg:$0x2];
	[bflag:$0x3] =	sbarrier.arrive $0xFFFF;
	s2 =	simm.s32 @!p0 $0x1C05  }
0x237: {  	[timem:s3], [sflag:s2] =	dma.local @!p0 [hbm:s0], s1  }
0x238: {  	s0 =	simm.s32 @!p0 $0x5  }
0x239: {  	_ =	swait.ge @!p0 [sflag:s0], s1  }
0x23a: {  	s1 =	ssub.s32 @!p0 $0x0, s1;
	[sflag:s0] =	ssyncset.done @!p0 $0x0  }
0x23b: {  	[sflag:s0] =	ssyncadd.s32 @!p0 s1  }
0x23c: {  	[bflag:$0x3] =	sbarrier.arrive $0xFFFF  }
0x23d: {  	_ =	shalt  }

// kernel: kernel.8.cloned.1.call-start
scs
__scs_entry_jumppad:
0x0: {  	(pc) =	sbr.rel $0x88, $3  }
0x1: {  	(tag) =	ssettag $0x0;
	lr =	simm.s32 $0x1  }
0x2: {  	[smem:$0x3FA0] =	sst lr;
	_ =	strace $0xD0000000  }
0x3: {  	_ = 	snop  }
0x4: {  	_ = 	snop  }
0x5: {  	_ = 	snop  }
0x6: {  	_ = 	snop  }
0x7: {  	_ = 	snop  }
__scs_overlays_trampoline_lowered:
0x8: {  	[smem:$0x3FAF] =	sst s0  }
0x9: {  	[smem:$0x3FB0] =	sst s1  }
0xa: {  	[smem:$0x3FB1] =	sst s2  }
0xb: {  	[smem:$0x3FB2] =	sst s3  }
0xc: {  	[smem:$0x3FB3] =	sst s4  }
0xd: {  	[smem:$0x3FB4] =	sst s5  }
0xe: {  	[smem:$0x3FB5] =	sst s6  }
0xf: {  	[smem:$0x3FB6] =	sst s7  }
0x10: {  	[smem:$0x3FB7] =	sst s8  }
0x11: {  	[smem:$0x3FB8] =	sst s9;
	s0 =	simm.s32 @!p0 $0x0  }
0x12: {  	s1 =	sld [smem:$0x3F9E];
	s0 =	simm.s32 @p0 $0x1  }
0x13: {  	[smem:$0x3FB9] =	sst s0;
	s0 =	simm.s32 @!p1 $0x0  }
0x14: {  	s2 =	sld [smem:$0x3F9D];
	s0 =	simm.s32 @p1 $0x1  }
0x15: {  	[smem:$0x3FBA] =	sst s0;
	s0 =	simm.s32 @!p2 $0x0  }
0x16: {  	s3 =	sld [smem:$0x3FDB];
	s0 =	simm.s32 @p2 $0x1  }
0x17: {  	s4 =	simm.s32 $0x1BF5;
	[smem:$0x3FBC] =	sst s0  }
0x18: {  	s0 =	sld [smem:$0x3F9F];
	_ =	swait.ge [sflag:s4], $0x0  }
0x19: {  	s7 =	sld [smem:$0x3FA0]  }
0x1a: {  	s8 =	sadd.s32 $0xFFFFE003, lr  }
0x1b: {  	s9 =	sadd.s32 $0xFFFFFEF7, lr;
	s5 =	simm.s32 $0xFFFFFFFF;
	p2 =	slt.u32 s8, $0xFFFFF086  }
0x1c: {  	p1 =	slt.u32 s9, $0xF7A;
	s5 =	simm.s32 @!p2 $0x0  }
0x1d: {  	s5 =	simm.s32 @p1 $0x1;
	p0 =	seq.s32 s7, s2  }
0x1e: {  	s7 =	smul.u32 @!p0 $0xF7A, s2;
	p2 =	seq.s32 @!p0 s5, $0x0  }
0x1f: {  	s9 =	smul.u32 $0xF7A, s1;
	s8 =	simm.s32 @!p0 $0x1BF5;
	p2 =	por !p2, p0  }
0x20: {  	[sflag:s8] =	ssyncset.s32 @!p0 $0xFFFFF086;
	s6 =	sadd.s32 @!p0 s3, s7;
	s7 =	simm.s32 @!p0 $0x108  }
0x21: {  	s3 =	sadd.s32 s3, s9;
	s6 =	sadd.s32 @!p0 $0x88, s6;
	s7 =	simm.s32 @p2 $0x1082  }
0x22: {  	[simem:s7], [sflag:s8] =	dma.local @!p0 [hbm:s6], $0xF7A  }
0x23: {  	s9 =	sor.u32 $0xD0000000, s2;
	s6 =	simm.s32 $0x108;
	_ =	swait.ge @!p0 [sflag:s8], $0x0  }
0x24: {  	s3 =	sadd.s32 $0x88, s3;
	s6 =	simm.s32 @!p1 $0x1082;
	[sflag:s4] =	ssyncset.s32 $0xFFFFF086  }
0x25: {  	[simem:s6], [sflag:s4] =	dma.local [hbm:s3], $0xF7A  }
0x26: {  	[smem:$0x3FA0] =	sst s1;
	(tag) =	ssettag s2;
	_ =	strace s9  }
0x27: {  	s1 =	sld [smem:$0x3FB0]  }
0x28: {  	s2 =	sld [smem:$0x3FB1]  }
0x29: {  	s4 =	sld [smem:$0x3FB3]  }
0x2a: {  	p0 =	seq.s32 s5, $0x0;
	s5 =	sld [smem:$0x3FB4]  }
0x2b: {  	s6 =	sld [smem:$0x3FB5]  }
0x2c: {  	s7 =	sld [smem:$0x3FB6]  }
0x2d: {  	s3 =	simm.s32 $0x108;
	s8 =	sld [smem:$0x3FB7]  }
0x2e: {  	s3 =	simm.s32 @!p0 $0x1082;
	s9 =	sld [smem:$0x3FB8]  }
0x2f: {  	lr =	sadd.s32 s0, s3;
	s0 =	sld [smem:$0x3FAF]  }
0x30: {  	s3 =	sld [smem:$0x3FB2]  }
0x31: {  	[smem:$0x3FBB] =	sst s10  }
0x32: {  	s10 =	sld [smem:$0x3FB9];
	_ =	sdelay $0x3  }
0x33: {  	p0 =	seq.s32 s10, $0x1;
	s10 =	sld [smem:$0x3FBB];
	_ =	sdelay $0x3  }
0x34: {  	[smem:$0x3FBB] =	sst s10  }
0x35: {  	s10 =	sld [smem:$0x3FBA];
	_ =	sdelay $0x3  }
0x36: {  	p1 =	seq.s32 s10, $0x1;
	s10 =	sld [smem:$0x3FBB];
	_ =	sdelay $0x3  }
0x37: {  	[smem:$0x3FBB] =	sst s10  }
0x38: {  	s10 =	sld [smem:$0x3FBC]  }
0x39: {  	_ = 	snop;
	(pc) =	sbr.ind lr, $3  }
0x3a: {  	_ = 	snop  }
0x3b: {  	_ = 	snop  }
0x3c: {  	p2 =	seq.s32 s10, $0x1;
	s10 =	sld [smem:$0x3FBB]  }
0x3d: {  	_ =	shalt  }
0x3e: {  	_ =	shalt  }
0x3f: {  	_ =	shalt  }
0x40: {  	_ =	shalt  }
0x41: {  	_ =	shalt  }
0x42: {  	_ =	shalt  }
0x43: {  	_ =	shalt  }
0x44: {  	_ =	shalt  }
0x45: {  	_ =	shalt  }
0x46: {  	_ =	shalt  }
0x47: {  	_ =	shalt  }
0x48: {  	_ =	shalt  }
0x49: {  	_ =	shalt  }
0x4a: {  	_ =	shalt  }
0x4b: {  	_ =	shalt  }
0x4c: {  	_ =	shalt  }
0x4d: {  	_ =	shalt  }
0x4e: {  	_ =	shalt  }
0x4f: {  	_ =	shalt  }
0x50: {  	_ =	shalt  }
0x51: {  	_ =	shalt  }
0x52: {  	_ =	shalt  }
0x53: {  	_ =	shalt  }
0x54: {  	_ =	shalt  }
0x55: {  	_ =	shalt  }
0x56: {  	_ =	shalt  }
0x57: {  	_ =	shalt  }
0x58: {  	_ =	shalt  }
0x59: {  	_ =	shalt  }
0x5a: {  	_ =	shalt  }
0x5b: {  	_ =	shalt  }
0x5c: {  	_ =	shalt  }
0x5d: {  	_ =	shalt  }
0x5e: {  	_ =	shalt  }
0x5f: {  	_ =	shalt  }
0x60: {  	_ =	shalt  }
0x61: {  	_ =	shalt  }
0x62: {  	_ =	shalt  }
0x63: {  	_ =	shalt  }
0x64: {  	_ =	shalt  }
0x65: {  	_ =	shalt  }
0x66: {  	_ =	shalt  }
0x67: {  	_ =	shalt  }
0x68: {  	_ =	shalt  }
0x69: {  	_ =	shalt  }
0x6a: {  	_ =	shalt  }
0x6b: {  	_ =	shalt  }
0x6c: {  	_ =	shalt  }
0x6d: {  	_ =	shalt  }
0x6e: {  	_ =	shalt  }
0x6f: {  	_ =	shalt  }
0x70: {  	_ =	shalt  }
0x71: {  	_ =	shalt  }
0x72: {  	_ =	shalt  }
0x73: {  	_ =	shalt  }
0x74: {  	_ =	shalt  }
0x75: {  	_ =	shalt  }
0x76: {  	_ =	shalt  }
0x77: {  	_ =	shalt  }
0x78: {  	_ =	shalt  }
0x79: {  	_ =	shalt  }
0x7a: {  	_ =	shalt  }
0x7b: {  	_ =	shalt  }
0x7c: {  	_ =	shalt  }
0x7d: {  	_ =	shalt  }
0x7e: {  	_ =	shalt  }
0x7f: {  	_ =	shalt  }
0x80: {  	_ =	shalt  }
0x81: {  	_ =	shalt  }
0x82: {  	_ =	shalt  }
0x83: {  	_ =	shalt  }
0x84: {  	_ =	shalt  }
0x85: {  	_ =	shalt  }
0x86: {  	_ =	shalt  }
0x87: {  	_ =	shalt  }
.Lfunc_end0:
.L_simem_size_0:
called_computation.1_lowered:
.L_overlay_start_0:
0x88: {  	s2 =	sld [smem:$0x3FD9]  }
0x89: {  	s3 =	sld [smem:$0x3FFE];
	_ =	sdelay $0x1  }
0x8a: {  	s1 =	srdreg.scid  }
0x8b: {  	s0 =	sand.u32 $0x1, s1  }
0x8c: {  	s17 =	sshll.u32 s0, $0xA;
	s2 =	sadd.s32 s3, s2  }
0x8d: {  	s2 =	sadd.s32 s2, s17  }
0x8e: {  	[smem:$0x3FC7] =	sst s2  }
0x8f: {  	_ = 	snop  }
0x90: {  	s2 =	sld [smem:$0x3FC9]  }
0x91: {  	s18 =	sld [smem:$0x3FD0];
	(tm) =	ssettm $0x1  }
0x92: {  	s4 =	sld [smem:$0x3FFB];
	_ =	sdelay $0x3  }
0x93: {  	_ =	strace s4  }
0x94: {  	s4 =	sld [smem:$0x3FFC];
	_ =	sdelay $0x3  }
0x95: {  	_ =	strace s4  }
0x96: {  	s4 =	sld [smem:$0x3FFD];
	_ =	sdelay $0x3  }
0x97: {  	_ =	strace s4  }
0x98: {  	_ =	strace $0x8FFFFFFF  }
0x99: {  	s19 =	sld [smem:$0x3FDB];
	_ =	sdelay $0x1  }
0x9a: {  	s5 =	simm.s32 $_scs_section_size  }
0x9b: {  	s6 =	simm.s32 $_size__tile_overlayer_lowered;
	s7 =	simm.s32 $_tile_overlayer_lowered  }
0x9c: {  	s22 =	simm.s32 $0x1BFF;
	s21 =	sshll.u32 s7, $0x1;
	s4 =	sadd.s32 s5, s19  }
0x9d: {  	s8 =	simm.s32 $0x0;
	s20 =	sshll.u32 s6, $0x1;
	s6 =	sadd.s32 s21, s4  }
0x9e: {  	[timem:s8], [sflag:s22] =	dma.local [hbm:s6], s20  }
0x9f: {  	_ =	swait.ge [sflag:s22], s20  }
0xa0: {  	s5 =	ssub.s32 $0x0, s20;
	[sflag:s22] =	ssyncset.done $0x0  }
0xa1: {  	[sflag:s22] =	ssyncadd.s32 s5;
	_ =	sdelay $0x1  }
0xa2: {  	s23 =	simm.s32 $0x1B8B  }
0xa3: {  	_ =	swait.ge [sflag:s23], $0x1  }
0xa4: {  	[sflag:s23] =	ssyncset.done $0x0  }
0xa5: {  	s25 =	simm.s32 $0x1B8E;
	s24 =	sld [smem:$0x3FFE];
	[sflag:s23] =	ssyncadd.s32 $0xFFFFFFFF  }
0xa6: {  	s26 =	simm.s32 $execute0_lowered;
	[smem:$0x3FD2] =	sst s25  }
0xa7: {  	s6 =	sshll.u32 s26, $0x1;
	_ =	strace $0x80000049;
	[dreg:$0x1] =	wrdreg $0xFFFFFFFF  }
0xa8: {  	s28 =	simm.s32 $_size_execute0_lowered;
	s4 =	sadd.s32 s4, s6;
	[dreg:$0x0] =	wrdreg $0x0  }
0xa9: {  	s6 =	sshll.u32 s28, $0x1;
	[dreg:$0x2] =	wrdreg s4  }
0xaa: {  	[dreg:$0x3] =	wrdreg s6  }
0xab: {  	[dreg:$0x4] =	wrdreg $0xC0  }
0xac: {  	_ =	task [dreg:s8], $0x5FFFF  }
0xad: {  	[dreg:$0x1] =	wrdreg $0xFFFFFFFF  }
0xae: {  	[dreg:$0x0] =	wrdreg $0x60  }
0xaf: {  	[dreg:$0x2] =	wrdreg s2  }
0xb0: {  	[dreg:$0x3] =	wrdreg s24  }
0xb1: {  	[dreg:$0x4] =	wrdreg s18  }
0xb2: {  	[dreg:$0x5] =	wrdreg $0x9  }
0xb3: {  	_ =	task.clear_ibuf [dreg:s8], $0x6FFFF;
	_ =	strace $0x90000049  }
0xb4: {  	s29 =	simm.s32 $0x9;
	_ =	strace $0x8000004B  }
0xb5: {  	_ =	swait.ge [sflag:s29], $0x1  }
0xb6: {  	[sflag:s29] =	ssyncadd.s32 $0xFFFFFFFF  }
0xb7: {  	_ =	strace $0x9000004B  }
0xb8: {  	_ =	sfence  }
0xb9: {  	s30 =	sld [smem:$0x0];
	_ =	sdelay $0x2  }
0xba: {  	s31 =	sshll.u32 s1, $0xD;
	s1 =	sshrl.u32 s1, $0x2  }
0xbb: {  	s3 =	sand.u32 $0x4000, s31;
	s1 =	sadd.s32 s1, s30  }
0xbc: {  	s0 =	sor.u32 s3, s0;
	s1 =	sshll.u32 s1, $0x11  }
0xbd: {  	s0 =	sor.u32 s1, s0  }
0xbe: {  	s0 =	sadd.s32 $0x8F2B, s0  }
0xbf: {  	[sflag:s0] =	ssyncadd.remote.s32 $0x1  }
0xc0: {  	_ =	sfence.sel $0xFFFF  }
0xc1: {  	[dreg:$0x0] =	wrdreg $0xFFFFFFFF;
	(pc) =	sbr.abs _section_cstart, $3  }
0xc2: {  	[dreg:$0x1] =	wrdreg $0xFFFFFFFF  }
0xc3: {  	_ =	task.clear_ibuf [dreg:s8], $0x2FFFF;
	_ =	strace $0x9FFFFFFF  }
0xc4: {  	(tm) =	ssettm $0x7FFFFFFF  }
0xc5: {  	_ =	shalt  }
tec
execute0_lowered:
.L_overlay_start_1:
0x0: {  	(tag) =	ssettag $0x1  }
0x1: {  	s0 =	rddreg [dreg:$0x0]  }
0x2: {  	s1 =	rddreg [dreg:$0x1]  }
0x3: {  	s2 =	rddreg [dreg:$0x2]  }
0x4: {  	s3 =	simm.s32 $0x0;
	s5 =	srdreg.scid;
	s4 =	stileid.u32  }
0x5: {  	s15 =	simm.s32 $0x6;
	s20 =	simm.s32 $0x4000;
	s21 =	simm.s32 $0x1  }
0x6: {  	s22 =	simm.s32 $0x8000;
	s23 =	simm.s32 $0xC000;
	s24 =	simm.s32 $0x2  }
0x7: {  	s28 =	simm.s32 $0x5;
	s29 =	simm.s32 $0x0;
	[smem:$0x7FF] =	sst s3  }
0x8: {  	s6 =	sand.u32 $0x1, s5;
	s7 =	sshll.u32 s4, $0x1;
	s4 =	sadd.s32 $0x1200, s1  }
0x9: {  	s8 =	sadd.s32 $0x19C00, s1;
	s25 =	sadd.s32 $0x19800, s1;
	s9 =	sadd.s32 $0x19600, s1  }
0xa: {  	s30 =	sadd.s32 $0x19400, s1;
	_ =	strace $0x8000004A;
	[dreg:$0x4] =	wrdreg s8  }
0xb: {  	s5 =	sshll.u32 s5, $0x11;
	s7 =	sor.u32 s6, s7;
	[dreg:$0x5] =	wrdreg s25  }
0xc: {  	s1 =	sadd.s32 $0x19200, s1;
	[dreg:$0x6] =	wrdreg s9;
	s26 =	smul.u32 $0x60000, s7  }
0xd: {  	s12 =	sadd.s32 $0x800, s0;
	[dreg:$0x7] =	wrdreg s30;
	s6 =	ssub.s32 $0x2, s6  }
0xe: {  	s5 =	sand.u32 $0x20000, s5;
	[dreg:$0x8] =	wrdreg s1;
	s8 =	sand.u32 $0xFC0000, s26  }
0xf: {  	s25 =	simm.s32 $0x10000;
	s31 =	sshrl.u32 s6, $0x1;
	s5 =	sor.u32 s5, s8  }
0x10: {  	s10 =	smul.u32 $0x18, s7;
	s1 =	ssub.s32 s6, s31;
	s5 =	sshrl.u32 s5, $0x3  }
0x11: {  	s13 =	smax.u32 s1, $0x1;
	s26 =	simm.s32 $0x4;
	s11 =	sadd.s32 s0, s5  }
.LBB2_1:
0x12: {  	s0 =	rddreg [dreg:$0x4];
	s1 =	simm.s32 $0x14000  }
0x13: {  	[tilespmem:s1], [sflag:$0x6] =	stream.linear.gather [hbm4b:s0+s3], $0x2000, $0x38;
	[tilespmem:$0x18600] =	vst v63  }
0x14: {  	_ =	swait.ge [sflag:s15], $0x2000  }
0x15: {  	[sflag:s15] =	ssyncset.done $0x0  }
0x16: {  	s8 =	simm.s32 $0x16000;
	s7 =	rddreg [dreg:$0x5];
	[sflag:s15] =	ssyncadd.s32 $0xFFFFE000  }
0x17: {  	[tilespmem:s8], [sflag:$0x6] =	stream.linear.gather [hbm4b:s7+s3], $0x2000, $0x38;
	[tilespmem:$0x18600] =	vst v63  }
0x18: {  	_ =	swait.ge [sflag:s15], $0x2000  }
0x19: {  	[sflag:s15] =	ssyncset.done $0x0  }
0x1a: {  	s14 =	simm.s32 $0x18000;
	s9 =	rddreg [dreg:$0x6];
	[sflag:s15] =	ssyncadd.s32 $0xFFFFE000  }
0x1b: {  	[tilespmem:s14], [sflag:$0x6] =	stream.linear.gather [hbm4b:s9+s3], $0x200, $0x38;
	[tilespmem:$0x18600] =	vst v63  }
0x1c: {  	_ =	swait.ge [sflag:s15], $0x200  }
0x1d: {  	[sflag:s15] =	ssyncset.done $0x0  }
0x1e: {  	s17 =	simm.s32 $0x18200;
	s16 =	rddreg [dreg:$0x7];
	[sflag:s15] =	ssyncadd.s32 $0xFFFFFE00  }
0x1f: {  	[tilespmem:s17], [sflag:$0x6] =	stream.linear.gather [hbm4b:s16+s3], $0x200, $0x38;
	[tilespmem:$0x18600] =	vst v63  }
0x20: {  	_ =	swait.ge [sflag:s15], $0x200  }
0x21: {  	[sflag:s15] =	ssyncset.done $0x0  }
0x22: {  	s19 =	simm.s32 $0x18400;
	s18 =	rddreg [dreg:$0x8];
	[sflag:s15] =	ssyncadd.s32 $0xFFFFFE00  }
0x23: {  	[tilespmem:s19], [sflag:$0x6] =	stream.linear.gather [hbm4b:s18+s3], $0x200, $0x38;
	[tilespmem:$0x18600] =	vst v63  }
0x24: {  	_ =	swait.ge [sflag:s15], $0x200  }
0x25: {  	[sflag:s15] =	ssyncset.done $0x0  }
0x26: {  	s31 =	simm.s32 $0xFFFFFFFF;
	s30 =	simm.s32 $0x0;
	[sflag:s15] =	ssyncadd.s32 $0xFFFFFE00  }
0x27: {  	[tilespmem:s3], [sflag:$0x1] =	stream.linear.gather [hbm4b:s11+s3], $0x4000, $0x38;
	[tilespmem:$0x18600] =	vst v63  }
.LBB2_2:
0x28: {  	s1 =	sshll.u32 s30, $0x1  }
0x29: {  	s5 =	sadd.s32 s10, s1  }
0x2a: {  	s6 =	sshll.u32 s5, $0xB;
	s0 =	sshrl.u32 s5, $0x4  }
0x2b: {  	s6 =	sadd.s32 s6, s12;
	p0 =	seq.s32 s0, s31  }
0x2c: {  	[tilespmem:s20], [sflag:$0x2] =	stream.linear.gather [hbm4b:s6+s3], $0x4000, $0x38;
	[tilespmem:$0x18600] =	vst v63  }
0x2d: {  	s6 =	sshll.u32 @!p0 s0, $0xB;
	s7 =	sand.u32 @!p0 $0x70, s5  }
0x2e: {  	s8 =	simm.s32 @!p0 $0x400;
	s6 =	sand.u32 @!p0 $0xFFFC000, s6;
	s7 =	sadd.s32 @!p0 s4, s7  }
0x2f: {  	s9 =	simm.s32 @!p0 $0x8000;
	s6 =	sadd.s32 @!p0 s6, s7;
	s7 =	simm.s32 @!p0 $0x80  }
0x30: {  	[tilespmem:s9], [sflag:$0x3] =	stream.strided.gather @!p0 [hbm4b:s6+s7], $0x4000, s8, s7, $0x38;
	[tilespmem:$0x18600] =	vst v63  }
0x31: {  	s6 =	simm.s32 @!p0 $0x3  }
0x32: {  	_ =	swait.ge @!p0 [sflag:s6], $0x4000  }
0x33: {  	[sflag:s6] =	ssyncset.done @!p0 $0x0  }
0x34: {  	[sflag:s6] =	ssyncadd.s32 @!p0 $0xFFFFC000  }
0x35: {  	_ =	swait.ge [sflag:s21], $0x4000  }
0x36: {  	p0 =	seq.s32 s30, $0x0;
	[sflag:s21] =	ssyncset.done $0x0  }
0x37: {  	s6 =	simm.s32 @!p0 $0x4;
	[sflag:s21] =	ssyncadd.s32 $0xFFFFC000  }
0x38: {  	s14 =	simm.s32 $0x0;
	_ =	swait.ge @!p0 [sflag:s6], $0x4000  }
0x39: {  	s16 =	simm.s32 $0x0;
	s5 =	sshll.u32 s5, $0x5;
	[sflag:s6] =	ssyncset.done @!p0 $0x0  }
0x3a: {  	s17 =	simm.s32 $0x0;
	s31 =	sand.u32 $0x1C0, s5;
	[sflag:s6] =	ssyncadd.s32 @!p0 $0xFFFFC000  }
.LBB2_3:
0x3b: {  	s18 =	simm.s32 $0x18040  }
0x3c: {  	s19 =	simm.s32 $0x18240;
	v6 =	vld [tilespmem:s18+$0x30]  }
0x3d: {  	v8 =	vld [tilespmem:s19+$0x30]  }
0x3e: {  	s5 =	sshll.u32 s16, $0x2;
	s6 =	sand.u32 $0x7, s14;
	v12 =	vld [tilespmem:s18+$0xFFFFFFC0]  }
0x3f: {  	s5 =	sand.u32 $0xFFFFC000, s5;
	s6 =	sshll.u32 s6, $0x9;
	v13 =	vld [tilespmem:s18+$0xFFFFFFE0]  }
0x40: {  	v14 =	vld [tilespmem:s18+$0xFFFFFFF0];
	s5 =	sor.u32 s6, s5  }
0x41: {  	v15 =	vld [tilespmem:s18+$0x0];
	s6 =	sshrl.u32 s5, $0x2  }
0x42: {  	v16 =	vld [tilespmem:s18+$0x10];
	s9 =	sor.u32 $0x40, s6  }
0x43: {  	s7 =	sor.u32 s31, s17;
	v2 =	vld [tilespmem:s9+$0x30]  }
0x44: {  	s8 =	sshll.u32 s7, $0x4;
	v17 =	vld [tilespmem:s18+$0x20]  }
0x45: {  	v1 =	vld [tilespmem:s8+$0x14000]  }
0x46: {  	v3 =	vld [tilespmem:s9+$0xFFFFFFD0]  }
0x47: {  	v4 =	vld [tilespmem:s9+$0xFFFFFFE0]  }
0x48: {  	v5 =	vld [tilespmem:s9+$0xFFFFFFF0];
	v2 =	vmul.f32 $2.550000000e+02, v2  }
0x49: {  	v7 =	vld [tilespmem:s9+$0x0]  }
0x4a: {  	v9 =	vld [tilespmem:s9+$0x10];
	v2 =	vtrunc.f32 v2  }
0x4b: {  	v10 =	vld [tilespmem:s9+$0x20];
	v2 =	vcvt.f32.s32 v2  }
0x4c: {  	v11 =	vld [tilespmem:s9+$0xFFFFFFC0];
	v6 =	vadd.s32 v1, v6  }
0x4d: {  	v18 =	vld [tilespmem:s19+$0xFFFFFFC0];
	v2 =	vadd.s32 v2, v6  }
0x4e: {  	v20 =	vld [tilespmem:s19+$0xFFFFFFE0];
	v3 =	vmul.f32 $2.550000000e+02, v3;
	v4 =	vmul.f32 $2.550000000e+02, v4;
	v8 =	vadd.s32 v8, v2  }
0x4f: {  	v5 =	vmul.f32 $2.550000000e+02, v5;
	v7 =	vmul.f32 $2.550000000e+02, v7;
	v6 =	vld [tilespmem:s18+$0xFFFFFFD0]  }
0x50: {  	v22 =	vld [tilespmem:s19+$0xFFFFFFF0];
	v9 =	vmul.f32 $2.550000000e+02, v9;
	v10 =	vmul.f32 $2.550000000e+02, v10  }
0x51: {  	v23 =	vld [tilespmem:s19+$0x0];
	v12 =	vadd.s32 v1, v12;
	v11 =	vmul.f32 $2.550000000e+02, v11;
	v3 =	vtrunc.f32 v3  }
0x52: {  	v13 =	vadd.s32 v1, v13;
	v4 =	vtrunc.f32 v4;
	v5 =	vtrunc.f32 v5;
	v2 =	vld.idx.msk [tilespmem:v2+s22+$0x0], $0xffff  }
0x53: {  	v14 =	vadd.s32 v1, v14;
	v11 =	vtrunc.f32 v11;
	v3 =	vcvt.f32.s32 v3;
	v8 =	vld.idx.msk [tilespmem:v8+s22+$0x0], $0xffff  }
0x54: {  	v0 =	vld [tilespmem:s8+$0x16000];
	v7 =	vtrunc.f32 v7;
	v11 =	vcvt.f32.s32 v11;
	v6 =	vadd.s32 v1, v6  }
0x55: {  	s5 =	simm.s32 $0x18440;
	v4 =	vcvt.f32.s32 v4;
	v5 =	vcvt.f32.s32 v5;
	v3 =	vadd.s32 v3, v6;
	v6 =	vld [tilespmem:s19+$0xFFFFFFD0]  }
0x56: {  	v19 =	vld [tilespmem:s5+$0x30];
	v9 =	vtrunc.f32 v9;
	v10 =	vtrunc.f32 v10;
	v11 =	vadd.s32 v11, v12  }
0x57: {  	v26 =	vld [tilespmem:s5+$0xFFFFFFC0];
	v4 =	vadd.s32 v4, v13;
	v13 =	vadd.s32 v5, v14;
	v12 =	vand.u32 $0xFFFF0000, v2  }
0x58: {  	v35 =	vld [tilespmem:s5+$0xFFFFFFD0];
	v2 =	vshll.u32 v2, $0x10;
	v21 =	vand.u32 $0xFFFF0000, v8;
	v8 =	vshll.u32 v8, $0x10  }
0x59: {  	v14 =	vld [tilespmem:s19+$0x10];
	v18 =	vadd.s32 v18, v11;
	v21 =	vsub.f32 v21, v12;
	v8 =	vsub.f32 v8, v2  }
0x5a: {  	v7 =	vcvt.f32.s32 v7;
	v9 =	vcvt.f32.s32 v9;
	v6 =	vadd.s32 v6, v3;
	v3 =	vld.idx.msk [tilespmem:v3+s22+$0x0], $0xffff  }
0x5b: {  	v5 =	vadd.s32 v1, v15;
	v15 =	vmul.f32 v21, v19;
	v8 =	vmul.f32 v8, v19;
	v19 =	vld [tilespmem:s19+$0x20]  }
0x5c: {  	v21 =	vadd.s32 v7, v5;
	v5 =	vadd.s32 v1, v16;
	v7 =	vld.idx.msk [tilespmem:v11+s22+$0x0], $0xffff;
	v11 =	vadd.s32 v20, v4  }
0x5d: {  	v10 =	vcvt.f32.s32 v10;
	v9 =	vadd.s32 v9, v5;
	v5 =	vadd.s32 v1, v17;
	v17 =	vld.idx.msk [tilespmem:v4+s22+$0x0], $0xffff  }
0x5e: {  	v12 =	vadd.f32 v12, v15;
	v2 =	vadd.f32 v2, v8;
	v8 =	vadd.s32 v22, v13;
	v15 =	vld.idx.msk [tilespmem:v18+s22+$0x0], $0xffff  }
0x5f: {  	v10 =	vadd.s32 v10, v5;
	v18 =	vld.idx.msk [tilespmem:v6+s22+$0x0], $0xffff  }
0x60: {  	v16 =	vadd.s32 v23, v21;
	v13 =	vld.idx.msk [tilespmem:v13+s22+$0x0], $0xffff;
	v2 =	vsub.f32 v2, v12  }
0x61: {  	v14 =	vadd.s32 v14, v9;
	v5 =	vand.u32 $0xFFFF0000, v3;
	v11 =	vld.idx.msk [tilespmem:v11+s22+$0x0], $0xffff  }
0x62: {  	v4 =	vshll.u32 v3, $0x10;
	v19 =	vadd.s32 v19, v10;
	v2 =	vmul.f32 v2, v0;
	v9 =	vld.idx.msk [tilespmem:v9+s22+$0x0], $0xffff  }
0x63: {  	v25 =	vand.u32 $0xFFFF0000, v7;
	v27 =	vshll.u32 v7, $0x10;
	v7 =	vand.u32 $0xFFFF0000, v17;
	v8 =	vld.idx.msk [tilespmem:v8+s22+$0x0], $0xffff  }
0x64: {  	v6 =	vand.u32 $0xFFFF0000, v15;
	v3 =	vshll.u32 v15, $0x10;
	v23 =	vld.idx.msk [tilespmem:v10+s22+$0x0], $0xffff;
	v29 =	vadd.f32 v2, v12  }
0x65: {  	v2 =	vld.idx.msk [tilespmem:v16+s22+$0x0], $0xffff;
	v15 =	vsub.f32 v6, v25;
	v6 =	vshll.u32 v17, $0x10;
	v16 =	vand.u32 $0xFFFF0000, v18  }
0x66: {  	v12 =	vld.idx.msk [tilespmem:v14+s22+$0x0], $0xffff;
	v20 =	vsub.f32 v3, v27;
	v3 =	vshll.u32 v18, $0x10;
	v18 =	vsub.f32 v16, v5  }
0x67: {  	v17 =	vld.idx.msk [tilespmem:v21+s22+$0x0], $0xffff;
	v21 =	vsub.f32 v3, v4;
	v3 =	vshll.u32 v13, $0x10;
	v16 =	vand.u32 $0xFFFF0000, v11  }
0x68: {  	v11 =	vshll.u32 v11, $0x10;
	v15 =	vmul.f32 v15, v26;
	v40 =	vmul.f32 v20, v26  }
0x69: {  	v37 =	vld [tilespmem:s5+$0xFFFFFFE0];
	v28 =	vsub.f32 v16, v7;
	v31 =	vsub.f32 v11, v6;
	v11 =	vshll.u32 v9, $0x10  }
0x6a: {  	v14 =	vld.idx.msk [tilespmem:v19+s22+$0x0], $0xffff;
	v26 =	vmul.f32 v21, v35;
	v19 =	vand.u32 $0xFFFF0000, v8;
	v22 =	vshll.u32 v8, $0x10  }
0x6b: {  	v8 =	vand.u32 $0xFFFF0000, v13;
	v13 =	vand.u32 $0xFFFF0000, v23;
	v16 =	vand.u32 $0xFFFF0000, v2  }
0x6c: {  	v2 =	vshll.u32 v2, $0x10;
	v30 =	vand.u32 $0xFFFF0000, v12;
	v32 =	vshll.u32 v12, $0x10  }
0x6d: {  	v39 =	vld [tilespmem:s5+$0xFFFFFFF0];
	v36 =	vsub.f32 v19, v8;
	v12 =	vand.u32 $0xFFFF0000, v17;
	v10 =	vshll.u32 v17, $0x10  }
0x6e: {  	v38 =	vsub.f32 v22, v3;
	v28 =	vmul.f32 v28, v37;
	v17 =	vsub.f32 v16, v12  }
0x6f: {  	v20 =	vld [tilespmem:s5+$0x0];
	v33 =	vand.u32 $0xFFFF0000, v14;
	v34 =	vshll.u32 v14, $0x10;
	v14 =	vand.u32 $0xFFFF0000, v9  }
0x70: {  	v24 =	vsub.f32 v2, v10;
	v19 =	vsub.f32 v30, v14;
	v30 =	vmul.f32 v18, v35;
	v18 =	vld [tilespmem:s5+$0x10]  }
0x71: {  	s6 =	sadd.s32 $0xC040, s6;
	v21 =	vld [tilespmem:s5+$0x20];
	v2 =	vadd.f32 v25, v15;
	v25 =	vmul.f32 v31, v37;
	v15 =	vadd.f32 v27, v40  }
0x72: {  	[tilespmem:s6+$0x30] =	vst v29;
	v9 =	vshll.u32 v23, $0x10;
	v23 =	vsub.f32 v32, v11;
	v29 =	vmul.f32 v36, v39  }
0x73: {  	s8 =	simm.s32 $0x0;
	s9 =	sadd.s32 $0x400, s9;
	s7 =	smov.u32 s6;
	v27 =	vmul.f32 v38, v39;
	v16 =	vsub.f32 v33, v13;
	v22 =	vsub.f32 v34, v9  }
.LBB2_4:
0x74: {  	v31 =	vld [tilespmem:s9+$0x30];
	s8 =	sadd.s32 $0x8, s8;
	v5 =	vadd.f32 v5, v30;
	v17 =	vmul.f32 v17, v20;
	v20 =	vmul.f32 v24, v20  }
0x75: {  	v26 =	vadd.f32 v4, v26;
	v19 =	vmul.f32 v19, v18;
	v18 =	vmul.f32 v23, v18;
	v24 =	vld [tilespmem:s9+$0xFFFFFFD0];
	p1 =	slt.u32 s8, $0x18  }
0x76: {  	v4 =	vadd.f32 v7, v28;
	v16 =	vmul.f32 v16, v21;
	v21 =	vmul.f32 v22, v21;
	v23 =	vld [tilespmem:s9+$0xFFFFFFE0]  }
0x77: {  	v25 =	vadd.f32 v6, v25;
	s18 =	sadd.s32 $0x80, s18;
	v8 =	vadd.f32 v8, v29;
	v22 =	vld [tilespmem:s9+$0xFFFFFFF0]  }
0x78: {  	v27 =	vadd.f32 v3, v27;
	v7 =	vadd.f32 v12, v17;
	v28 =	vld [tilespmem:s18+$0x30]  }
0x79: {  	s19 =	sadd.s32 $0x80, s19;
	v10 =	vadd.f32 v10, v20;
	v6 =	vadd.f32 v14, v19;
	v12 =	vld [tilespmem:s9+$0x0];
	v17 =	vmul.f32 $2.550000000e+02, v31  }
0x7a: {  	v11 =	vadd.f32 v11, v18;
	v3 =	vadd.f32 v13, v16;
	v14 =	vmul.f32 $2.550000000e+02, v24;
	v19 =	vld [tilespmem:s19+$0x30]  }
0x7b: {  	v9 =	vadd.f32 v9, v21;
	v13 =	vmul.f32 $2.550000000e+02, v23;
	v16 =	vld [tilespmem:s9+$0x10];
	v17 =	vtrunc.f32 v17  }
0x7c: {  	v15 =	vsub.f32 v15, v2;
	v18 =	vmul.f32 $2.550000000e+02, v22;
	v20 =	vld [tilespmem:s9+$0x20];
	v17 =	vcvt.f32.s32 v17  }
0x7d: {  	v14 =	vtrunc.f32 v14;
	v21 =	vld [tilespmem:s9+$0xFFFFFFC0];
	v13 =	vtrunc.f32 v13;
	v22 =	vadd.s32 v1, v28  }
0x7e: {  	v23 =	vld [tilespmem:s18+$0xFFFFFFC0];
	v18 =	vtrunc.f32 v18;
	v12 =	vmul.f32 $2.550000000e+02, v12;
	v17 =	vadd.s32 v17, v22  }
0x7f: {  	v14 =	vcvt.f32.s32 v14;
	v13 =	vcvt.f32.s32 v13;
	v22 =	vld [tilespmem:s18+$0xFFFFFFD0];
	v19 =	vadd.s32 v19, v17  }
0x80: {  	v26 =	vsub.f32 v26, v5;
	v24 =	vld [tilespmem:s18+$0xFFFFFFE0];
	v12 =	vtrunc.f32 v12;
	v16 =	vmul.f32 $2.550000000e+02, v16  }
0x81: {  	v25 =	vsub.f32 v25, v4;
	v18 =	vcvt.f32.s32 v18;
	v28 =	vld [tilespmem:s18+$0xFFFFFFF0];
	v20 =	vmul.f32 $2.550000000e+02, v20  }
0x82: {  	v27 =	vsub.f32 v27, v8;
	v21 =	vmul.f32 $2.550000000e+02, v21;
	v29 =	vld [tilespmem:s18+$0x0];
	v16 =	vtrunc.f32 v16  }
0x83: {  	v12 =	vcvt.f32.s32 v12;
	v23 =	vadd.s32 v1, v23;
	v20 =	vtrunc.f32 v20;
	v17 =	vld.idx.msk [tilespmem:v17+s22+$0x0], $0xffff  }
0x84: {  	v16 =	vcvt.f32.s32 v16;
	v21 =	vtrunc.f32 v21;
	v22 =	vadd.s32 v1, v22;
	v19 =	vld.idx.msk [tilespmem:v19+s22+$0x0], $0xffff  }
0x85: {  	v20 =	vcvt.f32.s32 v20;
	v21 =	vcvt.f32.s32 v21;
	v24 =	vadd.s32 v1, v24;
	v30 =	vld [tilespmem:s18+$0x10]  }
0x86: {  	v14 =	vadd.s32 v14, v22;
	v13 =	vadd.s32 v13, v24;
	v22 =	vadd.s32 v1, v28;
	v24 =	vld [tilespmem:s18+$0x20]  }
0x87: {  	s5 =	sadd.s32 $0x80, s5;
	v28 =	vld [tilespmem:s19+$0xFFFFFFC0];
	v21 =	vadd.s32 v21, v23;
	v18 =	vadd.s32 v18, v22;
	v22 =	vadd.s32 v1, v29  }
0x88: {  	v10 =	vsub.f32 v10, v7;
	v11 =	vsub.f32 v11, v6;
	v12 =	vadd.s32 v12, v22;
	v22 =	vld [tilespmem:s5+$0x30]  }
0x89: {  	v15 =	vmul.f32 v15, v0;
	v9 =	vsub.f32 v9, v3;
	v29 =	vand.u32 $0xFFFF0000, v17;
	v23 =	vld [tilespmem:s19+$0xFFFFFFD0]  }
0x8a: {  	v17 =	vshll.u32 v17, $0x10;
	v32 =	vand.u32 $0xFFFF0000, v19;
	v19 =	vshll.u32 v19, $0x10;
	v31 =	vld [tilespmem:s19+$0xFFFFFFE0]  }
0x8b: {  	v30 =	vadd.s32 v1, v30;
	v32 =	vsub.f32 v32, v29;
	v19 =	vsub.f32 v19, v17;
	v33 =	vld [tilespmem:s19+$0xFFFFFFF0]  }
0x8c: {  	v16 =	vadd.s32 v16, v30;
	v24 =	vadd.s32 v1, v24;
	v28 =	vadd.s32 v28, v21;
	v34 =	vld [tilespmem:s19+$0x0]  }
0x8d: {  	v20 =	vadd.s32 v20, v24;
	v30 =	vld [tilespmem:s19+$0x10];
	v24 =	vmul.f32 v32, v22;
	v19 =	vmul.f32 v19, v22  }
0x8e: {  	v26 =	vmul.f32 v26, v0;
	v25 =	vmul.f32 v25, v0;
	v22 =	vadd.s32 v23, v14;
	v23 =	vld [tilespmem:s19+$0x20]  }
0x8f: {  	v21 =	vld.idx.msk [tilespmem:v21+s22+$0x0], $0xffff;
	v31 =	vadd.s32 v31, v13;
	v24 =	vadd.f32 v29, v24;
	v17 =	vadd.f32 v17, v19  }
0x90: {  	v27 =	vmul.f32 v27, v0;
	v10 =	vmul.f32 v10, v0;
	v14 =	vld.idx.msk [tilespmem:v14+s22+$0x0], $0xffff;
	v19 =	vadd.s32 v33, v18  }
0x91: {  	v11 =	vmul.f32 v11, v0;
	v28 =	vld.idx.msk [tilespmem:v28+s22+$0x0], $0xffff;
	v29 =	vadd.s32 v34, v12;
	v17 =	vsub.f32 v17, v24  }
0x92: {  	v2 =	vadd.f32 v15, v2;
	v9 =	vmul.f32 v9, v0;
	v13 =	vld.idx.msk [tilespmem:v13+s22+$0x0], $0xffff;
	v30 =	vadd.s32 v30, v16  }
0x93: {  	v5 =	vadd.f32 v26, v5;
	v15 =	vld.idx.msk [tilespmem:v22+s22+$0x0], $0xffff;
	v22 =	vadd.s32 v23, v20;
	v17 =	vmul.f32 v17, v0  }
0x94: {  	v8 =	vadd.f32 v27, v8;
	v23 =	vld.idx.msk [tilespmem:v31+s22+$0x0], $0xffff;
	[tilespmem:s6+$0xFFFFFFC0] =	vst v2;
	v2 =	vadd.f32 v25, v4  }
0x95: {  	v25 =	vand.u32 $0xFFFF0000, v21;
	v27 =	vshll.u32 v21, $0x10;
	v19 =	vld.idx.msk [tilespmem:v19+s22+$0x0], $0xffff;
	v17 =	vadd.f32 v17, v24;
	[tilespmem:s6+$0xFFFFFFD0] =	vst v5  }
0x96: {  	v5 =	vand.u32 $0xFFFF0000, v14;
	v4 =	vshll.u32 v14, $0x10;
	s6 =	sadd.s32 $0x400, s6;
	v14 =	vld.idx.msk [tilespmem:v29+s22+$0x0], $0xffff;
	[tilespmem:s7+$0xFFFFFFE0] =	vst v2;
	v2 =	vadd.f32 v10, v7  }
0x97: {  	v11 =	vadd.f32 v11, v6;
	v7 =	vand.u32 $0xFFFF0000, v28;
	v10 =	vshll.u32 v28, $0x10;
	v21 =	vld.idx.msk [tilespmem:v30+s22+$0x0], $0xffff;
	[tilespmem:s6+$0x30] =	vst v17  }
0x98: {  	v24 =	vsub.f32 v7, v25;
	v7 =	vand.u32 $0xFFFF0000, v13;
	v6 =	vshll.u32 v13, $0x10;
	v13 =	vld.idx.msk [tilespmem:v22+s22+$0x0], $0xffff;
	[tilespmem:s7+$0xFFFFFFF0] =	vst v8  }
0x99: {  	v22 =	vsub.f32 v10, v27;
	v8 =	vand.u32 $0xFFFF0000, v15;
	v10 =	vshll.u32 v15, $0x10;
	v15 =	vld.idx.msk [tilespmem:v18+s22+$0x0], $0xffff;
	[tilespmem:s7+$0x0] =	vst v2  }
0x9a: {  	v2 =	vsub.f32 v8, v5;
	v8 =	vand.u32 $0xFFFF0000, v23;
	v17 =	vshll.u32 v23, $0x10;
	v18 =	vld.idx.msk [tilespmem:v12+s22+$0x0], $0xffff;
	[tilespmem:s7+$0x10] =	vst v11  }
0x9b: {  	v26 =	vsub.f32 v10, v4;
	v10 =	vand.u32 $0xFFFF0000, v19;
	v11 =	vshll.u32 v19, $0x10;
	v16 =	vld.idx.msk [tilespmem:v16+s22+$0x0], $0xffff  }
0x9c: {  	v28 =	vsub.f32 v8, v7;
	v19 =	vand.u32 $0xFFFF0000, v14;
	v23 =	vshll.u32 v14, $0x10;
	v29 =	vld.idx.msk [tilespmem:v20+s22+$0x0], $0xffff  }
0x9d: {  	v31 =	vsub.f32 v17, v6;
	v32 =	vand.u32 $0xFFFF0000, v21;
	v33 =	vshll.u32 v21, $0x10;
	v30 =	vld [tilespmem:s5+$0xFFFFFFC0]  }
0x9e: {  	v9 =	vadd.f32 v9, v3;
	v35 =	vand.u32 $0xFFFF0000, v13;
	v36 =	vshll.u32 v13, $0x10;
	v34 =	vld [tilespmem:s5+$0xFFFFFFD0]  }
0x9f: {  	v8 =	vand.u32 $0xFFFF0000, v15;
	v3 =	vshll.u32 v15, $0x10;
	v37 =	vld [tilespmem:s5+$0xFFFFFFE0]  }
0xa0: {  	v39 =	vsub.f32 v10, v8;
	v12 =	vand.u32 $0xFFFF0000, v18;
	v10 =	vshll.u32 v18, $0x10;
	v38 =	vld [tilespmem:s5+$0xFFFFFFF0];
	[tilespmem:s7+$0x20] =	vst v9;
	s7 =	smov.u32 s6  }
0xa1: {  	v40 =	vsub.f32 v11, v3;
	v14 =	vand.u32 $0xFFFF0000, v16;
	v11 =	vshll.u32 v16, $0x10;
	v20 =	vld [tilespmem:s5+$0x0]  }
0xa2: {  	v17 =	vsub.f32 v19, v12;
	v13 =	vand.u32 $0xFFFF0000, v29;
	v9 =	vshll.u32 v29, $0x10;
	v18 =	vld [tilespmem:s5+$0x10]  }
.Ltmp0:
0xa3: {  	v19 =	vsub.f32 v32, v14;
	v15 =	vmul.f32 v24, v30;
	v24 =	vsub.f32 v23, v10;
	v21 =	vld [tilespmem:s5+$0x20];
	(pc) =	sbr.rel @p1 .LBB2_4-.Ltmp0, $4  }
0xa4: {  	v29 =	vmul.f32 v22, v30;
	v23 =	vsub.f32 v33, v11;
	v16 =	vsub.f32 v35, v13  }
0xa5: {  	v22 =	vsub.f32 v36, v9;
	v30 =	vmul.f32 v2, v34;
	v26 =	vmul.f32 v26, v34  }
0xa6: {  	v2 =	vadd.f32 v25, v15;
	v28 =	vmul.f32 v28, v37;
	v25 =	vmul.f32 v31, v37  }
0xa7: {  	s9 =	sadd.s32 $0x400, s9;
	v15 =	vadd.f32 v27, v29;
	v29 =	vmul.f32 v39, v38;
	v27 =	vmul.f32 v40, v38  }
0xa8: {  	v1 =	vadd.f32 v5, v30;
	v50 =	vmul.f32 v17, v20;
	v4 =	vadd.f32 v4, v26  }
0xa9: {  	v51 =	vmul.f32 v24, v20;
	v7 =	vadd.f32 v7, v28;
	v6 =	vadd.f32 v6, v25  }
0xaa: {  	v19 =	vmul.f32 v19, v18;
	v8 =	vadd.f32 v8, v29;
	v3 =	vadd.f32 v3, v27  }
0xab: {  	v52 =	vmul.f32 v23, v18;
	v15 =	vsub.f32 v15, v2;
	v5 =	vadd.f32 v12, v50  }
0xac: {  	v53 =	vmul.f32 v16, v21;
	v10 =	vadd.f32 v10, v51;
	v14 =	vadd.f32 v14, v19  }
0xad: {  	v54 =	vmul.f32 v22, v21;
	v11 =	vadd.f32 v11, v52;
	v4 =	vsub.f32 v4, v1  }
0xae: {  	v12 =	vadd.f32 v13, v53;
	v6 =	vsub.f32 v6, v7;
	v55 =	vmul.f32 v15, v0  }
0xaf: {  	v9 =	vadd.f32 v9, v54;
	v3 =	vsub.f32 v3, v8;
	v4 =	vmul.f32 v4, v0  }
0xb0: {  	v10 =	vsub.f32 v10, v5;
	v6 =	vmul.f32 v6, v0;
	v56 =	vadd.f32 v55, v2  }
0xb1: {  	v11 =	vsub.f32 v11, v14;
	v3 =	vmul.f32 v3, v0;
	v1 =	vadd.f32 v4, v1  }
0xb2: {  	s17 =	sadd.s32 $0x1, s17;
	v57 =	vsub.f32 v9, v12;
	v58 =	vmul.f32 v10, v0;
	v59 =	vadd.f32 v6, v7;
	[tilespmem:s6+$0xFFFFFFC0] =	vst v56  }
0xb3: {  	p1 =	sne.s32 s17, $0x20;
	v60 =	vmul.f32 v11, v0;
	v3 =	vadd.f32 v3, v8;
	[tilespmem:s6+$0xFFFFFFD0] =	vst v1  }
.Ltmp1:
0xb4: {  	v61 =	vmul.f32 v57, v0;
	[tilespmem:s7+$0xFFFFFFE0] =	vst v59;
	v62 =	vadd.f32 v58, v5;
	(pc) =	sbr.rel @p1 .LBB2_3-.Ltmp1, $4  }
0xb5: {  	v63 =	vadd.f32 v60, v14;
	[tilespmem:s7+$0xFFFFFFF0] =	vst v3  }
0xb6: {  	v0 =	vadd.f32 v61, v12;
	[tilespmem:s7+$0x0] =	vst v62  }
0xb7: {  	[tilespmem:s7+$0x10] =	vst v63  }
0xb8: {  	s16 =	sadd.s32 $0x200, s16;
	s14 =	sadd.s32 $0x1, s14;
	[tilespmem:s7+$0x20] =	vst v0  }
0xb9: {  	s5 =	sshll.u32 s0, $0xF  }
0xba: {  	s6 =	sshll.u32 s31, $0x6;
	s1 =	sadd.s32 s1, s10;
	s5 =	sadd.s32 s2, s5  }
0xbb: {  	p1 =	seq.s32 s30, $0xB;
	s1 =	sadd.s32 $0x1, s1;
	s5 =	sadd.s32 s6, s5  }
0xbc: {  	[hbm4b:s5+s3] =	stream.linear.scatter [tilespmem:s23], [sflag:$0x4], $0x4000, $0x38;
	[tilespmem:$0x18600] =	vst v63  }
0xbd: {  	s5 =	sshll.u32 @!p1 s1, $0xB  }
0xbe: {  	s31 =	sshrl.u32 s1, $0x4;
	s6 =	simm.s32 @!p1 $0x0;
	s5 =	sadd.s32 @!p1 s12, s5  }
0xbf: {  	[tilespmem:s6], [sflag:$0x1] =	stream.linear.gather @!p1 [hbm4b:s5+s6], $0x4000, $0x38;
	[tilespmem:$0x18600] =	vst v63  }
0xc0: {  	p1 =	seq.s32 s31, s0  }
0xc1: {  	s0 =	sshll.u32 @!p1 s31, $0xB;
	s5 =	sand.u32 @!p1 $0x70, s1  }
0xc2: {  	s6 =	simm.s32 @!p1 $0x400;
	s0 =	sand.u32 @!p1 $0xFFFC000, s0;
	s5 =	sadd.s32 @!p1 s4, s5  }
0xc3: {  	s7 =	simm.s32 @!p1 $0x8000;
	s0 =	sadd.s32 @!p1 s0, s5;
	s5 =	simm.s32 @!p1 $0x80  }
0xc4: {  	[tilespmem:s7], [sflag:$0x3] =	stream.strided.gather @!p1 [hbm4b:s0+s5], $0x4000, s6, s5, $0x38;
	[tilespmem:$0x18600] =	vst v63  }
0xc5: {  	s0 =	simm.s32 @!p1 $0x3  }
0xc6: {  	_ =	swait.ge @!p1 [sflag:s0], $0x4000  }
0xc7: {  	[sflag:s0] =	ssyncset.done @!p1 $0x0  }
0xc8: {  	[sflag:s0] =	ssyncadd.s32 @!p1 $0xFFFFC000  }
0xc9: {  	_ =	swait.ge [sflag:s24], $0x4000  }
0xca: {  	[sflag:s24] =	ssyncset.done $0x0  }
0xcb: {  	s5 =	simm.s32 @!p0 $0x5;
	[sflag:s24] =	ssyncadd.s32 $0xFFFFC000  }
0xcc: {  	s14 =	simm.s32 $0x0;
	_ =	swait.ge @!p0 [sflag:s5], $0x4000  }
0xcd: {  	s16 =	simm.s32 $0x0;
	s19 =	sshll.u32 s1, $0x5;
	[sflag:s5] =	ssyncset.done @!p0 $0x0  }
0xce: {  	s1 =	simm.s32 $0x0;
	s0 =	sand.u32 $0x1E0, s19;
	[sflag:s5] =	ssyncadd.s32 @!p0 $0xFFFFC000  }
.LBB2_7:
0xcf: {  	s17 =	simm.s32 $0x18040  }
0xd0: {  	s18 =	simm.s32 $0x18240;
	v6 =	vld [tilespmem:s17+$0x30]  }
0xd1: {  	v8 =	vld [tilespmem:s18+$0x30]  }
0xd2: {  	s5 =	sshll.u32 s14, $0x2;
	s6 =	sand.u32 $0x7, s1;
	v12 =	vld [tilespmem:s17+$0xFFFFFFC0]  }
0xd3: {  	s5 =	sand.u32 $0xFFFFC000, s5;
	s6 =	sshll.u32 s6, $0x9;
	v13 =	vld [tilespmem:s17+$0xFFFFFFE0]  }
0xd4: {  	v14 =	vld [tilespmem:s17+$0xFFFFFFF0];
	s5 =	sor.u32 s6, s5  }
0xd5: {  	v15 =	vld [tilespmem:s17+$0x0];
	s6 =	sshrl.u32 s5, $0x2  }
0xd6: {  	v16 =	vld [tilespmem:s17+$0x10];
	s19 =	sadd.s32 $0x4040, s6  }
0xd7: {  	s7 =	sor.u32 s0, s16;
	v2 =	vld [tilespmem:s19+$0x30]  }
0xd8: {  	s8 =	sshll.u32 s7, $0x4;
	v17 =	vld [tilespmem:s17+$0x20]  }
0xd9: {  	v1 =	vld [tilespmem:s8+$0x14000]  }
0xda: {  	v3 =	vld [tilespmem:s19+$0xFFFFFFD0]  }
0xdb: {  	v4 =	vld [tilespmem:s19+$0xFFFFFFE0]  }
0xdc: {  	v5 =	vld [tilespmem:s19+$0xFFFFFFF0];
	v2 =	vmul.f32 $2.550000000e+02, v2  }
0xdd: {  	v7 =	vld [tilespmem:s19+$0x0]  }
0xde: {  	v9 =	vld [tilespmem:s19+$0x10];
	v2 =	vtrunc.f32 v2  }
0xdf: {  	v10 =	vld [tilespmem:s19+$0x20];
	v2 =	vcvt.f32.s32 v2  }
0xe0: {  	v11 =	vld [tilespmem:s19+$0xFFFFFFC0];
	v6 =	vadd.s32 v1, v6  }
0xe1: {  	v18 =	vld [tilespmem:s18+$0xFFFFFFC0];
	v2 =	vadd.s32 v2, v6  }
0xe2: {  	v20 =	vld [tilespmem:s18+$0xFFFFFFE0];
	v3 =	vmul.f32 $2.550000000e+02, v3;
	v4 =	vmul.f32 $2.550000000e+02, v4;
	v8 =	vadd.s32 v8, v2  }
0xe3: {  	v5 =	vmul.f32 $2.550000000e+02, v5;
	v7 =	vmul.f32 $2.550000000e+02, v7;
	v6 =	vld [tilespmem:s17+$0xFFFFFFD0]  }
0xe4: {  	v22 =	vld [tilespmem:s18+$0xFFFFFFF0];
	v9 =	vmul.f32 $2.550000000e+02, v9;
	v10 =	vmul.f32 $2.550000000e+02, v10  }
0xe5: {  	v23 =	vld [tilespmem:s18+$0x0];
	v12 =	vadd.s32 v1, v12;
	v11 =	vmul.f32 $2.550000000e+02, v11;
	v3 =	vtrunc.f32 v3  }
0xe6: {  	v13 =	vadd.s32 v1, v13;
	v4 =	vtrunc.f32 v4;
	v5 =	vtrunc.f32 v5;
	v2 =	vld.idx.msk [tilespmem:v2+s22+$0x0], $0xffff  }
0xe7: {  	v14 =	vadd.s32 v1, v14;
	v11 =	vtrunc.f32 v11;
	v3 =	vcvt.f32.s32 v3;
	v8 =	vld.idx.msk [tilespmem:v8+s22+$0x0], $0xffff  }
0xe8: {  	v0 =	vld [tilespmem:s8+$0x16000];
	v7 =	vtrunc.f32 v7;
	v11 =	vcvt.f32.s32 v11;
	v6 =	vadd.s32 v1, v6  }
0xe9: {  	s5 =	simm.s32 $0x18440;
	v4 =	vcvt.f32.s32 v4;
	v5 =	vcvt.f32.s32 v5;
	v3 =	vadd.s32 v3, v6;
	v6 =	vld [tilespmem:s18+$0xFFFFFFD0]  }
0xea: {  	v19 =	vld [tilespmem:s5+$0x30];
	v9 =	vtrunc.f32 v9;
	v10 =	vtrunc.f32 v10;
	v11 =	vadd.s32 v11, v12  }
0xeb: {  	v26 =	vld [tilespmem:s5+$0xFFFFFFC0];
	v4 =	vadd.s32 v4, v13;
	v13 =	vadd.s32 v5, v14;
	v12 =	vand.u32 $0xFFFF0000, v2  }
0xec: {  	v35 =	vld [tilespmem:s5+$0xFFFFFFD0];
	v2 =	vshll.u32 v2, $0x10;
	v21 =	vand.u32 $0xFFFF0000, v8;
	v8 =	vshll.u32 v8, $0x10  }
0xed: {  	v14 =	vld [tilespmem:s18+$0x10];
	v18 =	vadd.s32 v18, v11;
	v21 =	vsub.f32 v21, v12;
	v8 =	vsub.f32 v8, v2  }
0xee: {  	v7 =	vcvt.f32.s32 v7;
	v9 =	vcvt.f32.s32 v9;
	v6 =	vadd.s32 v6, v3;
	v3 =	vld.idx.msk [tilespmem:v3+s22+$0x0], $0xffff  }
0xef: {  	v5 =	vadd.s32 v1, v15;
	v15 =	vmul.f32 v21, v19;
	v8 =	vmul.f32 v8, v19;
	v19 =	vld [tilespmem:s18+$0x20]  }
0xf0: {  	v21 =	vadd.s32 v7, v5;
	v5 =	vadd.s32 v1, v16;
	v7 =	vld.idx.msk [tilespmem:v11+s22+$0x0], $0xffff;
	v11 =	vadd.s32 v20, v4  }
0xf1: {  	v10 =	vcvt.f32.s32 v10;
	v9 =	vadd.s32 v9, v5;
	v5 =	vadd.s32 v1, v17;
	v17 =	vld.idx.msk [tilespmem:v4+s22+$0x0], $0xffff  }
0xf2: {  	v12 =	vadd.f32 v12, v15;
	v2 =	vadd.f32 v2, v8;
	v8 =	vadd.s32 v22, v13;
	v15 =	vld.idx.msk [tilespmem:v18+s22+$0x0], $0xffff  }
0xf3: {  	v10 =	vadd.s32 v10, v5;
	v18 =	vld.idx.msk [tilespmem:v6+s22+$0x0], $0xffff  }
0xf4: {  	v16 =	vadd.s32 v23, v21;
	v13 =	vld.idx.msk [tilespmem:v13+s22+$0x0], $0xffff;
	v2 =	vsub.f32 v2, v12  }
0xf5: {  	v14 =	vadd.s32 v14, v9;
	v5 =	vand.u32 $0xFFFF0000, v3;
	v11 =	vld.idx.msk [tilespmem:v11+s22+$0x0], $0xffff  }
0xf6: {  	v4 =	vshll.u32 v3, $0x10;
	v19 =	vadd.s32 v19, v10;
	v2 =	vmul.f32 v2, v0;
	v9 =	vld.idx.msk [tilespmem:v9+s22+$0x0], $0xffff  }
0xf7: {  	v25 =	vand.u32 $0xFFFF0000, v7;
	v27 =	vshll.u32 v7, $0x10;
	v7 =	vand.u32 $0xFFFF0000, v17;
	v8 =	vld.idx.msk [tilespmem:v8+s22+$0x0], $0xffff  }
0xf8: {  	v6 =	vand.u32 $0xFFFF0000, v15;
	v3 =	vshll.u32 v15, $0x10;
	v23 =	vld.idx.msk [tilespmem:v10+s22+$0x0], $0xffff;
	v29 =	vadd.f32 v2, v12  }
0xf9: {  	v2 =	vld.idx.msk [tilespmem:v16+s22+$0x0], $0xffff;
	v15 =	vsub.f32 v6, v25;
	v6 =	vshll.u32 v17, $0x10;
	v16 =	vand.u32 $0xFFFF0000, v18  }
0xfa: {  	v12 =	vld.idx.msk [tilespmem:v14+s22+$0x0], $0xffff;
	v20 =	vsub.f32 v3, v27;
	v3 =	vshll.u32 v18, $0x10;
	v18 =	vsub.f32 v16, v5  }
0xfb: {  	v17 =	vld.idx.msk [tilespmem:v21+s22+$0x0], $0xffff;
	v21 =	vsub.f32 v3, v4;
	v3 =	vshll.u32 v13, $0x10;
	v16 =	vand.u32 $0xFFFF0000, v11  }
0xfc: {  	v11 =	vshll.u32 v11, $0x10;
	v15 =	vmul.f32 v15, v26;
	v40 =	vmul.f32 v20, v26  }
0xfd: {  	v37 =	vld [tilespmem:s5+$0xFFFFFFE0];
	v28 =	vsub.f32 v16, v7;
	v31 =	vsub.f32 v11, v6;
	v11 =	vshll.u32 v9, $0x10  }
0xfe: {  	v14 =	vld.idx.msk [tilespmem:v19+s22+$0x0], $0xffff;
	v26 =	vmul.f32 v21, v35;
	v19 =	vand.u32 $0xFFFF0000, v8;
	v22 =	vshll.u32 v8, $0x10  }
0xff: {  	v8 =	vand.u32 $0xFFFF0000, v13;
	v13 =	vand.u32 $0xFFFF0000, v23;
	v16 =	vand.u32 $0xFFFF0000, v2  }
0x100: {  	v2 =	vshll.u32 v2, $0x10;
	v30 =	vand.u32 $0xFFFF0000, v12;
	v32 =	vshll.u32 v12, $0x10  }
0x101: {  	v39 =	vld [tilespmem:s5+$0xFFFFFFF0];
	v36 =	vsub.f32 v19, v8;
	v12 =	vand.u32 $0xFFFF0000, v17;
	v10 =	vshll.u32 v17, $0x10  }
0x102: {  	v38 =	vsub.f32 v22, v3;
	v28 =	vmul.f32 v28, v37;
	v17 =	vsub.f32 v16, v12  }
0x103: {  	v20 =	vld [tilespmem:s5+$0x0];
	v33 =	vand.u32 $0xFFFF0000, v14;
	v34 =	vshll.u32 v14, $0x10;
	v14 =	vand.u32 $0xFFFF0000, v9  }
0x104: {  	v24 =	vsub.f32 v2, v10;
	v19 =	vsub.f32 v30, v14;
	v30 =	vmul.f32 v18, v35;
	v18 =	vld [tilespmem:s5+$0x10]  }
0x105: {  	s6 =	sadd.s32 $0x10040, s6;
	v21 =	vld [tilespmem:s5+$0x20];
	v2 =	vadd.f32 v25, v15;
	v25 =	vmul.f32 v31, v37;
	v15 =	vadd.f32 v27, v40  }
0x106: {  	[tilespmem:s6+$0x30] =	vst v29;
	v9 =	vshll.u32 v23, $0x10;
	v23 =	vsub.f32 v32, v11;
	v29 =	vmul.f32 v36, v39  }
0x107: {  	s8 =	simm.s32 $0x0;
	s9 =	sadd.s32 $0x400, s19;
	s7 =	smov.u32 s6;
	v27 =	vmul.f32 v38, v39;
	v16 =	vsub.f32 v33, v13;
	v22 =	vsub.f32 v34, v9  }
.LBB2_8:
0x108: {  	v31 =	vld [tilespmem:s9+$0x30];
	s8 =	sadd.s32 $0x8, s8;
	v5 =	vadd.f32 v5, v30;
	v17 =	vmul.f32 v17, v20;
	v20 =	vmul.f32 v24, v20  }
0x109: {  	v26 =	vadd.f32 v4, v26;
	v19 =	vmul.f32 v19, v18;
	v18 =	vmul.f32 v23, v18;
	v24 =	vld [tilespmem:s9+$0xFFFFFFD0];
	p0 =	slt.u32 s8, $0x18  }
0x10a: {  	v4 =	vadd.f32 v7, v28;
	v16 =	vmul.f32 v16, v21;
	v21 =	vmul.f32 v22, v21;
	v23 =	vld [tilespmem:s9+$0xFFFFFFE0]  }
0x10b: {  	v25 =	vadd.f32 v6, v25;
	s17 =	sadd.s32 $0x80, s17;
	v8 =	vadd.f32 v8, v29;
	v22 =	vld [tilespmem:s9+$0xFFFFFFF0]  }
0x10c: {  	v27 =	vadd.f32 v3, v27;
	v7 =	vadd.f32 v12, v17;
	v28 =	vld [tilespmem:s17+$0x30]  }
0x10d: {  	s18 =	sadd.s32 $0x80, s18;
	v10 =	vadd.f32 v10, v20;
	v6 =	vadd.f32 v14, v19;
	v12 =	vld [tilespmem:s9+$0x0];
	v17 =	vmul.f32 $2.550000000e+02, v31  }
0x10e: {  	v11 =	vadd.f32 v11, v18;
	v3 =	vadd.f32 v13, v16;
	v14 =	vmul.f32 $2.550000000e+02, v24;
	v19 =	vld [tilespmem:s18+$0x30]  }
0x10f: {  	v9 =	vadd.f32 v9, v21;
	v13 =	vmul.f32 $2.550000000e+02, v23;
	v16 =	vld [tilespmem:s9+$0x10];
	v17 =	vtrunc.f32 v17  }
0x110: {  	v15 =	vsub.f32 v15, v2;
	v18 =	vmul.f32 $2.550000000e+02, v22;
	v20 =	vld [tilespmem:s9+$0x20];
	v17 =	vcvt.f32.s32 v17  }
0x111: {  	v14 =	vtrunc.f32 v14;
	v21 =	vld [tilespmem:s9+$0xFFFFFFC0];
	v13 =	vtrunc.f32 v13;
	v22 =	vadd.s32 v1, v28  }
0x112: {  	v23 =	vld [tilespmem:s17+$0xFFFFFFC0];
	v18 =	vtrunc.f32 v18;
	v12 =	vmul.f32 $2.550000000e+02, v12;
	v17 =	vadd.s32 v17, v22  }
0x113: {  	v14 =	vcvt.f32.s32 v14;
	v13 =	vcvt.f32.s32 v13;
	v22 =	vld [tilespmem:s17+$0xFFFFFFD0];
	v19 =	vadd.s32 v19, v17  }
0x114: {  	v26 =	vsub.f32 v26, v5;
	v24 =	vld [tilespmem:s17+$0xFFFFFFE0];
	v12 =	vtrunc.f32 v12;
	v16 =	vmul.f32 $2.550000000e+02, v16  }
0x115: {  	v25 =	vsub.f32 v25, v4;
	v18 =	vcvt.f32.s32 v18;
	v28 =	vld [tilespmem:s17+$0xFFFFFFF0];
	v20 =	vmul.f32 $2.550000000e+02, v20  }
0x116: {  	v27 =	vsub.f32 v27, v8;
	v21 =	vmul.f32 $2.550000000e+02, v21;
	v29 =	vld [tilespmem:s17+$0x0];
	v16 =	vtrunc.f32 v16  }
0x117: {  	v12 =	vcvt.f32.s32 v12;
	v23 =	vadd.s32 v1, v23;
	v20 =	vtrunc.f32 v20;
	v17 =	vld.idx.msk [tilespmem:v17+s22+$0x0], $0xffff  }
0x118: {  	v16 =	vcvt.f32.s32 v16;
	v21 =	vtrunc.f32 v21;
	v22 =	vadd.s32 v1, v22;
	v19 =	vld.idx.msk [tilespmem:v19+s22+$0x0], $0xffff  }
0x119: {  	v20 =	vcvt.f32.s32 v20;
	v21 =	vcvt.f32.s32 v21;
	v24 =	vadd.s32 v1, v24;
	v30 =	vld [tilespmem:s17+$0x10]  }
0x11a: {  	v14 =	vadd.s32 v14, v22;
	v13 =	vadd.s32 v13, v24;
	v22 =	vadd.s32 v1, v28;
	v24 =	vld [tilespmem:s17+$0x20]  }
0x11b: {  	s5 =	sadd.s32 $0x80, s5;
	v28 =	vld [tilespmem:s18+$0xFFFFFFC0];
	v21 =	vadd.s32 v21, v23;
	v18 =	vadd.s32 v18, v22;
	v22 =	vadd.s32 v1, v29  }
0x11c: {  	v10 =	vsub.f32 v10, v7;
	v11 =	vsub.f32 v11, v6;
	v12 =	vadd.s32 v12, v22;
	v22 =	vld [tilespmem:s5+$0x30]  }
0x11d: {  	v15 =	vmul.f32 v15, v0;
	v9 =	vsub.f32 v9, v3;
	v29 =	vand.u32 $0xFFFF0000, v17;
	v23 =	vld [tilespmem:s18+$0xFFFFFFD0]  }
0x11e: {  	v17 =	vshll.u32 v17, $0x10;
	v32 =	vand.u32 $0xFFFF0000, v19;
	v19 =	vshll.u32 v19, $0x10;
	v31 =	vld [tilespmem:s18+$0xFFFFFFE0]  }
0x11f: {  	v30 =	vadd.s32 v1, v30;
	v32 =	vsub.f32 v32, v29;
	v19 =	vsub.f32 v19, v17;
	v33 =	vld [tilespmem:s18+$0xFFFFFFF0]  }
0x120: {  	v16 =	vadd.s32 v16, v30;
	v24 =	vadd.s32 v1, v24;
	v28 =	vadd.s32 v28, v21;
	v34 =	vld [tilespmem:s18+$0x0]  }
0x121: {  	v20 =	vadd.s32 v20, v24;
	v30 =	vld [tilespmem:s18+$0x10];
	v24 =	vmul.f32 v32, v22;
	v19 =	vmul.f32 v19, v22  }
0x122: {  	v26 =	vmul.f32 v26, v0;
	v25 =	vmul.f32 v25, v0;
	v22 =	vadd.s32 v23, v14;
	v23 =	vld [tilespmem:s18+$0x20]  }
0x123: {  	v21 =	vld.idx.msk [tilespmem:v21+s22+$0x0], $0xffff;
	v31 =	vadd.s32 v31, v13;
	v24 =	vadd.f32 v29, v24;
	v17 =	vadd.f32 v17, v19  }
0x124: {  	v27 =	vmul.f32 v27, v0;
	v10 =	vmul.f32 v10, v0;
	v14 =	vld.idx.msk [tilespmem:v14+s22+$0x0], $0xffff;
	v19 =	vadd.s32 v33, v18  }
0x125: {  	v11 =	vmul.f32 v11, v0;
	v28 =	vld.idx.msk [tilespmem:v28+s22+$0x0], $0xffff;
	v29 =	vadd.s32 v34, v12;
	v17 =	vsub.f32 v17, v24  }
0x126: {  	v2 =	vadd.f32 v15, v2;
	v9 =	vmul.f32 v9, v0;
	v13 =	vld.idx.msk [tilespmem:v13+s22+$0x0], $0xffff;
	v30 =	vadd.s32 v30, v16  }
0x127: {  	v5 =	vadd.f32 v26, v5;
	v15 =	vld.idx.msk [tilespmem:v22+s22+$0x0], $0xffff;
	v22 =	vadd.s32 v23, v20;
	v17 =	vmul.f32 v17, v0  }
0x128: {  	v8 =	vadd.f32 v27, v8;
	v23 =	vld.idx.msk [tilespmem:v31+s22+$0x0], $0xffff;
	[tilespmem:s6+$0xFFFFFFC0] =	vst v2;
	v2 =	vadd.f32 v25, v4  }
0x129: {  	v25 =	vand.u32 $0xFFFF0000, v21;
	v27 =	vshll.u32 v21, $0x10;
	v19 =	vld.idx.msk [tilespmem:v19+s22+$0x0], $0xffff;
	v17 =	vadd.f32 v17, v24;
	[tilespmem:s6+$0xFFFFFFD0] =	vst v5  }
0x12a: {  	v5 =	vand.u32 $0xFFFF0000, v14;
	v4 =	vshll.u32 v14, $0x10;
	s6 =	sadd.s32 $0x400, s6;
	v14 =	vld.idx.msk [tilespmem:v29+s22+$0x0], $0xffff;
	[tilespmem:s7+$0xFFFFFFE0] =	vst v2;
	v2 =	vadd.f32 v10, v7  }
0x12b: {  	v11 =	vadd.f32 v11, v6;
	v7 =	vand.u32 $0xFFFF0000, v28;
	v10 =	vshll.u32 v28, $0x10;
	v21 =	vld.idx.msk [tilespmem:v30+s22+$0x0], $0xffff;
	[tilespmem:s6+$0x30] =	vst v17  }
0x12c: {  	v24 =	vsub.f32 v7, v25;
	v7 =	vand.u32 $0xFFFF0000, v13;
	v6 =	vshll.u32 v13, $0x10;
	v13 =	vld.idx.msk [tilespmem:v22+s22+$0x0], $0xffff;
	[tilespmem:s7+$0xFFFFFFF0] =	vst v8  }
0x12d: {  	v22 =	vsub.f32 v10, v27;
	v8 =	vand.u32 $0xFFFF0000, v15;
	v10 =	vshll.u32 v15, $0x10;
	v15 =	vld.idx.msk [tilespmem:v18+s22+$0x0], $0xffff;
	[tilespmem:s7+$0x0] =	vst v2  }
0x12e: {  	v2 =	vsub.f32 v8, v5;
	v8 =	vand.u32 $0xFFFF0000, v23;
	v17 =	vshll.u32 v23, $0x10;
	v18 =	vld.idx.msk [tilespmem:v12+s22+$0x0], $0xffff;
	[tilespmem:s7+$0x10] =	vst v11  }
0x12f: {  	v26 =	vsub.f32 v10, v4;
	v10 =	vand.u32 $0xFFFF0000, v19;
	v11 =	vshll.u32 v19, $0x10;
	v16 =	vld.idx.msk [tilespmem:v16+s22+$0x0], $0xffff  }
0x130: {  	v28 =	vsub.f32 v8, v7;
	v19 =	vand.u32 $0xFFFF0000, v14;
	v23 =	vshll.u32 v14, $0x10;
	v29 =	vld.idx.msk [tilespmem:v20+s22+$0x0], $0xffff  }
0x131: {  	v31 =	vsub.f32 v17, v6;
	v32 =	vand.u32 $0xFFFF0000, v21;
	v33 =	vshll.u32 v21, $0x10;
	v30 =	vld [tilespmem:s5+$0xFFFFFFC0]  }
0x132: {  	v9 =	vadd.f32 v9, v3;
	v35 =	vand.u32 $0xFFFF0000, v13;
	v36 =	vshll.u32 v13, $0x10;
	v34 =	vld [tilespmem:s5+$0xFFFFFFD0]  }
0x133: {  	v8 =	vand.u32 $0xFFFF0000, v15;
	v3 =	vshll.u32 v15, $0x10;
	v37 =	vld [tilespmem:s5+$0xFFFFFFE0]  }
0x134: {  	v39 =	vsub.f32 v10, v8;
	v12 =	vand.u32 $0xFFFF0000, v18;
	v10 =	vshll.u32 v18, $0x10;
	v38 =	vld [tilespmem:s5+$0xFFFFFFF0];
	[tilespmem:s7+$0x20] =	vst v9;
	s7 =	smov.u32 s6  }
0x135: {  	v40 =	vsub.f32 v11, v3;
	v14 =	vand.u32 $0xFFFF0000, v16;
	v11 =	vshll.u32 v16, $0x10;
	v20 =	vld [tilespmem:s5+$0x0]  }
0x136: {  	v17 =	vsub.f32 v19, v12;
	v13 =	vand.u32 $0xFFFF0000, v29;
	v9 =	vshll.u32 v29, $0x10;
	v18 =	vld [tilespmem:s5+$0x10]  }
.Ltmp2:
0x137: {  	v19 =	vsub.f32 v32, v14;
	v15 =	vmul.f32 v24, v30;
	v24 =	vsub.f32 v23, v10;
	v21 =	vld [tilespmem:s5+$0x20];
	(pc) =	sbr.rel @p0 .LBB2_8-.Ltmp2, $4  }
0x138: {  	v29 =	vmul.f32 v22, v30;
	v23 =	vsub.f32 v33, v11;
	v16 =	vsub.f32 v35, v13  }
0x139: {  	v22 =	vsub.f32 v36, v9;
	v30 =	vmul.f32 v2, v34;
	v26 =	vmul.f32 v26, v34  }
0x13a: {  	v2 =	vadd.f32 v25, v15;
	v28 =	vmul.f32 v28, v37;
	v25 =	vmul.f32 v31, v37  }
0x13b: {  	s9 =	sadd.s32 $0x400, s9;
	v15 =	vadd.f32 v27, v29;
	v29 =	vmul.f32 v39, v38;
	v27 =	vmul.f32 v40, v38  }
0x13c: {  	v1 =	vadd.f32 v5, v30;
	v50 =	vmul.f32 v17, v20;
	v4 =	vadd.f32 v4, v26  }
0x13d: {  	v51 =	vmul.f32 v24, v20;
	v7 =	vadd.f32 v7, v28;
	v6 =	vadd.f32 v6, v25  }
0x13e: {  	v19 =	vmul.f32 v19, v18;
	v8 =	vadd.f32 v8, v29;
	v3 =	vadd.f32 v3, v27  }
0x13f: {  	v52 =	vmul.f32 v23, v18;
	v15 =	vsub.f32 v15, v2;
	v5 =	vadd.f32 v12, v50  }
0x140: {  	v53 =	vmul.f32 v16, v21;
	v10 =	vadd.f32 v10, v51;
	v14 =	vadd.f32 v14, v19  }
0x141: {  	v54 =	vmul.f32 v22, v21;
	v11 =	vadd.f32 v11, v52;
	v4 =	vsub.f32 v4, v1  }
0x142: {  	v12 =	vadd.f32 v13, v53;
	v6 =	vsub.f32 v6, v7;
	v55 =	vmul.f32 v15, v0  }
0x143: {  	v9 =	vadd.f32 v9, v54;
	v3 =	vsub.f32 v3, v8;
	v4 =	vmul.f32 v4, v0  }
0x144: {  	v10 =	vsub.f32 v10, v5;
	v6 =	vmul.f32 v6, v0;
	v56 =	vadd.f32 v55, v2  }
0x145: {  	v11 =	vsub.f32 v11, v14;
	v3 =	vmul.f32 v3, v0;
	v1 =	vadd.f32 v4, v1  }
0x146: {  	s16 =	sadd.s32 $0x1, s16;
	v57 =	vsub.f32 v9, v12;
	v58 =	vmul.f32 v10, v0;
	v59 =	vadd.f32 v6, v7;
	[tilespmem:s6+$0xFFFFFFC0] =	vst v56  }
0x147: {  	p0 =	sne.s32 s16, $0x20;
	v60 =	vmul.f32 v11, v0;
	v3 =	vadd.f32 v3, v8;
	[tilespmem:s6+$0xFFFFFFD0] =	vst v1  }
.Ltmp3:
0x148: {  	v61 =	vmul.f32 v57, v0;
	[tilespmem:s7+$0xFFFFFFE0] =	vst v59;
	v62 =	vadd.f32 v58, v5;
	(pc) =	sbr.rel @p0 .LBB2_7-.Ltmp3, $4  }
0x149: {  	v63 =	vadd.f32 v60, v14;
	[tilespmem:s7+$0xFFFFFFF0] =	vst v3  }
0x14a: {  	v0 =	vadd.f32 v61, v12;
	[tilespmem:s7+$0x0] =	vst v62  }
0x14b: {  	[tilespmem:s7+$0x10] =	vst v63  }
0x14c: {  	s14 =	sadd.s32 $0x200, s14;
	s1 =	sadd.s32 $0x1, s1;
	[tilespmem:s7+$0x20] =	vst v0  }
0x14d: {  	s30 =	sadd.s32 $0x1, s30  }
0x14e: {  	p0 =	sne.s32 s30, $0xC  }
.Ltmp4:
0x14f: {  	_ = 	snop;
	(pc) =	sbr.rel @p0 .LBB2_2-.Ltmp4, $4  }
0x150: {  	s1 =	sshll.u32 s31, $0xF  }
0x151: {  	s0 =	sshll.u32 s0, $0x6;
	s1 =	sadd.s32 s2, s1  }
0x152: {  	s0 =	sadd.s32 s0, s1  }
0x153: {  	[hbm4b:s0+s3] =	stream.linear.scatter [tilespmem:s25], [sflag:$0x5], $0x4000, $0x38;
	[tilespmem:$0x18600] =	vst v63  }
0x154: {  	s29 =	sadd.s32 $0x1, s29  }
0x155: {  	_ =	swait.ge [sflag:s26], $0x4000;
	p0 =	sne.s32 s29, s13  }
.Ltmp5:
0x156: {  	[sflag:s26] =	ssyncset.done $0x0;
	(pc) =	sbr.rel @p0 .LBB2_1-.Ltmp5, $4  }
0x157: {  	[sflag:s26] =	ssyncadd.s32 $0xFFFFC000  }
0x158: {  	_ =	swait.ge [sflag:s28], $0x4000  }
0x159: {  	[sflag:s28] =	ssyncset.done $0x0  }
0x15a: {  	[sflag:s28] =	ssyncadd.s32 $0xFFFFC000  }
0x15b: {  	_ =	sfence.sel $0x180000  }
0x15c: {  	[bflag:$0x0] =	sbarrier.arrive $0xFFFF  }
0x15d: {  	_ =	strace $0x9000004A  }
0x15e: {  	s0 =	stileid.u32;
	[bflag:$0x2] =	sbarrier.arrive $0xFFFF  }
0x15f: {  	p0 =	sne.s32 s0, $0x0;
	s0 =	rddreg [dreg:$0x3]  }
0x160: {  	s0 =	sadd.s32 @!p0 $0x100000, s0  }
0x161: {  	[sflag:s0] =	ssyncadd.tile.s32 @!p0 $0x1;
	_ =	shalt  }
.Lfunc_end2:
_tile_overlayer_lowered:
.L_overlay_start_2:
0x162: {  	(tag) =	ssettag $0x2  }
0x163: {  	s0 =	rddreg [dreg:$0x0];
	s2 =	stileid.u32  }
0x164: {  	s1 =	rddreg [dreg:$0x1];
	p0 =	sne.s32 s2, $0x0  }
0x165: {  	s3 =	rddreg [dreg:$0x2];
	[bflag:$0x3] =	sbarrier.arrive $0xFFFF;
	s2 =	simm.s32 @!p0 $0x1C06  }
0x166: {  	[timem:s3], [sflag:s2] =	dma.local @!p0 [hbm:s0], s1  }
0x167: {  	s0 =	simm.s32 @!p0 $0x6  }
0x168: {  	_ =	swait.ge @!p0 [sflag:s0], s1  }
0x169: {  	s1 =	ssub.s32 @!p0 $0x0, s1;
	[sflag:s0] =	ssyncset.done @!p0 $0x0  }
0x16a: {  	[sflag:s0] =	ssyncadd.s32 @!p0 s1  }
0x16b: {  	[bflag:$0x3] =	sbarrier.arrive $0xFFFF  }
0x16c: {  	_ =	shalt  }

</sc_bundles>
